<compile_context>
chip_gen: v7x
topology: tpu7x:2x2x1
jax: 0.10.2.dev20260603
libtpu: 0.0.44.dev20260713+nightly
codegen_flags: <defaults>
</compile_context>

<pallas_src>
import functools

import jax
import jax.numpy as jnp
from jax import lax
from jax.experimental import pallas as pl
from jax.experimental.pallas import tpu as pltpu
from jax.experimental.pallas import tpu_sc as plsc

N = 10000
E = 320000
NPAD = 10112
DUMMY_DST = 10050
KE = 128
EP = 327680
NSUB = 16
NCORE = 2
NT = NCORE * NSUB
RPT = NPAD // NSUB
NCH1 = EP // (NSUB * KE)
NCH2 = EP // (NT * KE)
BLK = 16
NBUF = 2
TROWS1 = 2 * N + (NPAD - N)
TROWS2 = N + NPAD // NSUB + 8


def _mesh():
    return plsc.VectorSubcoreMesh(core_axis_name="c", subcore_axis_name="s")



@functools.partial(
    pl.kernel,
    out_type=jax.ShapeDtypeStruct((NCORE * NPAD, 128), jnp.float32),
    mesh=_mesh(),
    scratch_types=[
        pltpu.VMEM((NCH2, 2, KE), jnp.int32),
        pltpu.VMEM((KE, 128), jnp.float32),
        pltpu.VMEM_SHARED((NPAD, 128), jnp.float32),
        pltpu.SemaphoreType.DMA,
    ],
)
def _deg_kernel(idx_hbm, out_hbm, idx_v, rows_v, acc, sem):
    c = lax.axis_index("c")
    s = lax.axis_index("s")
    tid = c * NSUB + s
    pltpu.sync_copy(idx_hbm.at[tid], idx_v)

    def fill(i, val):
        for j in range(8):
            rows_v[i, pl.ds(16 * j, 16)] = jnp.full((16,), val, jnp.float32)
        return val

    lax.fori_loop(0, KE, fill, 0.0)
    for r in range(RPT // KE):
        pltpu.sync_copy(rows_v, acc.at[pl.ds(s * RPT + r * KE, KE)])
    rem = RPT % KE
    if rem:
        pltpu.sync_copy(rows_v.at[pl.ds(0, rem)],
                        acc.at[pl.ds(s * RPT + (RPT // KE) * KE, rem)])
    lax.fori_loop(0, KE, fill, 1.0)
    plsc.subcore_barrier()

    def body(i, carry):
        pltpu.async_copy(rows_v, acc.at[idx_v.at[i, 1]], sem, add=True)
        return carry

    lax.fori_loop(0, NCH2, body, 0)

    def drain(i, carry):
        pltpu.make_async_copy(out_hbm.at[pl.ds(0, KE)], rows_v, sem).wait()
        return carry

    lax.fori_loop(0, NCH2, drain, 0)
    plsc.subcore_barrier()
    obase = pl.multiple_of(c * NPAD + s * RPT, 8)
    pltpu.sync_copy(acc.at[pl.ds(s * RPT, RPT)], out_hbm.at[pl.ds(obase, RPT)])



def _make_scatter(nch, half):

    @functools.partial(
        pl.kernel,
        out_type=jax.ShapeDtypeStruct((NCORE * NPAD, 128), jnp.float32),
        mesh=_mesh(),
        scratch_types=[
            pltpu.VMEM((BLK, 2, KE), jnp.int32),
            pltpu.VMEM((KE, 128), jnp.float32),
            pltpu.VMEM((KE, 128), jnp.float32),
            pltpu.VMEM_SHARED((NPAD, 128), jnp.float32),
            pltpu.SemaphoreType.DMA,
            pltpu.SemaphoreType.DMA,
        ],
    )
    def _scatter(table_hbm, idx_hbm, out_hbm, idx_v, r0, r1, acc, sem0, sem1):
        rows = (r0, r1)
        sems = (sem0, sem1)
        c = lax.axis_index("c")
        s = lax.axis_index("s")
        tid = c * NSUB + s
        if half is None:
            tbase = pl.multiple_of((1 - c) * (s * RPT) + c * N, 8)
        else:
            tbase = pl.multiple_of(c * half + s * RPT, 8)
        pltpu.sync_copy(table_hbm.at[pl.ds(tbase, RPT)],
                        acc.at[pl.ds(s * RPT, RPT)])
        plsc.subcore_barrier()

        def body(blk, carry):
            pltpu.sync_copy(idx_hbm.at[tid, pl.ds(blk * BLK, BLK)], idx_v)
            for b in range(NBUF):
                pltpu.async_copy(table_hbm.at[idx_v.at[b, 0]], rows[b], sems[b])
            for j in range(BLK):
                b = j % NBUF
                pltpu.make_async_copy(table_hbm.at[pl.ds(0, KE)], rows[b],
                                      sems[b]).wait()
                pltpu.sync_copy(rows[b], acc.at[idx_v.at[j, 1]], add=True)
                if j + NBUF < BLK:
                    pltpu.async_copy(table_hbm.at[idx_v.at[j + NBUF, 0]],
                                     rows[b], sems[b])
            return carry

        lax.fori_loop(0, nch // BLK, body, 0)
        plsc.subcore_barrier()
        obase = pl.multiple_of(c * NPAD + s * RPT, 8)
        pltpu.sync_copy(acc.at[pl.ds(s * RPT, RPT)],
                        out_hbm.at[pl.ds(obase, RPT)])

    return _scatter


_scatter_l1 = _make_scatter(NCH1, N)
_scatter_l2 = _make_scatter(NCH2, NPAD)



def _mm(a, w, bm=1000):
    m, k = a.shape
    _, n = w.shape

    def body(a_ref, w_ref, o_ref):
        o_ref[...] = jnp.dot(a_ref[...], w_ref[...],
                             preferred_element_type=jnp.float32)

    return pl.pallas_call(
        body,
        grid=(m // bm,),
        in_specs=[pl.BlockSpec((bm, k), lambda i: (i, 0)),
                  pl.BlockSpec((k, n), lambda i: (0, 0))],
        out_specs=pl.BlockSpec((bm, n), lambda i: (i, 0)),
        out_shape=jax.ShapeDtypeStruct((m, n), jnp.float32),
    )(a, w)



def kernel(x, edge_index, W1, b1, W2, b2):
    src = edge_index[0].astype(jnp.int32)
    dst = edge_index[1].astype(jnp.int32)
    npad_e = EP - E
    src1 = jnp.concatenate([src, jnp.full((npad_e,), 2 * N, jnp.int32)])
    srcs1 = jnp.concatenate([src1, src1 + N]).reshape(NT, NCH1, KE)
    srcs2 = jnp.concatenate(
        [src, jnp.full((npad_e,), N, jnp.int32)]).reshape(NT, NCH2, KE)
    dstp = jnp.concatenate([dst, jnp.full((npad_e,), DUMMY_DST, jnp.int32)])
    dst1 = jnp.concatenate([dstp, dstp]).reshape(NT, NCH1, KE)
    dst2 = dstp.reshape(NT, NCH2, KE)
    idx1 = jnp.stack([srcs1, dst1], axis=2)
    idx2 = jnp.stack([srcs2, dst2], axis=2)

    degp = _deg_kernel(idx2)
    deg = degp[:N, 0] + degp[NPAD:NPAD + N, 0] + 1.0
    dinv = lax.rsqrt(deg)

    t1 = _mm(x, W1) * dinv[:, None]
    table1 = jnp.concatenate(
        [t1[:, :128], t1[:, 128:], jnp.zeros((TROWS1 - 2 * N, 128), jnp.float32)],
        axis=0)
    s1 = _scatter_l1(table1, idx1)
    s1f = jnp.concatenate([s1[:N], s1[NPAD:NPAD + N]], axis=1)
    a1 = jax.nn.relu(s1f * dinv[:, None] + b1)

    t2 = _mm(a1, W2) * dinv[:, None]
    table2 = jnp.concatenate(
        [t2, jnp.zeros((TROWS2 - N, 128), jnp.float32)], axis=0)
    s2 = _scatter_l2(table2, idx2)
    s2f = s2[:N] + s2[NPAD:NPAD + N]
    return jax.nn.relu(s2f * dinv[:, None] + b2)

# --- scband reference (transcript-rebuilt; emitter-appended) ---
"""Pipeline reference for scband-gcn-17386027614490 (READ-ONLY COPY).

The authoritative reference and input builder live on the scoring server;
editing this copy changes nothing except your own understanding.
"""

import jax, jax.numpy as jnp
import numpy as np

N_NODES = 10000
N_EDGES = 320000
D_IN = 128
HIDDEN = 128


def glorot(key, shape):
    limit = jnp.sqrt(6.0 / (shape[0] + shape[1]))
    return jax.random.uniform(key, shape, jnp.float32, -limit, limit)


def setup_inputs(seed: int = 0) -> dict:
    key = jax.random.key(seed)
    k1, k2, k3, k4 = jax.random.split(key, 4)
    x = jax.random.normal(k1, (N_NODES, D_IN), dtype=jnp.float32)
    edge_index = jax.random.randint(k2, (2, N_EDGES), 0, N_NODES, dtype=jnp.int64)
    # layer 1: input_dim -> hidden*2 ; layer 2: hidden*2 -> hidden
    W1 = glorot(k3, (D_IN, HIDDEN * 2))
    b1 = jnp.zeros((HIDDEN * 2,), dtype=jnp.float32)
    W2 = glorot(k4, (HIDDEN * 2, HIDDEN))
    b2 = jnp.zeros((HIDDEN,), dtype=jnp.float32)
    return {"x": x, "edge_index": edge_index, "W1": W1, "b1": b1, "W2": W2, "b2": b2}


def gcn_conv(x, edge_index, W, b, num_nodes):
    # GCNConv: add self-loops, symmetric deg normalization, linear transform, scatter-add
    loop = jnp.arange(num_nodes, dtype=edge_index.dtype)
    src = jnp.concatenate([edge_index[0], loop])
    dst = jnp.concatenate([edge_index[1], loop])
    ones = jnp.ones(src.shape[0], dtype=jnp.float32)
    deg = jnp.zeros((num_nodes,), dtype=jnp.float32).at[dst].add(ones)
    deg_inv_sqrt = jnp.where(deg > 0, jax.lax.rsqrt(jnp.maximum(deg, 1e-12)), 0.0)
    norm = deg_inv_sqrt[src] * deg_inv_sqrt[dst]
    h = x @ W
    msg = h[src] * norm[:, None]
    out = jnp.zeros((num_nodes, W.shape[1]), dtype=jnp.float32).at[dst].add(msg)
    return out + b


def reference(x, edge_index, W1, b1, W2, b2):
    h = jax.nn.relu(gcn_conv(x, edge_index, W1, b1, N_NODES))
    h = jax.nn.relu(gcn_conv(h, edge_index, W2, b2, N_NODES))
    return h

if __name__ == "__main__":
    import jax
    _d = setup_inputs()
    print(jax.jit(kernel)(*tuple(_d.values())))

</pallas_src>

<mosaic_0001>
#map = affine_map<(d0, d1) -> (0, 0, 0, 0)>
#map1 = affine_map<(d0, d1) -> (0, 0)>
module attributes {stable_mosaic.version = 14 : i64} {
  func.func @_deg_kernel(%arg0: i32, %arg1: i32, %arg2: memref<32x80x2x128xi32, #tpu.memory_space<hbm>>, %arg3: memref<20224x128xf32, #tpu.memory_space<hbm>>, %arg4: memref<80x2x128xi32, #tpu.memory_space<vmem>>, %arg5: memref<128x128xf32, #tpu.memory_space<vmem>>, %arg6: memref<10112x128xf32, #tpu.memory_space<vmem_shared>>, %arg7: memref<!tpu.dma_semaphore, #tpu.memory_space<semaphore_mem>>) attributes {dimension_semantics = [#tpu.dimension_semantics<core_parallel>, #tpu.dimension_semantics<subcore_parallel>], iteration_bounds = array<i64: 2, 16>, scalar_prefetch = 0 : i64, scratch_operands = 4 : i64, tpu.core_type = #tpu.core_type<sc_vector_subcore>, window_params = [{transform_indices = #map}, {transform_indices = #map1}]} {
    %mul3A = arith.constant 16 : i32
    %mul3A_0 = arith.muli %arg0, %mul3A : i32
    %add3A = arith.addi %mul3A_0, %arg1 : i32
    "tpu.region"() ({
      %run_scoped3A = tpu.sem_alloc : memref<!tpu.dma_semaphore, #tpu.memory_space<semaphore_mem>>
      %dma_start3A = arith.constant 0 : i32
      %dma_start3A_52 = arith.constant 0 : i32
      %dma_start3A_53 = arith.constant 0 : i32
      %dma_start3A_54 = tpu.memref_slice %arg2[%add3A, %dma_start3A, %dma_start3A_52, %dma_start3A_53] : memref<32x80x2x128xi32, #tpu.memory_space<hbm>> -> memref<1x80x2x128xi32, #tpu.memory_space<hbm>>
      %dma_start3A_55 = tpu.memref_squeeze %dma_start3A_54 : memref<1x80x2x128xi32, #tpu.memory_space<hbm>> -> memref<80x2x128xi32, #tpu.memory_space<hbm>>
      %dma_start3A_56 = arith.constant 0 : i32
      %dma_start3A_57 = arith.constant 0 : i32
      %dma_start3A_58 = arith.constant 0 : i32
      %dma_start3A_59 = tpu.memref_slice %arg2[%add3A, %dma_start3A_56, %dma_start3A_57, %dma_start3A_58] : memref<32x80x2x128xi32, #tpu.memory_space<hbm>> -> memref<1x80x2x128xi32, #tpu.memory_space<hbm>>
      %dma_start3A_60 = tpu.memref_squeeze %dma_start3A_59 : memref<1x80x2x128xi32, #tpu.memory_space<hbm>> -> memref<80x2x128xi32, #tpu.memory_space<hbm>>
      tpu.enqueue_dma source(%dma_start3A_60 : memref<80x2x128xi32, #tpu.memory_space<hbm>>) target(%arg4 : memref<80x2x128xi32, #tpu.memory_space<vmem>>) target_semaphore(%run_scoped3A : memref<!tpu.dma_semaphore, #tpu.memory_space<semaphore_mem>>)
      %dma_wait3A = arith.constant 0 : i32
      %dma_wait3A_61 = arith.constant 0 : i32
      %dma_wait3A_62 = arith.constant 0 : i32
      %dma_wait3A_63 = tpu.memref_slice %arg2[%add3A, %dma_wait3A, %dma_wait3A_61, %dma_wait3A_62] : memref<32x80x2x128xi32, #tpu.memory_space<hbm>> -> memref<1x80x2x128xi32, #tpu.memory_space<hbm>>
      %dma_wait3A_64 = tpu.memref_squeeze %dma_wait3A_63 : memref<1x80x2x128xi32, #tpu.memory_space<hbm>> -> memref<80x2x128xi32, #tpu.memory_space<hbm>>
      %dma_wait3A_65 = arith.constant 0 : i32
      %dma_wait3A_66 = arith.constant 0 : i32
      %dma_wait3A_67 = arith.constant 0 : i32
      %dma_wait3A_68 = tpu.memref_slice %arg2[%add3A, %dma_wait3A_65, %dma_wait3A_66, %dma_wait3A_67] : memref<32x80x2x128xi32, #tpu.memory_space<hbm>> -> memref<1x80x2x128xi32, #tpu.memory_space<hbm>>
      %dma_wait3A_69 = tpu.memref_squeeze %dma_wait3A_68 : memref<1x80x2x128xi32, #tpu.memory_space<hbm>> -> memref<80x2x128xi32, #tpu.memory_space<hbm>>
      tpu.wait_dma2 semaphore(%run_scoped3A : memref<!tpu.dma_semaphore, #tpu.memory_space<semaphore_mem>>) src(%dma_wait3A_69 : memref<80x2x128xi32, #tpu.memory_space<hbm>>) dst(%arg4 : memref<80x2x128xi32, #tpu.memory_space<vmem>>)
      tpu.yield
    }) : () -> ()
    %scan3A = arith.constant 0.000000e+00 : f32
    %scan3A_1 = arith.constant 0 : i32
    %scan3A_2 = arith.constant 128 : i32
    %scan3A_3 = arith.addi %scan3A_1, %scan3A_2 : i32
    %scan3A_4 = arith.constant 1 : i32
    scf.for %scan3A_52 = %scan3A_1 to %scan3A_3 step %scan3A_4  : i32 {
      %broadcast_in_dim3A = vector.broadcast %scan3A : f32 to vector<16xf32>
      %swap3A = arith.index_cast %scan3A_52 : i32 to index
      %swap3A_53 = arith.constant 0 : index
      %swap3A_54 = tpu.vector_load %arg5[%swap3A, %swap3A_53] {strides = array<i32>} : memref<128x128xf32, #tpu.memory_space<vmem>>, vector<1x16xf32>,
      %swap3A_55 = vector.shape_cast %swap3A_54 : vector<1x16xf32> to vector<16xf32>
      %swap3A_56 = vector.shape_cast %broadcast_in_dim3A : vector<16xf32> to vector<1x16xf32>
      tpu.vector_store %arg5[%swap3A, %swap3A_53], %swap3A_56 {strides = array<i32>} : memref<128x128xf32, #tpu.memory_space<vmem>>, vector<1x16xf32>,
      %broadcast_in_dim3A_57 = vector.broadcast %scan3A : f32 to vector<16xf32>
      %swap3A_58 = arith.index_cast %scan3A_52 : i32 to index
      %swap3A_59 = arith.constant 16 : index
      %swap3A_60 = tpu.vector_load %arg5[%swap3A_58, %swap3A_59] {strides = array<i32>} : memref<128x128xf32, #tpu.memory_space<vmem>>, vector<1x16xf32>,
      %swap3A_61 = vector.shape_cast %swap3A_60 : vector<1x16xf32> to vector<16xf32>
      %swap3A_62 = vector.shape_cast %broadcast_in_dim3A_57 : vector<16xf32> to vector<1x16xf32>
      tpu.vector_store %arg5[%swap3A_58, %swap3A_59], %swap3A_62 {strides = array<i32>} : memref<128x128xf32, #tpu.memory_space<vmem>>, vector<1x16xf32>,
      %broadcast_in_dim3A_63 = vector.broadcast %scan3A : f32 to vector<16xf32>
      %swap3A_64 = arith.index_cast %scan3A_52 : i32 to index
      %swap3A_65 = arith.constant 32 : index
      %swap3A_66 = tpu.vector_load %arg5[%swap3A_64, %swap3A_65] {strides = array<i32>} : memref<128x128xf32, #tpu.memory_space<vmem>>, vector<1x16xf32>,
      %swap3A_67 = vector.shape_cast %swap3A_66 : vector<1x16xf32> to vector<16xf32>
      %swap3A_68 = vector.shape_cast %broadcast_in_dim3A_63 : vector<16xf32> to vector<1x16xf32>
      tpu.vector_store %arg5[%swap3A_64, %swap3A_65], %swap3A_68 {strides = array<i32>} : memref<128x128xf32, #tpu.memory_space<vmem>>, vector<1x16xf32>,
      %broadcast_in_dim3A_69 = vector.broadcast %scan3A : f32 to vector<16xf32>
      %swap3A_70 = arith.index_cast %scan3A_52 : i32 to index
      %swap3A_71 = arith.constant 48 : index
      %swap3A_72 = tpu.vector_load %arg5[%swap3A_70, %swap3A_71] {strides = array<i32>} : memref<128x128xf32, #tpu.memory_space<vmem>>, vector<1x16xf32>,
      %swap3A_73 = vector.shape_cast %swap3A_72 : vector<1x16xf32> to vector<16xf32>
      %swap3A_74 = vector.shape_cast %broadcast_in_dim3A_69 : vector<16xf32> to vector<1x16xf32>
      tpu.vector_store %arg5[%swap3A_70, %swap3A_71], %swap3A_74 {strides = array<i32>} : memref<128x128xf32, #tpu.memory_space<vmem>>, vector<1x16xf32>,
      %broadcast_in_dim3A_75 = vector.broadcast %scan3A : f32 to vector<16xf32>
      %swap3A_76 = arith.index_cast %scan3A_52 : i32 to index
      %swap3A_77 = arith.constant 64 : index
      %swap3A_78 = tpu.vector_load %arg5[%swap3A_76, %swap3A_77] {strides = array<i32>} : memref<128x128xf32, #tpu.memory_space<vmem>>, vector<1x16xf32>,
      %swap3A_79 = vector.shape_cast %swap3A_78 : vector<1x16xf32> to vector<16xf32>
      %swap3A_80 = vector.shape_cast %broadcast_in_dim3A_75 : vector<16xf32> to vector<1x16xf32>
      tpu.vector_store %arg5[%swap3A_76, %swap3A_77], %swap3A_80 {strides = array<i32>} : memref<128x128xf32, #tpu.memory_space<vmem>>, vector<1x16xf32>,
      %broadcast_in_dim3A_81 = vector.broadcast %scan3A : f32 to vector<16xf32>
      %swap3A_82 = arith.index_cast %scan3A_52 : i32 to index
      %swap3A_83 = arith.constant 80 : index
      %swap3A_84 = tpu.vector_load %arg5[%swap3A_82, %swap3A_83] {strides = array<i32>} : memref<128x128xf32, #tpu.memory_space<vmem>>, vector<1x16xf32>,
      %swap3A_85 = vector.shape_cast %swap3A_84 : vector<1x16xf32> to vector<16xf32>
      %swap3A_86 = vector.shape_cast %broadcast_in_dim3A_81 : vector<16xf32> to vector<1x16xf32>
      tpu.vector_store %arg5[%swap3A_82, %swap3A_83], %swap3A_86 {strides = array<i32>} : memref<128x128xf32, #tpu.memory_space<vmem>>, vector<1x16xf32>,
      %broadcast_in_dim3A_87 = vector.broadcast %scan3A : f32 to vector<16xf32>
      %swap3A_88 = arith.index_cast %scan3A_52 : i32 to index
      %swap3A_89 = arith.constant 96 : index
      %swap3A_90 = tpu.vector_load %arg5[%swap3A_88, %swap3A_89] {strides = array<i32>} : memref<128x128xf32, #tpu.memory_space<vmem>>, vector<1x16xf32>,
      %swap3A_91 = vector.shape_cast %swap3A_90 : vector<1x16xf32> to vector<16xf32>
      %swap3A_92 = vector.shape_cast %broadcast_in_dim3A_87 : vector<16xf32> to vector<1x16xf32>
      tpu.vector_store %arg5[%swap3A_88, %swap3A_89], %swap3A_92 {strides = array<i32>} : memref<128x128xf32, #tpu.memory_space<vmem>>, vector<1x16xf32>,
      %broadcast_in_dim3A_93 = vector.broadcast %scan3A : f32 to vector<16xf32>
      %swap3A_94 = arith.index_cast %scan3A_52 : i32 to index
      %swap3A_95 = arith.constant 112 : index
      %swap3A_96 = tpu.vector_load %arg5[%swap3A_94, %swap3A_95] {strides = array<i32>} : memref<128x128xf32, #tpu.memory_space<vmem>>, vector<1x16xf32>,
      %swap3A_97 = vector.shape_cast %swap3A_96 : vector<1x16xf32> to vector<16xf32>
      %swap3A_98 = vector.shape_cast %broadcast_in_dim3A_93 : vector<16xf32> to vector<1x16xf32>
      tpu.vector_store %arg5[%swap3A_94, %swap3A_95], %swap3A_98 {strides = array<i32>} : memref<128x128xf32, #tpu.memory_space<vmem>>, vector<1x16xf32>,
    }
    %scan3A_5 = arith.constant 128 : i32
    %mul3A_6 = arith.constant 632 : i32
    %mul3A_7 = arith.muli %arg1, %mul3A_6 : i32
    %add3A_8 = arith.constant 0 : i32
    %add3A_9 = arith.addi %mul3A_7, %add3A_8 : i32
    "tpu.region"() ({
      %run_scoped3A = tpu.sem_alloc : memref<!tpu.dma_semaphore, #tpu.memory_space<semaphore_mem>>
      %dma_start3A = arith.constant 0 : i32
      %dma_start3A_52 = tpu.memref_slice %arg6[%add3A_9, %dma_start3A] : memref<10112x128xf32, #tpu.memory_space<vmem_shared>> -> memref<128x128xf32, #tpu.memory_space<vmem_shared>>
      %dma_start3A_53 = arith.constant 0 : i32
      %dma_start3A_54 = tpu.memref_slice %arg6[%add3A_9, %dma_start3A_53] : memref<10112x128xf32, #tpu.memory_space<vmem_shared>> -> memref<128x128xf32, #tpu.memory_space<vmem_shared>>
      tpu.enqueue_dma source(%arg5 : memref<128x128xf32, #tpu.memory_space<vmem>>) target(%dma_start3A_54 : memref<128x128xf32, #tpu.memory_space<vmem_shared>>) target_semaphore(%run_scoped3A : memref<!tpu.dma_semaphore, #tpu.memory_space<semaphore_mem>>)
      %dma_wait3A = arith.constant 0 : i32
      %dma_wait3A_55 = tpu.memref_slice %arg6[%add3A_9, %dma_wait3A] : memref<10112x128xf32, #tpu.memory_space<vmem_shared>> -> memref<128x128xf32, #tpu.memory_space<vmem_shared>>
      %dma_wait3A_56 = arith.constant 0 : i32
      %dma_wait3A_57 = tpu.memref_slice %arg6[%add3A_9, %dma_wait3A_56] : memref<10112x128xf32, #tpu.memory_space<vmem_shared>> -> memref<128x128xf32, #tpu.memory_space<vmem_shared>>
      tpu.wait_dma2 semaphore(%run_scoped3A : memref<!tpu.dma_semaphore, #tpu.memory_space<semaphore_mem>>) src(%arg5 : memref<128x128xf32, #tpu.memory_space<vmem>>) dst(%dma_wait3A_57 : memref<128x128xf32, #tpu.memory_space<vmem_shared>>)
      tpu.yield
    }) : () -> ()
    %mul3A_10 = arith.constant 632 : i32
    %mul3A_11 = arith.muli %arg1, %mul3A_10 : i32
    %add3A_12 = arith.constant 128 : i32
    %add3A_13 = arith.addi %mul3A_11, %add3A_12 : i32
    "tpu.region"() ({
      %run_scoped3A = tpu.sem_alloc : memref<!tpu.dma_semaphore, #tpu.memory_space<semaphore_mem>>
      %dma_start3A = arith.constant 0 : i32
      %dma_start3A_52 = tpu.memref_slice %arg6[%add3A_13, %dma_start3A] : memref<10112x128xf32, #tpu.memory_space<vmem_shared>> -> memref<128x128xf32, #tpu.memory_space<vmem_shared>>
      %dma_start3A_53 = arith.constant 0 : i32
      %dma_start3A_54 = tpu.memref_slice %arg6[%add3A_13, %dma_start3A_53] : memref<10112x128xf32, #tpu.memory_space<vmem_shared>> -> memref<128x128xf32, #tpu.memory_space<vmem_shared>>
      tpu.enqueue_dma source(%arg5 : memref<128x128xf32, #tpu.memory_space<vmem>>) target(%dma_start3A_54 : memref<128x128xf32, #tpu.memory_space<vmem_shared>>) target_semaphore(%run_scoped3A : memref<!tpu.dma_semaphore, #tpu.memory_space<semaphore_mem>>)
      %dma_wait3A = arith.constant 0 : i32
      %dma_wait3A_55 = tpu.memref_slice %arg6[%add3A_13, %dma_wait3A] : memref<10112x128xf32, #tpu.memory_space<vmem_shared>> -> memref<128x128xf32, #tpu.memory_space<vmem_shared>>
      %dma_wait3A_56 = arith.constant 0 : i32
      %dma_wait3A_57 = tpu.memref_slice %arg6[%add3A_13, %dma_wait3A_56] : memref<10112x128xf32, #tpu.memory_space<vmem_shared>> -> memref<128x128xf32, #tpu.memory_space<vmem_shared>>
      tpu.wait_dma2 semaphore(%run_scoped3A : memref<!tpu.dma_semaphore, #tpu.memory_space<semaphore_mem>>) src(%arg5 : memref<128x128xf32, #tpu.memory_space<vmem>>) dst(%dma_wait3A_57 : memref<128x128xf32, #tpu.memory_space<vmem_shared>>)
      tpu.yield
    }) : () -> ()
    %mul3A_14 = arith.constant 632 : i32
    %mul3A_15 = arith.muli %arg1, %mul3A_14 : i32
    %add3A_16 = arith.constant 256 : i32
    %add3A_17 = arith.addi %mul3A_15, %add3A_16 : i32
    "tpu.region"() ({
      %run_scoped3A = tpu.sem_alloc : memref<!tpu.dma_semaphore, #tpu.memory_space<semaphore_mem>>
      %dma_start3A = arith.constant 0 : i32
      %dma_start3A_52 = tpu.memref_slice %arg6[%add3A_17, %dma_start3A] : memref<10112x128xf32, #tpu.memory_space<vmem_shared>> -> memref<128x128xf32, #tpu.memory_space<vmem_shared>>
      %dma_start3A_53 = arith.constant 0 : i32
      %dma_start3A_54 = tpu.memref_slice %arg6[%add3A_17, %dma_start3A_53] : memref<10112x128xf32, #tpu.memory_space<vmem_shared>> -> memref<128x128xf32, #tpu.memory_space<vmem_shared>>
      tpu.enqueue_dma source(%arg5 : memref<128x128xf32, #tpu.memory_space<vmem>>) target(%dma_start3A_54 : memref<128x128xf32, #tpu.memory_space<vmem_shared>>) target_semaphore(%run_scoped3A : memref<!tpu.dma_semaphore, #tpu.memory_space<semaphore_mem>>)
      %dma_wait3A = arith.constant 0 : i32
      %dma_wait3A_55 = tpu.memref_slice %arg6[%add3A_17, %dma_wait3A] : memref<10112x128xf32, #tpu.memory_space<vmem_shared>> -> memref<128x128xf32, #tpu.memory_space<vmem_shared>>
      %dma_wait3A_56 = arith.constant 0 : i32
      %dma_wait3A_57 = tpu.memref_slice %arg6[%add3A_17, %dma_wait3A_56] : memref<10112x128xf32, #tpu.memory_space<vmem_shared>> -> memref<128x128xf32, #tpu.memory_space<vmem_shared>>
      tpu.wait_dma2 semaphore(%run_scoped3A : memref<!tpu.dma_semaphore, #tpu.memory_space<semaphore_mem>>) src(%arg5 : memref<128x128xf32, #tpu.memory_space<vmem>>) dst(%dma_wait3A_57 : memref<128x128xf32, #tpu.memory_space<vmem_shared>>)
      tpu.yield
    }) : () -> ()
    %mul3A_18 = arith.constant 632 : i32
    %mul3A_19 = arith.muli %arg1, %mul3A_18 : i32
    %add3A_20 = arith.constant 384 : i32
    %add3A_21 = arith.addi %mul3A_19, %add3A_20 : i32
    "tpu.region"() ({
      %run_scoped3A = tpu.sem_alloc : memref<!tpu.dma_semaphore, #tpu.memory_space<semaphore_mem>>
      %dma_start3A = arith.constant 0 : i32
      %dma_start3A_52 = tpu.memref_slice %arg6[%add3A_21, %dma_start3A] : memref<10112x128xf32, #tpu.memory_space<vmem_shared>> -> memref<128x128xf32, #tpu.memory_space<vmem_shared>>
      %dma_start3A_53 = arith.constant 0 : i32
      %dma_start3A_54 = tpu.memref_slice %arg6[%add3A_21, %dma_start3A_53] : memref<10112x128xf32, #tpu.memory_space<vmem_shared>> -> memref<128x128xf32, #tpu.memory_space<vmem_shared>>
      tpu.enqueue_dma source(%arg5 : memref<128x128xf32, #tpu.memory_space<vmem>>) target(%dma_start3A_54 : memref<128x128xf32, #tpu.memory_space<vmem_shared>>) target_semaphore(%run_scoped3A : memref<!tpu.dma_semaphore, #tpu.memory_space<semaphore_mem>>)
      %dma_wait3A = arith.constant 0 : i32
      %dma_wait3A_55 = tpu.memref_slice %arg6[%add3A_21, %dma_wait3A] : memref<10112x128xf32, #tpu.memory_space<vmem_shared>> -> memref<128x128xf32, #tpu.memory_space<vmem_shared>>
      %dma_wait3A_56 = arith.constant 0 : i32
      %dma_wait3A_57 = tpu.memref_slice %arg6[%add3A_21, %dma_wait3A_56] : memref<10112x128xf32, #tpu.memory_space<vmem_shared>> -> memref<128x128xf32, #tpu.memory_space<vmem_shared>>
      tpu.wait_dma2 semaphore(%run_scoped3A : memref<!tpu.dma_semaphore, #tpu.memory_space<semaphore_mem>>) src(%arg5 : memref<128x128xf32, #tpu.memory_space<vmem>>) dst(%dma_wait3A_57 : memref<128x128xf32, #tpu.memory_space<vmem_shared>>)
      tpu.yield
    }) : () -> ()
    %mul3A_22 = arith.constant 632 : i32
    %mul3A_23 = arith.muli %arg1, %mul3A_22 : i32
    %add3A_24 = arith.constant 512 : i32
    %add3A_25 = arith.addi %mul3A_23, %add3A_24 : i32
    "tpu.region"() ({
      %run_scoped3A = tpu.sem_alloc : memref<!tpu.dma_semaphore, #tpu.memory_space<semaphore_mem>>
      %dma_start3A = arith.constant 0 : i32
      %dma_start3A_52 = arith.constant 0 : i32
      %dma_start3A_53 = tpu.memref_slice %arg5[%dma_start3A, %dma_start3A_52] : memref<128x128xf32, #tpu.memory_space<vmem>> -> memref<120x128xf32, #tpu.memory_space<vmem>>
      %dma_start3A_54 = arith.constant 0 : i32
      %dma_start3A_55 = tpu.memref_slice %arg6[%add3A_25, %dma_start3A_54] : memref<10112x128xf32, #tpu.memory_space<vmem_shared>> -> memref<120x128xf32, #tpu.memory_space<vmem_shared>>
      %dma_start3A_56 = arith.constant 0 : i32
      %dma_start3A_57 = tpu.memref_slice %arg6[%add3A_25, %dma_start3A_56] : memref<10112x128xf32, #tpu.memory_space<vmem_shared>> -> memref<120x128xf32, #tpu.memory_space<vmem_shared>>
      %dma_start3A_58 = arith.constant 0 : i32
      %dma_start3A_59 = arith.constant 0 : i32
      %dma_start3A_60 = tpu.memref_slice %arg5[%dma_start3A_58, %dma_start3A_59] : memref<128x128xf32, #tpu.memory_space<vmem>> -> memref<120x128xf32, #tpu.memory_space<vmem>>
      tpu.enqueue_dma source(%dma_start3A_60 : memref<120x128xf32, #tpu.memory_space<vmem>>) target(%dma_start3A_57 : memref<120x128xf32, #tpu.memory_space<vmem_shared>>) target_semaphore(%run_scoped3A : memref<!tpu.dma_semaphore, #tpu.memory_space<semaphore_mem>>)
      %dma_wait3A = arith.constant 0 : i32
      %dma_wait3A_61 = arith.constant 0 : i32
      %dma_wait3A_62 = tpu.memref_slice %arg5[%dma_wait3A, %dma_wait3A_61] : memref<128x128xf32, #tpu.memory_space<vmem>> -> memref<120x128xf32, #tpu.memory_space<vmem>>
      %dma_wait3A_63 = arith.constant 0 : i32
      %dma_wait3A_64 = tpu.memref_slice %arg6[%add3A_25, %dma_wait3A_63] : memref<10112x128xf32, #tpu.memory_space<vmem_shared>> -> memref<120x128xf32, #tpu.memory_space<vmem_shared>>
      %dma_wait3A_65 = arith.constant 0 : i32
      %dma_wait3A_66 = tpu.memref_slice %arg6[%add3A_25, %dma_wait3A_65] : memref<10112x128xf32, #tpu.memory_space<vmem_shared>> -> memref<120x128xf32, #tpu.memory_space<vmem_shared>>
      %dma_wait3A_67 = arith.constant 0 : i32
      %dma_wait3A_68 = arith.constant 0 : i32
      %dma_wait3A_69 = tpu.memref_slice %arg5[%dma_wait3A_67, %dma_wait3A_68] : memref<128x128xf32, #tpu.memory_space<vmem>> -> memref<120x128xf32, #tpu.memory_space<vmem>>
      tpu.wait_dma2 semaphore(%run_scoped3A : memref<!tpu.dma_semaphore, #tpu.memory_space<semaphore_mem>>) src(%dma_wait3A_69 : memref<120x128xf32, #tpu.memory_space<vmem>>) dst(%dma_wait3A_66 : memref<120x128xf32, #tpu.memory_space<vmem_shared>>)
      tpu.yield
    }) : () -> ()
    %scan3A_26 = arith.constant 1.000000e+00 : f32
    %scan3A_27 = arith.constant 0 : i32
    %scan3A_28 = arith.constant 128 : i32
    %scan3A_29 = arith.addi %scan3A_27, %scan3A_28 : i32
    %scan3A_30 = arith.constant 1 : i32
    scf.for %scan3A_52 = %scan3A_27 to %scan3A_29 step %scan3A_30  : i32 {
      %broadcast_in_dim3A = vector.broadcast %scan3A_26 : f32 to vector<16xf32>
      %swap3A = arith.index_cast %scan3A_52 : i32 to index
      %swap3A_53 = arith.constant 0 : index
      %swap3A_54 = tpu.vector_load %arg5[%swap3A, %swap3A_53] {strides = array<i32>} : memref<128x128xf32, #tpu.memory_space<vmem>>, vector<1x16xf32>,
      %swap3A_55 = vector.shape_cast %swap3A_54 : vector<1x16xf32> to vector<16xf32>
      %swap3A_56 = vector.shape_cast %broadcast_in_dim3A : vector<16xf32> to vector<1x16xf32>
      tpu.vector_store %arg5[%swap3A, %swap3A_53], %swap3A_56 {strides = array<i32>} : memref<128x128xf32, #tpu.memory_space<vmem>>, vector<1x16xf32>,
      %broadcast_in_dim3A_57 = vector.broadcast %scan3A_26 : f32 to vector<16xf32>
      %swap3A_58 = arith.index_cast %scan3A_52 : i32 to index
      %swap3A_59 = arith.constant 16 : index
      %swap3A_60 = tpu.vector_load %arg5[%swap3A_58, %swap3A_59] {strides = array<i32>} : memref<128x128xf32, #tpu.memory_space<vmem>>, vector<1x16xf32>,
      %swap3A_61 = vector.shape_cast %swap3A_60 : vector<1x16xf32> to vector<16xf32>
      %swap3A_62 = vector.shape_cast %broadcast_in_dim3A_57 : vector<16xf32> to vector<1x16xf32>
      tpu.vector_store %arg5[%swap3A_58, %swap3A_59], %swap3A_62 {strides = array<i32>} : memref<128x128xf32, #tpu.memory_space<vmem>>, vector<1x16xf32>,
      %broadcast_in_dim3A_63 = vector.broadcast %scan3A_26 : f32 to vector<16xf32>
      %swap3A_64 = arith.index_cast %scan3A_52 : i32 to index
      %swap3A_65 = arith.constant 32 : index
      %swap3A_66 = tpu.vector_load %arg5[%swap3A_64, %swap3A_65] {strides = array<i32>} : memref<128x128xf32, #tpu.memory_space<vmem>>, vector<1x16xf32>,
      %swap3A_67 = vector.shape_cast %swap3A_66 : vector<1x16xf32> to vector<16xf32>
      %swap3A_68 = vector.shape_cast %broadcast_in_dim3A_63 : vector<16xf32> to vector<1x16xf32>
      tpu.vector_store %arg5[%swap3A_64, %swap3A_65], %swap3A_68 {strides = array<i32>} : memref<128x128xf32, #tpu.memory_space<vmem>>, vector<1x16xf32>,
      %broadcast_in_dim3A_69 = vector.broadcast %scan3A_26 : f32 to vector<16xf32>
      %swap3A_70 = arith.index_cast %scan3A_52 : i32 to index
      %swap3A_71 = arith.constant 48 : index
      %swap3A_72 = tpu.vector_load %arg5[%swap3A_70, %swap3A_71] {strides = array<i32>} : memref<128x128xf32, #tpu.memory_space<vmem>>, vector<1x16xf32>,
      %swap3A_73 = vector.shape_cast %swap3A_72 : vector<1x16xf32> to vector<16xf32>
      %swap3A_74 = vector.shape_cast %broadcast_in_dim3A_69 : vector<16xf32> to vector<1x16xf32>
      tpu.vector_store %arg5[%swap3A_70, %swap3A_71], %swap3A_74 {strides = array<i32>} : memref<128x128xf32, #tpu.memory_space<vmem>>, vector<1x16xf32>,
      %broadcast_in_dim3A_75 = vector.broadcast %scan3A_26 : f32 to vector<16xf32>
      %swap3A_76 = arith.index_cast %scan3A_52 : i32 to index
      %swap3A_77 = arith.constant 64 : index
      %swap3A_78 = tpu.vector_load %arg5[%swap3A_76, %swap3A_77] {strides = array<i32>} : memref<128x128xf32, #tpu.memory_space<vmem>>, vector<1x16xf32>,
      %swap3A_79 = vector.shape_cast %swap3A_78 : vector<1x16xf32> to vector<16xf32>
      %swap3A_80 = vector.shape_cast %broadcast_in_dim3A_75 : vector<16xf32> to vector<1x16xf32>
      tpu.vector_store %arg5[%swap3A_76, %swap3A_77], %swap3A_80 {strides = array<i32>} : memref<128x128xf32, #tpu.memory_space<vmem>>, vector<1x16xf32>,
      %broadcast_in_dim3A_81 = vector.broadcast %scan3A_26 : f32 to vector<16xf32>
      %swap3A_82 = arith.index_cast %scan3A_52 : i32 to index
      %swap3A_83 = arith.constant 80 : index
      %swap3A_84 = tpu.vector_load %arg5[%swap3A_82, %swap3A_83] {strides = array<i32>} : memref<128x128xf32, #tpu.memory_space<vmem>>, vector<1x16xf32>,
      %swap3A_85 = vector.shape_cast %swap3A_84 : vector<1x16xf32> to vector<16xf32>
      %swap3A_86 = vector.shape_cast %broadcast_in_dim3A_81 : vector<16xf32> to vector<1x16xf32>
      tpu.vector_store %arg5[%swap3A_82, %swap3A_83], %swap3A_86 {strides = array<i32>} : memref<128x128xf32, #tpu.memory_space<vmem>>, vector<1x16xf32>,
      %broadcast_in_dim3A_87 = vector.broadcast %scan3A_26 : f32 to vector<16xf32>
      %swap3A_88 = arith.index_cast %scan3A_52 : i32 to index
      %swap3A_89 = arith.constant 96 : index
      %swap3A_90 = tpu.vector_load %arg5[%swap3A_88, %swap3A_89] {strides = array<i32>} : memref<128x128xf32, #tpu.memory_space<vmem>>, vector<1x16xf32>,
      %swap3A_91 = vector.shape_cast %swap3A_90 : vector<1x16xf32> to vector<16xf32>
      %swap3A_92 = vector.shape_cast %broadcast_in_dim3A_87 : vector<16xf32> to vector<1x16xf32>
      tpu.vector_store %arg5[%swap3A_88, %swap3A_89], %swap3A_92 {strides = array<i32>} : memref<128x128xf32, #tpu.memory_space<vmem>>, vector<1x16xf32>,
      %broadcast_in_dim3A_93 = vector.broadcast %scan3A_26 : f32 to vector<16xf32>
      %swap3A_94 = arith.index_cast %scan3A_52 : i32 to index
      %swap3A_95 = arith.constant 112 : index
      %swap3A_96 = tpu.vector_load %arg5[%swap3A_94, %swap3A_95] {strides = array<i32>} : memref<128x128xf32, #tpu.memory_space<vmem>>, vector<1x16xf32>,
      %swap3A_97 = vector.shape_cast %swap3A_96 : vector<1x16xf32> to vector<16xf32>
      %swap3A_98 = vector.shape_cast %broadcast_in_dim3A_93 : vector<16xf32> to vector<1x16xf32>
      tpu.vector_store %arg5[%swap3A_94, %swap3A_95], %swap3A_98 {strides = array<i32>} : memref<128x128xf32, #tpu.memory_space<vmem>>, vector<1x16xf32>,
    }
    %scan3A_31 = arith.constant 128 : i32
    %barrier3A = arith.constant 0 : index
    tpu.barrier barrier_id(%barrier3A)
    %scan3A_32 = arith.constant 0 : i32
    %scan3A_33 = arith.constant 0 : i32
    %scan3A_34 = arith.constant 80 : i32
    %scan3A_35 = arith.addi %scan3A_33, %scan3A_34 : i32
    %scan3A_36 = arith.constant 1 : i32
    scf.for %scan3A_52 = %scan3A_33 to %scan3A_35 step %scan3A_36  : i32 {
      %dma_start3A = arith.constant 1 : i32
      %dma_start3A_53 = arith.constant 0 : i32
      %dma_start3A_54 = tpu.memref_slice %arg4[%scan3A_52, %dma_start3A, %dma_start3A_53] : memref<80x2x128xi32, #tpu.memory_space<vmem>> -> memref<1x1x128xi32, #tpu.memory_space<vmem>>
      %dma_start3A_55 = tpu.memref_squeeze %dma_start3A_54 : memref<1x1x128xi32, #tpu.memory_space<vmem>> -> memref<128xi32, #tpu.memory_space<vmem>>
      %dma_start3A_56 = arith.constant 0 : i32
      %dma_start3A_57 = arith.constant 0 : i32
      %dma_start3A_58 = tpu.memref_slice %arg6[%dma_start3A_56, %dma_start3A_57] : memref<10112x128xf32, #tpu.memory_space<vmem_shared>> -> memref<10112x128xf32, #tpu.memory_space<vmem_shared>>
      tpu.enqueue_indirect_dma source(%arg5 : memref<128x128xf32, #tpu.memory_space<vmem>>) target(%dma_start3A_58 : memref<10112x128xf32, #tpu.memory_space<vmem_shared>>) offsets(%dma_start3A_55 : memref<128xi32, #tpu.memory_space<vmem>>) semaphore(%arg7 : memref<!tpu.dma_semaphore, #tpu.memory_space<semaphore_mem>>) {add = true}
    }
    %scan3A_37 = arith.constant 80 : i32
    %scan3A_38 = arith.constant 0 : i32
    %scan3A_39 = arith.constant 0 : i32
    %scan3A_40 = arith.constant 80 : i32
    %scan3A_41 = arith.addi %scan3A_39, %scan3A_40 : i32
    %scan3A_42 = arith.constant 1 : i32
    scf.for %scan3A_52 = %scan3A_39 to %scan3A_41 step %scan3A_42  : i32 {
      %dma_wait3A = arith.constant 0 : i32
      %dma_wait3A_53 = arith.constant 0 : i32
      %dma_wait3A_54 = tpu.memref_slice %arg3[%dma_wait3A, %dma_wait3A_53] : memref<20224x128xf32, #tpu.memory_space<hbm>> -> memref<128x128xf32, #tpu.memory_space<hbm>>
      %dma_wait3A_55 = arith.constant 0 : i32
      %dma_wait3A_56 = arith.constant 0 : i32
      %dma_wait3A_57 = tpu.memref_slice %arg3[%dma_wait3A_55, %dma_wait3A_56] : memref<20224x128xf32, #tpu.memory_space<hbm>> -> memref<128x128xf32, #tpu.memory_space<hbm>>
      tpu.wait_dma2 semaphore(%arg7 : memref<!tpu.dma_semaphore, #tpu.memory_space<semaphore_mem>>) src(%dma_wait3A_57 : memref<128x128xf32, #tpu.memory_space<hbm>>) dst(%arg5 : memref<128x128xf32, #tpu.memory_space<vmem>>)
    }
    %scan3A_43 = arith.constant 80 : i32
    %barrier3A_44 = arith.constant 0 : index
    tpu.barrier barrier_id(%barrier3A_44)
    %mul3A_45 = arith.constant 10112 : i32
    %mul3A_46 = arith.muli %arg0, %mul3A_45 : i32
    %mul3A_47 = arith.constant 632 : i32
    %mul3A_48 = arith.muli %arg1, %mul3A_47 : i32
    %add3A_49 = arith.addi %mul3A_46, %mul3A_48 : i32
    %multiple_of3A = tpu.assume_multiple %add3A_49, 8 : i32
    %mul3A_50 = arith.constant 632 : i32
    %mul3A_51 = arith.muli %arg1, %mul3A_50 : i32
    "tpu.region"() ({
      %run_scoped3A = tpu.sem_alloc : memref<!tpu.dma_semaphore, #tpu.memory_space<semaphore_mem>>
      %dma_start3A = arith.constant 0 : i32
      %dma_start3A_52 = tpu.memref_slice %arg3[%multiple_of3A, %dma_start3A] : memref<20224x128xf32, #tpu.memory_space<hbm>> -> memref<632x128xf32, #tpu.memory_space<hbm>>
      %dma_start3A_53 = arith.constant 0 : i32
      %dma_start3A_54 = tpu.memref_slice %arg6[%mul3A_51, %dma_start3A_53] : memref<10112x128xf32, #tpu.memory_space<vmem_shared>> -> memref<632x128xf32, #tpu.memory_space<vmem_shared>>
      tpu.enqueue_dma source(%dma_start3A_54 : memref<632x128xf32, #tpu.memory_space<vmem_shared>>) target(%dma_start3A_52 : memref<632x128xf32, #tpu.memory_space<hbm>>) target_semaphore(%run_scoped3A : memref<!tpu.dma_semaphore, #tpu.memory_space<semaphore_mem>>)
      %dma_wait3A = arith.constant 0 : i32
      %dma_wait3A_55 = tpu.memref_slice %arg3[%multiple_of3A, %dma_wait3A] : memref<20224x128xf32, #tpu.memory_space<hbm>> -> memref<632x128xf32, #tpu.memory_space<hbm>>
      %dma_wait3A_56 = arith.constant 0 : i32
      %dma_wait3A_57 = tpu.memref_slice %arg6[%mul3A_51, %dma_wait3A_56] : memref<10112x128xf32, #tpu.memory_space<vmem_shared>> -> memref<632x128xf32, #tpu.memory_space<vmem_shared>>
      tpu.wait_dma2 semaphore(%run_scoped3A : memref<!tpu.dma_semaphore, #tpu.memory_space<semaphore_mem>>) src(%dma_wait3A_57 : memref<632x128xf32, #tpu.memory_space<vmem_shared>>) dst(%dma_wait3A_55 : memref<632x128xf32, #tpu.memory_space<hbm>>)
      tpu.yield
    }) : () -> ()
    return
  }
}

#map = affine_map<(d0, d1) -> (0, 0)>
#map1 = affine_map<(d0, d1) -> (0, 0, 0, 0)>
module attributes {stable_mosaic.version = 14 : i64} {
  func.func @_scatter(%arg0: i32, %arg1: i32, %arg2: memref<20112x128xf32, #tpu.memory_space<hbm>>, %arg3: memref<32x160x2x128xi32, #tpu.memory_space<hbm>>, %arg4: memref<20224x128xf32, #tpu.memory_space<hbm>>, %arg5: memref<16x2x128xi32, #tpu.memory_space<vmem>>, %arg6: memref<128x128xf32, #tpu.memory_space<vmem>>, %arg7: memref<128x128xf32, #tpu.memory_space<vmem>>, %arg8: memref<10112x128xf32, #tpu.memory_space<vmem_shared>>, %arg9: memref<!tpu.dma_semaphore, #tpu.memory_space<semaphore_mem>>, %arg10: memref<!tpu.dma_semaphore, #tpu.memory_space<semaphore_mem>>) attributes {dimension_semantics = [#tpu.dimension_semantics<core_parallel>, #tpu.dimension_semantics<subcore_parallel>], iteration_bounds = array<i64: 2, 16>, scalar_prefetch = 0 : i64, scratch_operands = 6 : i64, tpu.core_type = #tpu.core_type<sc_vector_subcore>, window_params = [{transform_indices = #map}, {transform_indices = #map1}, {transform_indices = #map}]} {
    %mul3A = arith.constant 16 : i32
    %mul3A_0 = arith.muli %arg0, %mul3A : i32
    %add3A = arith.addi %mul3A_0, %arg1 : i32
    %mul3A_1 = arith.constant 10000 : i32
    %mul3A_2 = arith.muli %arg0, %mul3A_1 : i32
    %mul3A_3 = arith.constant 632 : i32
    %mul3A_4 = arith.muli %arg1, %mul3A_3 : i32
    %add3A_5 = arith.addi %mul3A_2, %mul3A_4 : i32
    %multiple_of3A = tpu.assume_multiple %add3A_5, 8 : i32
    %mul3A_6 = arith.constant 632 : i32
    %mul3A_7 = arith.muli %arg1, %mul3A_6 : i32
    "tpu.region"() ({
      %run_scoped3A = tpu.sem_alloc : memref<!tpu.dma_semaphore, #tpu.memory_space<semaphore_mem>>
      %dma_start3A = arith.constant 0 : i32
      %dma_start3A_22 = tpu.memref_slice %arg8[%mul3A_7, %dma_start3A] : memref<10112x128xf32, #tpu.memory_space<vmem_shared>> -> memref<632x128xf32, #tpu.memory_space<vmem_shared>>
      %dma_start3A_23 = arith.constant 0 : i32
      %dma_start3A_24 = tpu.memref_slice %arg2[%multiple_of3A, %dma_start3A_23] : memref<20112x128xf32, #tpu.memory_space<hbm>> -> memref<632x128xf32, #tpu.memory_space<hbm>>
      tpu.enqueue_dma source(%dma_start3A_24 : memref<632x128xf32, #tpu.memory_space<hbm>>) target(%dma_start3A_22 : memref<632x128xf32, #tpu.memory_space<vmem_shared>>) target_semaphore(%run_scoped3A : memref<!tpu.dma_semaphore, #tpu.memory_space<semaphore_mem>>)
      %dma_wait3A = arith.constant 0 : i32
      %dma_wait3A_25 = tpu.memref_slice %arg8[%mul3A_7, %dma_wait3A] : memref<10112x128xf32, #tpu.memory_space<vmem_shared>> -> memref<632x128xf32, #tpu.memory_space<vmem_shared>>
      %dma_wait3A_26 = arith.constant 0 : i32
      %dma_wait3A_27 = tpu.memref_slice %arg2[%multiple_of3A, %dma_wait3A_26] : memref<20112x128xf32, #tpu.memory_space<hbm>> -> memref<632x128xf32, #tpu.memory_space<hbm>>
      tpu.wait_dma2 semaphore(%run_scoped3A : memref<!tpu.dma_semaphore, #tpu.memory_space<semaphore_mem>>) src(%dma_wait3A_27 : memref<632x128xf32, #tpu.memory_space<hbm>>) dst(%dma_wait3A_25 : memref<632x128xf32, #tpu.memory_space<vmem_shared>>)
      tpu.yield
    }) : () -> ()
    %barrier3A = arith.constant 0 : index
    tpu.barrier barrier_id(%barrier3A)
    %scan3A = arith.constant 0 : i32
    %scan3A_8 = arith.constant 0 : i32
    %scan3A_9 = arith.constant 10 : i32
    %scan3A_10 = arith.addi %scan3A_8, %scan3A_9 : i32
    %scan3A_11 = arith.constant 1 : i32
    scf.for %scan3A_22 = %scan3A_8 to %scan3A_10 step %scan3A_11  : i32 {
      %mul3A_23 = arith.constant 16 : i32
      %mul3A_24 = arith.muli %scan3A_22, %mul3A_23 : i32
      "tpu.region"() ({
        %run_scoped3A_278 = tpu.sem_alloc : memref<!tpu.dma_semaphore, #tpu.memory_space<semaphore_mem>>
        %dma_start3A_279 = arith.constant 0 : i32
        %dma_start3A_280 = arith.constant 0 : i32
        %dma_start3A_281 = tpu.memref_slice %arg3[%add3A, %mul3A_24, %dma_start3A_279, %dma_start3A_280] : memref<32x160x2x128xi32, #tpu.memory_space<hbm>> -> memref<1x16x2x128xi32, #tpu.memory_space<hbm>>
        %dma_start3A_282 = tpu.memref_squeeze %dma_start3A_281 : memref<1x16x2x128xi32, #tpu.memory_space<hbm>> -> memref<16x2x128xi32, #tpu.memory_space<hbm>>
        %dma_start3A_283 = arith.constant 0 : i32
        %dma_start3A_284 = arith.constant 0 : i32
        %dma_start3A_285 = tpu.memref_slice %arg3[%add3A, %mul3A_24, %dma_start3A_283, %dma_start3A_284] : memref<32x160x2x128xi32, #tpu.memory_space<hbm>> -> memref<1x16x2x128xi32, #tpu.memory_space<hbm>>
        %dma_start3A_286 = tpu.memref_squeeze %dma_start3A_285 : memref<1x16x2x128xi32, #tpu.memory_space<hbm>> -> memref<16x2x128xi32, #tpu.memory_space<hbm>>
        tpu.enqueue_dma source(%dma_start3A_286 : memref<16x2x128xi32, #tpu.memory_space<hbm>>) target(%arg5 : memref<16x2x128xi32, #tpu.memory_space<vmem>>) target_semaphore(%run_scoped3A_278 : memref<!tpu.dma_semaphore, #tpu.memory_space<semaphore_mem>>)
        %dma_wait3A_287 = arith.constant 0 : i32
        %dma_wait3A_288 = arith.constant 0 : i32
        %dma_wait3A_289 = tpu.memref_slice %arg3[%add3A, %mul3A_24, %dma_wait3A_287, %dma_wait3A_288] : memref<32x160x2x128xi32, #tpu.memory_space<hbm>> -> memref<1x16x2x128xi32, #tpu.memory_space<hbm>>
        %dma_wait3A_290 = tpu.memref_squeeze %dma_wait3A_289 : memref<1x16x2x128xi32, #tpu.memory_space<hbm>> -> memref<16x2x128xi32, #tpu.memory_space<hbm>>
        %dma_wait3A_291 = arith.constant 0 : i32
        %dma_wait3A_292 = arith.constant 0 : i32
        %dma_wait3A_293 = tpu.memref_slice %arg3[%add3A, %mul3A_24, %dma_wait3A_291, %dma_wait3A_292] : memref<32x160x2x128xi32, #tpu.memory_space<hbm>> -> memref<1x16x2x128xi32, #tpu.memory_space<hbm>>
        %dma_wait3A_294 = tpu.memref_squeeze %dma_wait3A_293 : memref<1x16x2x128xi32, #tpu.memory_space<hbm>> -> memref<16x2x128xi32, #tpu.memory_space<hbm>>
        tpu.wait_dma2 semaphore(%run_scoped3A_278 : memref<!tpu.dma_semaphore, #tpu.memory_space<semaphore_mem>>) src(%dma_wait3A_294 : memref<16x2x128xi32, #tpu.memory_space<hbm>>) dst(%arg5 : memref<16x2x128xi32, #tpu.memory_space<vmem>>)
        tpu.yield
      }) : () -> ()
      %dma_start3A = arith.constant 0 : i32
      %dma_start3A_25 = arith.constant 0 : i32
      %dma_start3A_26 = arith.constant 0 : i32
      %dma_start3A_27 = tpu.memref_slice %arg5[%dma_start3A, %dma_start3A_25, %dma_start3A_26] : memref<16x2x128xi32, #tpu.memory_space<vmem>> -> memref<1x1x128xi32, #tpu.memory_space<vmem>>
      %dma_start3A_28 = tpu.memref_squeeze %dma_start3A_27 : memref<1x1x128xi32, #tpu.memory_space<vmem>> -> memref<128xi32, #tpu.memory_space<vmem>>
      %dma_start3A_29 = arith.constant 0 : i32
      %dma_start3A_30 = arith.constant 0 : i32
      %dma_start3A_31 = tpu.memref_slice %arg2[%dma_start3A_29, %dma_start3A_30] : memref<20112x128xf32, #tpu.memory_space<hbm>> -> memref<20112x128xf32, #tpu.memory_space<hbm>>
      tpu.enqueue_indirect_dma source(%dma_start3A_31 : memref<20112x128xf32, #tpu.memory_space<hbm>>) target(%arg6 : memref<128x128xf32, #tpu.memory_space<vmem>>) offsets(%dma_start3A_28 : memref<128xi32, #tpu.memory_space<vmem>>) semaphore(%arg9 : memref<!tpu.dma_semaphore, #tpu.memory_space<semaphore_mem>>)
      %dma_start3A_32 = arith.constant 1 : i32
      %dma_start3A_33 = arith.constant 0 : i32
      %dma_start3A_34 = arith.constant 0 : i32
      %dma_start3A_35 = tpu.memref_slice %arg5[%dma_start3A_32, %dma_start3A_33, %dma_start3A_34] : memref<16x2x128xi32, #tpu.memory_space<vmem>> -> memref<1x1x128xi32, #tpu.memory_space<vmem>>
      %dma_start3A_36 = tpu.memref_squeeze %dma_start3A_35 : memref<1x1x128xi32, #tpu.memory_space<vmem>> -> memref<128xi32, #tpu.memory_space<vmem>>
      %dma_start3A_37 = arith.constant 0 : i32
      %dma_start3A_38 = arith.constant 0 : i32
      %dma_start3A_39 = tpu.memref_slice %arg2[%dma_start3A_37, %dma_start3A_38] : memref<20112x128xf32, #tpu.memory_space<hbm>> -> memref<20112x128xf32, #tpu.memory_space<hbm>>
      tpu.enqueue_indirect_dma source(%dma_start3A_39 : memref<20112x128xf32, #tpu.memory_space<hbm>>) target(%arg7 : memref<128x128xf32, #tpu.memory_space<vmem>>) offsets(%dma_start3A_36 : memref<128xi32, #tpu.memory_space<vmem>>) semaphore(%arg10 : memref<!tpu.dma_semaphore, #tpu.memory_space<semaphore_mem>>)
      %dma_wait3A = arith.constant 0 : i32
      %dma_wait3A_40 = arith.constant 0 : i32
      %dma_wait3A_41 = tpu.memref_slice %arg2[%dma_wait3A, %dma_wait3A_40] : memref<20112x128xf32, #tpu.memory_space<hbm>> -> memref<128x128xf32, #tpu.memory_space<hbm>>
      %dma_wait3A_42 = arith.constant 0 : i32
      %dma_wait3A_43 = arith.constant 0 : i32
      %dma_wait3A_44 = tpu.memref_slice %arg2[%dma_wait3A_42, %dma_wait3A_43] : memref<20112x128xf32, #tpu.memory_space<hbm>> -> memref<128x128xf32, #tpu.memory_space<hbm>>
      tpu.wait_dma2 semaphore(%arg9 : memref<!tpu.dma_semaphore, #tpu.memory_space<semaphore_mem>>) src(%dma_wait3A_44 : memref<128x128xf32, #tpu.memory_space<hbm>>) dst(%arg6 : memref<128x128xf32, #tpu.memory_space<vmem>>)
      %run_scoped3A = arith.constant 0 : i32
      %run_scoped3A_45 = arith.constant 1 : i32
      "tpu.region"() ({
        %run_scoped3A_278 = tpu.sem_alloc : memref<!tpu.dma_semaphore, #tpu.memory_space<semaphore_mem>>
        %dma_start3A_279 = arith.constant 0 : i32
        %dma_start3A_280 = tpu.memref_slice %arg5[%run_scoped3A, %run_scoped3A_45, %dma_start3A_279] : memref<16x2x128xi32, #tpu.memory_space<vmem>> -> memref<1x1x128xi32, #tpu.memory_space<vmem>>
        %dma_start3A_281 = tpu.memref_squeeze %dma_start3A_280 : memref<1x1x128xi32, #tpu.memory_space<vmem>> -> memref<128xi32, #tpu.memory_space<vmem>>
        %dma_start3A_282 = arith.constant 0 : i32
        %dma_start3A_283 = arith.constant 0 : i32
        %dma_start3A_284 = tpu.memref_slice %arg8[%dma_start3A_282, %dma_start3A_283] : memref<10112x128xf32, #tpu.memory_space<vmem_shared>> -> memref<10112x128xf32, #tpu.memory_space<vmem_shared>>
        tpu.enqueue_indirect_dma source(%arg6 : memref<128x128xf32, #tpu.memory_space<vmem>>) target(%dma_start3A_284 : memref<10112x128xf32, #tpu.memory_space<vmem_shared>>) offsets(%dma_start3A_281 : memref<128xi32, #tpu.memory_space<vmem>>) semaphore(%run_scoped3A_278 : memref<!tpu.dma_semaphore, #tpu.memory_space<semaphore_mem>>) {add = true}
        %dma_wait3A_285 = arith.constant 0 : i32
        %dma_wait3A_286 = tpu.memref_slice %arg5[%run_scoped3A, %run_scoped3A_45, %dma_wait3A_285] : memref<16x2x128xi32, #tpu.memory_space<vmem>> -> memref<1x1x128xi32, #tpu.memory_space<vmem>>
        %dma_wait3A_287 = tpu.memref_squeeze %dma_wait3A_286 : memref<1x1x128xi32, #tpu.memory_space<vmem>> -> memref<128xi32, #tpu.memory_space<vmem>>
        %dma_wait3A_288 = arith.constant 0 : i32
        %dma_wait3A_289 = arith.constant 0 : i32
        %dma_wait3A_290 = tpu.memref_slice %arg8[%dma_wait3A_288, %dma_wait3A_289] : memref<10112x128xf32, #tpu.memory_space<vmem_shared>> -> memref<10112x128xf32, #tpu.memory_space<vmem_shared>>
        tpu.wait_indirect_dma semaphore(%run_scoped3A_278 : memref<!tpu.dma_semaphore, #tpu.memory_space<semaphore_mem>>) src(%arg6 : memref<128x128xf32, #tpu.memory_space<vmem>>) dst(%dma_wait3A_290 : memref<10112x128xf32, #tpu.memory_space<vmem_shared>>)
        tpu.yield
      }) : () -> ()
      %dma_start3A_46 = arith.constant 2 : i32
      %dma_start3A_47 = arith.constant 0 : i32
      %dma_start3A_48 = arith.constant 0 : i32
      %dma_start3A_49 = tpu.memref_slice %arg5[%dma_start3A_46, %dma_start3A_47, %dma_start3A_48] : memref<16x2x128xi32, #tpu.memory_space<vmem>> -> memref<1x1x128xi32, #tpu.memory_space<vmem>>
      %dma_start3A_50 = tpu.memref_squeeze %dma_start3A_49 : memref<1x1x128xi32, #tpu.memory_space<vmem>> -> memref<128xi32, #tpu.memory_space<vmem>>
      %dma_start3A_51 = arith.constant 0 : i32
      %dma_start3A_52 = arith.constant 0 : i32
      %dma_start3A_53 = tpu.memref_slice %arg2[%dma_start3A_51, %dma_start3A_52] : memref<20112x128xf32, #tpu.memory_space<hbm>> -> memref<20112x128xf32, #tpu.memory_space<hbm>>
      tpu.enqueue_indirect_dma source(%dma_start3A_53 : memref<20112x128xf32, #tpu.memory_space<hbm>>) target(%arg6 : memref<128x128xf32, #tpu.memory_space<vmem>>) offsets(%dma_start3A_50 : memref<128xi32, #tpu.memory_space<vmem>>) semaphore(%arg9 : memref<!tpu.dma_semaphore, #tpu.memory_space<semaphore_mem>>)
      %dma_wait3A_54 = arith.constant 0 : i32
      %dma_wait3A_55 = arith.constant 0 : i32
      %dma_wait3A_56 = tpu.memref_slice %arg2[%dma_wait3A_54, %dma_wait3A_55] : memref<20112x128xf32, #tpu.memory_space<hbm>> -> memref<128x128xf32, #tpu.memory_space<hbm>>
      %dma_wait3A_57 = arith.constant 0 : i32
      %dma_wait3A_58 = arith.constant 0 : i32
      %dma_wait3A_59 = tpu.memref_slice %arg2[%dma_wait3A_57, %dma_wait3A_58] : memref<20112x128xf32, #tpu.memory_space<hbm>> -> memref<128x128xf32, #tpu.memory_space<hbm>>
      tpu.wait_dma2 semaphore(%arg10 : memref<!tpu.dma_semaphore, #tpu.memory_space<semaphore_mem>>) src(%dma_wait3A_59 : memref<128x128xf32, #tpu.memory_space<hbm>>) dst(%arg7 : memref<128x128xf32, #tpu.memory_space<vmem>>)
      %run_scoped3A_60 = arith.constant 1 : i32
      %run_scoped3A_61 = arith.constant 1 : i32
      "tpu.region"() ({
        %run_scoped3A_278 = tpu.sem_alloc : memref<!tpu.dma_semaphore, #tpu.memory_space<semaphore_mem>>
        %dma_start3A_279 = arith.constant 0 : i32
        %dma_start3A_280 = tpu.memref_slice %arg5[%run_scoped3A_60, %run_scoped3A_61, %dma_start3A_279] : memref<16x2x128xi32, #tpu.memory_space<vmem>> -> memref<1x1x128xi32, #tpu.memory_space<vmem>>
        %dma_start3A_281 = tpu.memref_squeeze %dma_start3A_280 : memref<1x1x128xi32, #tpu.memory_space<vmem>> -> memref<128xi32, #tpu.memory_space<vmem>>
        %dma_start3A_282 = arith.constant 0 : i32
        %dma_start3A_283 = arith.constant 0 : i32
        %dma_start3A_284 = tpu.memref_slice %arg8[%dma_start3A_282, %dma_start3A_283] : memref<10112x128xf32, #tpu.memory_space<vmem_shared>> -> memref<10112x128xf32, #tpu.memory_space<vmem_shared>>
        tpu.enqueue_indirect_dma source(%arg7 : memref<128x128xf32, #tpu.memory_space<vmem>>) target(%dma_start3A_284 : memref<10112x128xf32, #tpu.memory_space<vmem_shared>>) offsets(%dma_start3A_281 : memref<128xi32, #tpu.memory_space<vmem>>) semaphore(%run_scoped3A_278 : memref<!tpu.dma_semaphore, #tpu.memory_space<semaphore_mem>>) {add = true}
        %dma_wait3A_285 = arith.constant 0 : i32
        %dma_wait3A_286 = tpu.memref_slice %arg5[%run_scoped3A_60, %run_scoped3A_61, %dma_wait3A_285] : memref<16x2x128xi32, #tpu.memory_space<vmem>> -> memref<1x1x128xi32, #tpu.memory_space<vmem>>
        %dma_wait3A_287 = tpu.memref_squeeze %dma_wait3A_286 : memref<1x1x128xi32, #tpu.memory_space<vmem>> -> memref<128xi32, #tpu.memory_space<vmem>>
        %dma_wait3A_288 = arith.constant 0 : i32
        %dma_wait3A_289 = arith.constant 0 : i32
        %dma_wait3A_290 = tpu.memref_slice %arg8[%dma_wait3A_288, %dma_wait3A_289] : memref<10112x128xf32, #tpu.memory_space<vmem_shared>> -> memref<10112x128xf32, #tpu.memory_space<vmem_shared>>
        tpu.wait_indirect_dma semaphore(%run_scoped3A_278 : memref<!tpu.dma_semaphore, #tpu.memory_space<semaphore_mem>>) src(%arg7 : memref<128x128xf32, #tpu.memory_space<vmem>>) dst(%dma_wait3A_290 : memref<10112x128xf32, #tpu.memory_space<vmem_shared>>)
        tpu.yield
      }) : () -> ()
      %dma_start3A_62 = arith.constant 3 : i32
      %dma_start3A_63 = arith.constant 0 : i32
      %dma_start3A_64 = arith.constant 0 : i32
      %dma_start3A_65 = tpu.memref_slice %arg5[%dma_start3A_62, %dma_start3A_63, %dma_start3A_64] : memref<16x2x128xi32, #tpu.memory_space<vmem>> -> memref<1x1x128xi32, #tpu.memory_space<vmem>>
      %dma_start3A_66 = tpu.memref_squeeze %dma_start3A_65 : memref<1x1x128xi32, #tpu.memory_space<vmem>> -> memref<128xi32, #tpu.memory_space<vmem>>
      %dma_start3A_67 = arith.constant 0 : i32
      %dma_start3A_68 = arith.constant 0 : i32
      %dma_start3A_69 = tpu.memref_slice %arg2[%dma_start3A_67, %dma_start3A_68] : memref<20112x128xf32, #tpu.memory_space<hbm>> -> memref<20112x128xf32, #tpu.memory_space<hbm>>
      tpu.enqueue_indirect_dma source(%dma_start3A_69 : memref<20112x128xf32, #tpu.memory_space<hbm>>) target(%arg7 : memref<128x128xf32, #tpu.memory_space<vmem>>) offsets(%dma_start3A_66 : memref<128xi32, #tpu.memory_space<vmem>>) semaphore(%arg10 : memref<!tpu.dma_semaphore, #tpu.memory_space<semaphore_mem>>)
      %dma_wait3A_70 = arith.constant 0 : i32
      %dma_wait3A_71 = arith.constant 0 : i32
      %dma_wait3A_72 = tpu.memref_slice %arg2[%dma_wait3A_70, %dma_wait3A_71] : memref<20112x128xf32, #tpu.memory_space<hbm>> -> memref<128x128xf32, #tpu.memory_space<hbm>>
      %dma_wait3A_73 = arith.constant 0 : i32
      %dma_wait3A_74 = arith.constant 0 : i32
      %dma_wait3A_75 = tpu.memref_slice %arg2[%dma_wait3A_73, %dma_wait3A_74] : memref<20112x128xf32, #tpu.memory_space<hbm>> -> memref<128x128xf32, #tpu.memory_space<hbm>>
      tpu.wait_dma2 semaphore(%arg9 : memref<!tpu.dma_semaphore, #tpu.memory_space<semaphore_mem>>) src(%dma_wait3A_75 : memref<128x128xf32, #tpu.memory_space<hbm>>) dst(%arg6 : memref<128x128xf32, #tpu.memory_space<vmem>>)
      %run_scoped3A_76 = arith.constant 2 : i32
      %run_scoped3A_77 = arith.constant 1 : i32
      "tpu.region"() ({
        %run_scoped3A_278 = tpu.sem_alloc : memref<!tpu.dma_semaphore, #tpu.memory_space<semaphore_mem>>
        %dma_start3A_279 = arith.constant 0 : i32
        %dma_start3A_280 = tpu.memref_slice %arg5[%run_scoped3A_76, %run_scoped3A_77, %dma_start3A_279] : memref<16x2x128xi32, #tpu.memory_space<vmem>> -> memref<1x1x128xi32, #tpu.memory_space<vmem>>
        %dma_start3A_281 = tpu.memref_squeeze %dma_start3A_280 : memref<1x1x128xi32, #tpu.memory_space<vmem>> -> memref<128xi32, #tpu.memory_space<vmem>>
        %dma_start3A_282 = arith.constant 0 : i32
        %dma_start3A_283 = arith.constant 0 : i32
        %dma_start3A_284 = tpu.memref_slice %arg8[%dma_start3A_282, %dma_start3A_283] : memref<10112x128xf32, #tpu.memory_space<vmem_shared>> -> memref<10112x128xf32, #tpu.memory_space<vmem_shared>>
        tpu.enqueue_indirect_dma source(%arg6 : memref<128x128xf32, #tpu.memory_space<vmem>>) target(%dma_start3A_284 : memref<10112x128xf32, #tpu.memory_space<vmem_shared>>) offsets(%dma_start3A_281 : memref<128xi32, #tpu.memory_space<vmem>>) semaphore(%run_scoped3A_278 : memref<!tpu.dma_semaphore, #tpu.memory_space<semaphore_mem>>) {add = true}
        %dma_wait3A_285 = arith.constant 0 : i32
        %dma_wait3A_286 = tpu.memref_slice %arg5[%run_scoped3A_76, %run_scoped3A_77, %dma_wait3A_285] : memref<16x2x128xi32, #tpu.memory_space<vmem>> -> memref<1x1x128xi32, #tpu.memory_space<vmem>>
        %dma_wait3A_287 = tpu.memref_squeeze %dma_wait3A_286 : memref<1x1x128xi32, #tpu.memory_space<vmem>> -> memref<128xi32, #tpu.memory_space<vmem>>
        %dma_wait3A_288 = arith.constant 0 : i32
        %dma_wait3A_289 = arith.constant 0 : i32
        %dma_wait3A_290 = tpu.memref_slice %arg8[%dma_wait3A_288, %dma_wait3A_289] : memref<10112x128xf32, #tpu.memory_space<vmem_shared>> -> memref<10112x128xf32, #tpu.memory_space<vmem_shared>>
        tpu.wait_indirect_dma semaphore(%run_scoped3A_278 : memref<!tpu.dma_semaphore, #tpu.memory_space<semaphore_mem>>) src(%arg6 : memref<128x128xf32, #tpu.memory_space<vmem>>) dst(%dma_wait3A_290 : memref<10112x128xf32, #tpu.memory_space<vmem_shared>>)
        tpu.yield
      }) : () -> ()
      %dma_start3A_78 = arith.constant 4 : i32
      %dma_start3A_79 = arith.constant 0 : i32
      %dma_start3A_80 = arith.constant 0 : i32
      %dma_start3A_81 = tpu.memref_slice %arg5[%dma_start3A_78, %dma_start3A_79, %dma_start3A_80] : memref<16x2x128xi32, #tpu.memory_space<vmem>> -> memref<1x1x128xi32, #tpu.memory_space<vmem>>
      %dma_start3A_82 = tpu.memref_squeeze %dma_start3A_81 : memref<1x1x128xi32, #tpu.memory_space<vmem>> -> memref<128xi32, #tpu.memory_space<vmem>>
      %dma_start3A_83 = arith.constant 0 : i32
      %dma_start3A_84 = arith.constant 0 : i32
      %dma_start3A_85 = tpu.memref_slice %arg2[%dma_start3A_83, %dma_start3A_84] : memref<20112x128xf32, #tpu.memory_space<hbm>> -> memref<20112x128xf32, #tpu.memory_space<hbm>>
      tpu.enqueue_indirect_dma source(%dma_start3A_85 : memref<20112x128xf32, #tpu.memory_space<hbm>>) target(%arg6 : memref<128x128xf32, #tpu.memory_space<vmem>>) offsets(%dma_start3A_82 : memref<128xi32, #tpu.memory_space<vmem>>) semaphore(%arg9 : memref<!tpu.dma_semaphore, #tpu.memory_space<semaphore_mem>>)
      %dma_wait3A_86 = arith.constant 0 : i32
      %dma_wait3A_87 = arith.constant 0 : i32
      %dma_wait3A_88 = tpu.memref_slice %arg2[%dma_wait3A_86, %dma_wait3A_87] : memref<20112x128xf32, #tpu.memory_space<hbm>> -> memref<128x128xf32, #tpu.memory_space<hbm>>
      %dma_wait3A_89 = arith.constant 0 : i32
      %dma_wait3A_90 = arith.constant 0 : i32
      %dma_wait3A_91 = tpu.memref_slice %arg2[%dma_wait3A_89, %dma_wait3A_90] : memref<20112x128xf32, #tpu.memory_space<hbm>> -> memref<128x128xf32, #tpu.memory_space<hbm>>
      tpu.wait_dma2 semaphore(%arg10 : memref<!tpu.dma_semaphore, #tpu.memory_space<semaphore_mem>>) src(%dma_wait3A_91 : memref<128x128xf32, #tpu.memory_space<hbm>>) dst(%arg7 : memref<128x128xf32, #tpu.memory_space<vmem>>)
      %run_scoped3A_92 = arith.constant 3 : i32
      %run_scoped3A_93 = arith.constant 1 : i32
      "tpu.region"() ({
        %run_scoped3A_278 = tpu.sem_alloc : memref<!tpu.dma_semaphore, #tpu.memory_space<semaphore_mem>>
        %dma_start3A_279 = arith.constant 0 : i32
        %dma_start3A_280 = tpu.memref_slice %arg5[%run_scoped3A_92, %run_scoped3A_93, %dma_start3A_279] : memref<16x2x128xi32, #tpu.memory_space<vmem>> -> memref<1x1x128xi32, #tpu.memory_space<vmem>>
        %dma_start3A_281 = tpu.memref_squeeze %dma_start3A_280 : memref<1x1x128xi32, #tpu.memory_space<vmem>> -> memref<128xi32, #tpu.memory_space<vmem>>
        %dma_start3A_282 = arith.constant 0 : i32
        %dma_start3A_283 = arith.constant 0 : i32
        %dma_start3A_284 = tpu.memref_slice %arg8[%dma_start3A_282, %dma_start3A_283] : memref<10112x128xf32, #tpu.memory_space<vmem_shared>> -> memref<10112x128xf32, #tpu.memory_space<vmem_shared>>
        tpu.enqueue_indirect_dma source(%arg7 : memref<128x128xf32, #tpu.memory_space<vmem>>) target(%dma_start3A_284 : memref<10112x128xf32, #tpu.memory_space<vmem_shared>>) offsets(%dma_start3A_281 : memref<128xi32, #tpu.memory_space<vmem>>) semaphore(%run_scoped3A_278 : memref<!tpu.dma_semaphore, #tpu.memory_space<semaphore_mem>>) {add = true}
        %dma_wait3A_285 = arith.constant 0 : i32
        %dma_wait3A_286 = tpu.memref_slice %arg5[%run_scoped3A_92, %run_scoped3A_93, %dma_wait3A_285] : memref<16x2x128xi32, #tpu.memory_space<vmem>> -> memref<1x1x128xi32, #tpu.memory_space<vmem>>
        %dma_wait3A_287 = tpu.memref_squeeze %dma_wait3A_286 : memref<1x1x128xi32, #tpu.memory_space<vmem>> -> memref<128xi32, #tpu.memory_space<vmem>>
        %dma_wait3A_288 = arith.constant 0 : i32
        %dma_wait3A_289 = arith.constant 0 : i32
        %dma_wait3A_290 = tpu.memref_slice %arg8[%dma_wait3A_288, %dma_wait3A_289] : memref<10112x128xf32, #tpu.memory_space<vmem_shared>> -> memref<10112x128xf32, #tpu.memory_space<vmem_shared>>
        tpu.wait_indirect_dma semaphore(%run_scoped3A_278 : memref<!tpu.dma_semaphore, #tpu.memory_space<semaphore_mem>>) src(%arg7 : memref<128x128xf32, #tpu.memory_space<vmem>>) dst(%dma_wait3A_290 : memref<10112x128xf32, #tpu.memory_space<vmem_shared>>)
        tpu.yield
      }) : () -> ()
      %dma_start3A_94 = arith.constant 5 : i32
      %dma_start3A_95 = arith.constant 0 : i32
      %dma_start3A_96 = arith.constant 0 : i32
      %dma_start3A_97 = tpu.memref_slice %arg5[%dma_start3A_94, %dma_start3A_95, %dma_start3A_96] : memref<16x2x128xi32, #tpu.memory_space<vmem>> -> memref<1x1x128xi32, #tpu.memory_space<vmem>>
      %dma_start3A_98 = tpu.memref_squeeze %dma_start3A_97 : memref<1x1x128xi32, #tpu.memory_space<vmem>> -> memref<128xi32, #tpu.memory_space<vmem>>
      %dma_start3A_99 = arith.constant 0 : i32
      %dma_start3A_100 = arith.constant 0 : i32
      %dma_start3A_101 = tpu.memref_slice %arg2[%dma_start3A_99, %dma_start3A_100] : memref<20112x128xf32, #tpu.memory_space<hbm>> -> memref<20112x128xf32, #tpu.memory_space<hbm>>
      tpu.enqueue_indirect_dma source(%dma_start3A_101 : memref<20112x128xf32, #tpu.memory_space<hbm>>) target(%arg7 : memref<128x128xf32, #tpu.memory_space<vmem>>) offsets(%dma_start3A_98 : memref<128xi32, #tpu.memory_space<vmem>>) semaphore(%arg10 : memref<!tpu.dma_semaphore, #tpu.memory_space<semaphore_mem>>)
      %dma_wait3A_102 = arith.constant 0 : i32
      %dma_wait3A_103 = arith.constant 0 : i32
      %dma_wait3A_104 = tpu.memref_slice %arg2[%dma_wait3A_102, %dma_wait3A_103] : memref<20112x128xf32, #tpu.memory_space<hbm>> -> memref<128x128xf32, #tpu.memory_space<hbm>>
      %dma_wait3A_105 = arith.constant 0 : i32
      %dma_wait3A_106 = arith.constant 0 : i32
      %dma_wait3A_107 = tpu.memref_slice %arg2[%dma_wait3A_105, %dma_wait3A_106] : memref<20112x128xf32, #tpu.memory_space<hbm>> -> memref<128x128xf32, #tpu.memory_space<hbm>>
      tpu.wait_dma2 semaphore(%arg9 : memref<!tpu.dma_semaphore, #tpu.memory_space<semaphore_mem>>) src(%dma_wait3A_107 : memref<128x128xf32, #tpu.memory_space<hbm>>) dst(%arg6 : memref<128x128xf32, #tpu.memory_space<vmem>>)
      %run_scoped3A_108 = arith.constant 4 : i32
      %run_scoped3A_109 = arith.constant 1 : i32
      "tpu.region"() ({
        %run_scoped3A_278 = tpu.sem_alloc : memref<!tpu.dma_semaphore, #tpu.memory_space<semaphore_mem>>
        %dma_start3A_279 = arith.constant 0 : i32
        %dma_start3A_280 = tpu.memref_slice %arg5[%run_scoped3A_108, %run_scoped3A_109, %dma_start3A_279] : memref<16x2x128xi32, #tpu.memory_space<vmem>> -> memref<1x1x128xi32, #tpu.memory_space<vmem>>
        %dma_start3A_281 = tpu.memref_squeeze %dma_start3A_280 : memref<1x1x128xi32, #tpu.memory_space<vmem>> -> memref<128xi32, #tpu.memory_space<vmem>>
        %dma_start3A_282 = arith.constant 0 : i32
        %dma_start3A_283 = arith.constant 0 : i32
        %dma_start3A_284 = tpu.memref_slice %arg8[%dma_start3A_282, %dma_start3A_283] : memref<10112x128xf32, #tpu.memory_space<vmem_shared>> -> memref<10112x128xf32, #tpu.memory_space<vmem_shared>>
        tpu.enqueue_indirect_dma source(%arg6 : memref<128x128xf32, #tpu.memory_space<vmem>>) target(%dma_start3A_284 : memref<10112x128xf32, #tpu.memory_space<vmem_shared>>) offsets(%dma_start3A_281 : memref<128xi32, #tpu.memory_space<vmem>>) semaphore(%run_scoped3A_278 : memref<!tpu.dma_semaphore, #tpu.memory_space<semaphore_mem>>) {add = true}
        %dma_wait3A_285 = arith.constant 0 : i32
        %dma_wait3A_286 = tpu.memref_slice %arg5[%run_scoped3A_108, %run_scoped3A_109, %dma_wait3A_285] : memref<16x2x128xi32, #tpu.memory_space<vmem>> -> memref<1x1x128xi32, #tpu.memory_space<vmem>>
        %dma_wait3A_287 = tpu.memref_squeeze %dma_wait3A_286 : memref<1x1x128xi32, #tpu.memory_space<vmem>> -> memref<128xi32, #tpu.memory_space<vmem>>
        %dma_wait3A_288 = arith.constant 0 : i32
        %dma_wait3A_289 = arith.constant 0 : i32
        %dma_wait3A_290 = tpu.memref_slice %arg8[%dma_wait3A_288, %dma_wait3A_289] : memref<10112x128xf32, #tpu.memory_space<vmem_shared>> -> memref<10112x128xf32, #tpu.memory_space<vmem_shared>>
        tpu.wait_indirect_dma semaphore(%run_scoped3A_278 : memref<!tpu.dma_semaphore, #tpu.memory_space<semaphore_mem>>) src(%arg6 : memref<128x128xf32, #tpu.memory_space<vmem>>) dst(%dma_wait3A_290 : memref<10112x128xf32, #tpu.memory_space<vmem_shared>>)
        tpu.yield
      }) : () -> ()
      %dma_start3A_110 = arith.constant 6 : i32
      %dma_start3A_111 = arith.constant 0 : i32
      %dma_start3A_112 = arith.constant 0 : i32
      %dma_start3A_113 = tpu.memref_slice %arg5[%dma_start3A_110, %dma_start3A_111, %dma_start3A_112] : memref<16x2x128xi32, #tpu.memory_space<vmem>> -> memref<1x1x128xi32, #tpu.memory_space<vmem>>
      %dma_start3A_114 = tpu.memref_squeeze %dma_start3A_113 : memref<1x1x128xi32, #tpu.memory_space<vmem>> -> memref<128xi32, #tpu.memory_space<vmem>>
      %dma_start3A_115 = arith.constant 0 : i32
      %dma_start3A_116 = arith.constant 0 : i32
      %dma_start3A_117 = tpu.memref_slice %arg2[%dma_start3A_115, %dma_start3A_116] : memref<20112x128xf32, #tpu.memory_space<hbm>> -> memref<20112x128xf32, #tpu.memory_space<hbm>>
      tpu.enqueue_indirect_dma source(%dma_start3A_117 : memref<20112x128xf32, #tpu.memory_space<hbm>>) target(%arg6 : memref<128x128xf32, #tpu.memory_space<vmem>>) offsets(%dma_start3A_114 : memref<128xi32, #tpu.memory_space<vmem>>) semaphore(%arg9 : memref<!tpu.dma_semaphore, #tpu.memory_space<semaphore_mem>>)
      %dma_wait3A_118 = arith.constant 0 : i32
      %dma_wait3A_119 = arith.constant 0 : i32
      %dma_wait3A_120 = tpu.memref_slice %arg2[%dma_wait3A_118, %dma_wait3A_119] : memref<20112x128xf32, #tpu.memory_space<hbm>> -> memref<128x128xf32, #tpu.memory_space<hbm>>
      %dma_wait3A_121 = arith.constant 0 : i32
      %dma_wait3A_122 = arith.constant 0 : i32
      %dma_wait3A_123 = tpu.memref_slice %arg2[%dma_wait3A_121, %dma_wait3A_122] : memref<20112x128xf32, #tpu.memory_space<hbm>> -> memref<128x128xf32, #tpu.memory_space<hbm>>
      tpu.wait_dma2 semaphore(%arg10 : memref<!tpu.dma_semaphore, #tpu.memory_space<semaphore_mem>>) src(%dma_wait3A_123 : memref<128x128xf32, #tpu.memory_space<hbm>>) dst(%arg7 : memref<128x128xf32, #tpu.memory_space<vmem>>)
      %run_scoped3A_124 = arith.constant 5 : i32
      %run_scoped3A_125 = arith.constant 1 : i32
      "tpu.region"() ({
        %run_scoped3A_278 = tpu.sem_alloc : memref<!tpu.dma_semaphore, #tpu.memory_space<semaphore_mem>>
        %dma_start3A_279 = arith.constant 0 : i32
        %dma_start3A_280 = tpu.memref_slice %arg5[%run_scoped3A_124, %run_scoped3A_125, %dma_start3A_279] : memref<16x2x128xi32, #tpu.memory_space<vmem>> -> memref<1x1x128xi32, #tpu.memory_space<vmem>>
        %dma_start3A_281 = tpu.memref_squeeze %dma_start3A_280 : memref<1x1x128xi32, #tpu.memory_space<vmem>> -> memref<128xi32, #tpu.memory_space<vmem>>
        %dma_start3A_282 = arith.constant 0 : i32
        %dma_start3A_283 = arith.constant 0 : i32
        %dma_start3A_284 = tpu.memref_slice %arg8[%dma_start3A_282, %dma_start3A_283] : memref<10112x128xf32, #tpu.memory_space<vmem_shared>> -> memref<10112x128xf32, #tpu.memory_space<vmem_shared>>
        tpu.enqueue_indirect_dma source(%arg7 : memref<128x128xf32, #tpu.memory_space<vmem>>) target(%dma_start3A_284 : memref<10112x128xf32, #tpu.memory_space<vmem_shared>>) offsets(%dma_start3A_281 : memref<128xi32, #tpu.memory_space<vmem>>) semaphore(%run_scoped3A_278 : memref<!tpu.dma_semaphore, #tpu.memory_space<semaphore_mem>>) {add = true}
        %dma_wait3A_285 = arith.constant 0 : i32
        %dma_wait3A_286 = tpu.memref_slice %arg5[%run_scoped3A_124, %run_scoped3A_125, %dma_wait3A_285] : memref<16x2x128xi32, #tpu.memory_space<vmem>> -> memref<1x1x128xi32, #tpu.memory_space<vmem>>
        %dma_wait3A_287 = tpu.memref_squeeze %dma_wait3A_286 : memref<1x1x128xi32, #tpu.memory_space<vmem>> -> memref<128xi32, #tpu.memory_space<vmem>>
        %dma_wait3A_288 = arith.constant 0 : i32
        %dma_wait3A_289 = arith.constant 0 : i32
        %dma_wait3A_290 = tpu.memref_slice %arg8[%dma_wait3A_288, %dma_wait3A_289] : memref<10112x128xf32, #tpu.memory_space<vmem_shared>> -> memref<10112x128xf32, #tpu.memory_space<vmem_shared>>
        tpu.wait_indirect_dma semaphore(%run_scoped3A_278 : memref<!tpu.dma_semaphore, #tpu.memory_space<semaphore_mem>>) src(%arg7 : memref<128x128xf32, #tpu.memory_space<vmem>>) dst(%dma_wait3A_290 : memref<10112x128xf32, #tpu.memory_space<vmem_shared>>)
        tpu.yield
      }) : () -> ()
      %dma_start3A_126 = arith.constant 7 : i32
      %dma_start3A_127 = arith.constant 0 : i32
      %dma_start3A_128 = arith.constant 0 : i32
      %dma_start3A_129 = tpu.memref_slice %arg5[%dma_start3A_126, %dma_start3A_127, %dma_start3A_128] : memref<16x2x128xi32, #tpu.memory_space<vmem>> -> memref<1x1x128xi32, #tpu.memory_space<vmem>>
      %dma_start3A_130 = tpu.memref_squeeze %dma_start3A_129 : memref<1x1x128xi32, #tpu.memory_space<vmem>> -> memref<128xi32, #tpu.memory_space<vmem>>
      %dma_start3A_131 = arith.constant 0 : i32
      %dma_start3A_132 = arith.constant 0 : i32
      %dma_start3A_133 = tpu.memref_slice %arg2[%dma_start3A_131, %dma_start3A_132] : memref<20112x128xf32, #tpu.memory_space<hbm>> -> memref<20112x128xf32, #tpu.memory_space<hbm>>
      tpu.enqueue_indirect_dma source(%dma_start3A_133 : memref<20112x128xf32, #tpu.memory_space<hbm>>) target(%arg7 : memref<128x128xf32, #tpu.memory_space<vmem>>) offsets(%dma_start3A_130 : memref<128xi32, #tpu.memory_space<vmem>>) semaphore(%arg10 : memref<!tpu.dma_semaphore, #tpu.memory_space<semaphore_mem>>)
      %dma_wait3A_134 = arith.constant 0 : i32
      %dma_wait3A_135 = arith.constant 0 : i32
      %dma_wait3A_136 = tpu.memref_slice %arg2[%dma_wait3A_134, %dma_wait3A_135] : memref<20112x128xf32, #tpu.memory_space<hbm>> -> memref<128x128xf32, #tpu.memory_space<hbm>>
      %dma_wait3A_137 = arith.constant 0 : i32
      %dma_wait3A_138 = arith.constant 0 : i32
      %dma_wait3A_139 = tpu.memref_slice %arg2[%dma_wait3A_137, %dma_wait3A_138] : memref<20112x128xf32, #tpu.memory_space<hbm>> -> memref<128x128xf32, #tpu.memory_space<hbm>>
      tpu.wait_dma2 semaphore(%arg9 : memref<!tpu.dma_semaphore, #tpu.memory_space<semaphore_mem>>) src(%dma_wait3A_139 : memref<128x128xf32, #tpu.memory_space<hbm>>) dst(%arg6 : memref<128x128xf32, #tpu.memory_space<vmem>>)
      %run_scoped3A_140 = arith.constant 6 : i32
      %run_scoped3A_141 = arith.constant 1 : i32
      "tpu.region"() ({
        %run_scoped3A_278 = tpu.sem_alloc : memref<!tpu.dma_semaphore, #tpu.memory_space<semaphore_mem>>
        %dma_start3A_279 = arith.constant 0 : i32
        %dma_start3A_280 = tpu.memref_slice %arg5[%run_scoped3A_140, %run_scoped3A_141, %dma_start3A_279] : memref<16x2x128xi32, #tpu.memory_space<vmem>> -> memref<1x1x128xi32, #tpu.memory_space<vmem>>
        %dma_start3A_281 = tpu.memref_squeeze %dma_start3A_280 : memref<1x1x128xi32, #tpu.memory_space<vmem>> -> memref<128xi32, #tpu.memory_space<vmem>>
        %dma_start3A_282 = arith.constant 0 : i32
        %dma_start3A_283 = arith.constant 0 : i32
        %dma_start3A_284 = tpu.memref_slice %arg8[%dma_start3A_282, %dma_start3A_283] : memref<10112x128xf32, #tpu.memory_space<vmem_shared>> -> memref<10112x128xf32, #tpu.memory_space<vmem_shared>>
        tpu.enqueue_indirect_dma source(%arg6 : memref<128x128xf32, #tpu.memory_space<vmem>>) target(%dma_start3A_284 : memref<10112x128xf32, #tpu.memory_space<vmem_shared>>) offsets(%dma_start3A_281 : memref<128xi32, #tpu.memory_space<vmem>>) semaphore(%run_scoped3A_278 : memref<!tpu.dma_semaphore, #tpu.memory_space<semaphore_mem>>) {add = true}
        %dma_wait3A_285 = arith.constant 0 : i32
        %dma_wait3A_286 = tpu.memref_slice %arg5[%run_scoped3A_140, %run_scoped3A_141, %dma_wait3A_285] : memref<16x2x128xi32, #tpu.memory_space<vmem>> -> memref<1x1x128xi32, #tpu.memory_space<vmem>>
        %dma_wait3A_287 = tpu.memref_squeeze %dma_wait3A_286 : memref<1x1x128xi32, #tpu.memory_space<vmem>> -> memref<128xi32, #tpu.memory_space<vmem>>
        %dma_wait3A_288 = arith.constant 0 : i32
        %dma_wait3A_289 = arith.constant 0 : i32
        %dma_wait3A_290 = tpu.memref_slice %arg8[%dma_wait3A_288, %dma_wait3A_289] : memref<10112x128xf32, #tpu.memory_space<vmem_shared>> -> memref<10112x128xf32, #tpu.memory_space<vmem_shared>>
        tpu.wait_indirect_dma semaphore(%run_scoped3A_278 : memref<!tpu.dma_semaphore, #tpu.memory_space<semaphore_mem>>) src(%arg6 : memref<128x128xf32, #tpu.memory_space<vmem>>) dst(%dma_wait3A_290 : memref<10112x128xf32, #tpu.memory_space<vmem_shared>>)
        tpu.yield
      }) : () -> ()
      %dma_start3A_142 = arith.constant 8 : i32
      %dma_start3A_143 = arith.constant 0 : i32
      %dma_start3A_144 = arith.constant 0 : i32
      %dma_start3A_145 = tpu.memref_slice %arg5[%dma_start3A_142, %dma_start3A_143, %dma_start3A_144] : memref<16x2x128xi32, #tpu.memory_space<vmem>> -> memref<1x1x128xi32, #tpu.memory_space<vmem>>
      %dma_start3A_146 = tpu.memref_squeeze %dma_start3A_145 : memref<1x1x128xi32, #tpu.memory_space<vmem>> -> memref<128xi32, #tpu.memory_space<vmem>>
      %dma_start3A_147 = arith.constant 0 : i32
      %dma_start3A_148 = arith.constant 0 : i32
      %dma_start3A_149 = tpu.memref_slice %arg2[%dma_start3A_147, %dma_start3A_148] : memref<20112x128xf32, #tpu.memory_space<hbm>> -> memref<20112x128xf32, #tpu.memory_space<hbm>>
      tpu.enqueue_indirect_dma source(%dma_start3A_149 : memref<20112x128xf32, #tpu.memory_space<hbm>>) target(%arg6 : memref<128x128xf32, #tpu.memory_space<vmem>>) offsets(%dma_start3A_146 : memref<128xi32, #tpu.memory_space<vmem>>) semaphore(%arg9 : memref<!tpu.dma_semaphore, #tpu.memory_space<semaphore_mem>>)
      %dma_wait3A_150 = arith.constant 0 : i32
      %dma_wait3A_151 = arith.constant 0 : i32
      %dma_wait3A_152 = tpu.memref_slice %arg2[%dma_wait3A_150, %dma_wait3A_151] : memref<20112x128xf32, #tpu.memory_space<hbm>> -> memref<128x128xf32, #tpu.memory_space<hbm>>
      %dma_wait3A_153 = arith.constant 0 : i32
      %dma_wait3A_154 = arith.constant 0 : i32
      %dma_wait3A_155 = tpu.memref_slice %arg2[%dma_wait3A_153, %dma_wait3A_154] : memref<20112x128xf32, #tpu.memory_space<hbm>> -> memref<128x128xf32, #tpu.memory_space<hbm>>
      tpu.wait_dma2 semaphore(%arg10 : memref<!tpu.dma_semaphore, #tpu.memory_space<semaphore_mem>>) src(%dma_wait3A_155 : memref<128x128xf32, #tpu.memory_space<hbm>>) dst(%arg7 : memref<128x128xf32, #tpu.memory_space<vmem>>)
      %run_scoped3A_156 = arith.constant 7 : i32
      %run_scoped3A_157 = arith.constant 1 : i32
      "tpu.region"() ({
        %run_scoped3A_278 = tpu.sem_alloc : memref<!tpu.dma_semaphore, #tpu.memory_space<semaphore_mem>>
        %dma_start3A_279 = arith.constant 0 : i32
        %dma_start3A_280 = tpu.memref_slice %arg5[%run_scoped3A_156, %run_scoped3A_157, %dma_start3A_279] : memref<16x2x128xi32, #tpu.memory_space<vmem>> -> memref<1x1x128xi32, #tpu.memory_space<vmem>>
        %dma_start3A_281 = tpu.memref_squeeze %dma_start3A_280 : memref<1x1x128xi32, #tpu.memory_space<vmem>> -> memref<128xi32, #tpu.memory_space<vmem>>
        %dma_start3A_282 = arith.constant 0 : i32
        %dma_start3A_283 = arith.constant 0 : i32
        %dma_start3A_284 = tpu.memref_slice %arg8[%dma_start3A_282, %dma_start3A_283] : memref<10112x128xf32, #tpu.memory_space<vmem_shared>> -> memref<10112x128xf32, #tpu.memory_space<vmem_shared>>
        tpu.enqueue_indirect_dma source(%arg7 : memref<128x128xf32, #tpu.memory_space<vmem>>) target(%dma_start3A_284 : memref<10112x128xf32, #tpu.memory_space<vmem_shared>>) offsets(%dma_start3A_281 : memref<128xi32, #tpu.memory_space<vmem>>) semaphore(%run_scoped3A_278 : memref<!tpu.dma_semaphore, #tpu.memory_space<semaphore_mem>>) {add = true}
        %dma_wait3A_285 = arith.constant 0 : i32
        %dma_wait3A_286 = tpu.memref_slice %arg5[%run_scoped3A_156, %run_scoped3A_157, %dma_wait3A_285] : memref<16x2x128xi32, #tpu.memory_space<vmem>> -> memref<1x1x128xi32, #tpu.memory_space<vmem>>
        %dma_wait3A_287 = tpu.memref_squeeze %dma_wait3A_286 : memref<1x1x128xi32, #tpu.memory_space<vmem>> -> memref<128xi32, #tpu.memory_space<vmem>>
        %dma_wait3A_288 = arith.constant 0 : i32
        %dma_wait3A_289 = arith.constant 0 : i32
        %dma_wait3A_290 = tpu.memref_slice %arg8[%dma_wait3A_288, %dma_wait3A_289] : memref<10112x128xf32, #tpu.memory_space<vmem_shared>> -> memref<10112x128xf32, #tpu.memory_space<vmem_shared>>
        tpu.wait_indirect_dma semaphore(%run_scoped3A_278 : memref<!tpu.dma_semaphore, #tpu.memory_space<semaphore_mem>>) src(%arg7 : memref<128x128xf32, #tpu.memory_space<vmem>>) dst(%dma_wait3A_290 : memref<10112x128xf32, #tpu.memory_space<vmem_shared>>)
        tpu.yield
      }) : () -> ()
      %dma_start3A_158 = arith.constant 9 : i32
      %dma_start3A_159 = arith.constant 0 : i32
      %dma_start3A_160 = arith.constant 0 : i32
      %dma_start3A_161 = tpu.memref_slice %arg5[%dma_start3A_158, %dma_start3A_159, %dma_start3A_160] : memref<16x2x128xi32, #tpu.memory_space<vmem>> -> memref<1x1x128xi32, #tpu.memory_space<vmem>>
      %dma_start3A_162 = tpu.memref_squeeze %dma_start3A_161 : memref<1x1x128xi32, #tpu.memory_space<vmem>> -> memref<128xi32, #tpu.memory_space<vmem>>
      %dma_start3A_163 = arith.constant 0 : i32
      %dma_start3A_164 = arith.constant 0 : i32
      %dma_start3A_165 = tpu.memref_slice %arg2[%dma_start3A_163, %dma_start3A_164] : memref<20112x128xf32, #tpu.memory_space<hbm>> -> memref<20112x128xf32, #tpu.memory_space<hbm>>
      tpu.enqueue_indirect_dma source(%dma_start3A_165 : memref<20112x128xf32, #tpu.memory_space<hbm>>) target(%arg7 : memref<128x128xf32, #tpu.memory_space<vmem>>) offsets(%dma_start3A_162 : memref<128xi32, #tpu.memory_space<vmem>>) semaphore(%arg10 : memref<!tpu.dma_semaphore, #tpu.memory_space<semaphore_mem>>)
      %dma_wait3A_166 = arith.constant 0 : i32
      %dma_wait3A_167 = arith.constant 0 : i32
      %dma_wait3A_168 = tpu.memref_slice %arg2[%dma_wait3A_166, %dma_wait3A_167] : memref<20112x128xf32, #tpu.memory_space<hbm>> -> memref<128x128xf32, #tpu.memory_space<hbm>>
      %dma_wait3A_169 = arith.constant 0 : i32
      %dma_wait3A_170 = arith.constant 0 : i32
      %dma_wait3A_171 = tpu.memref_slice %arg2[%dma_wait3A_169, %dma_wait3A_170] : memref<20112x128xf32, #tpu.memory_space<hbm>> -> memref<128x128xf32, #tpu.memory_space<hbm>>
      tpu.wait_dma2 semaphore(%arg9 : memref<!tpu.dma_semaphore, #tpu.memory_space<semaphore_mem>>) src(%dma_wait3A_171 : memref<128x128xf32, #tpu.memory_space<hbm>>) dst(%arg6 : memref<128x128xf32, #tpu.memory_space<vmem>>)
      %run_scoped3A_172 = arith.constant 8 : i32
      %run_scoped3A_173 = arith.constant 1 : i32
      "tpu.region"() ({
        %run_scoped3A_278 = tpu.sem_alloc : memref<!tpu.dma_semaphore, #tpu.memory_space<semaphore_mem>>
        %dma_start3A_279 = arith.constant 0 : i32
        %dma_start3A_280 = tpu.memref_slice %arg5[%run_scoped3A_172, %run_scoped3A_173, %dma_start3A_279] : memref<16x2x128xi32, #tpu.memory_space<vmem>> -> memref<1x1x128xi32, #tpu.memory_space<vmem>>
        %dma_start3A_281 = tpu.memref_squeeze %dma_start3A_280 : memref<1x1x128xi32, #tpu.memory_space<vmem>> -> memref<128xi32, #tpu.memory_space<vmem>>
        %dma_start3A_282 = arith.constant 0 : i32
        %dma_start3A_283 = arith.constant 0 : i32
        %dma_start3A_284 = tpu.memref_slice %arg8[%dma_start3A_282, %dma_start3A_283] : memref<10112x128xf32, #tpu.memory_space<vmem_shared>> -> memref<10112x128xf32, #tpu.memory_space<vmem_shared>>
        tpu.enqueue_indirect_dma source(%arg6 : memref<128x128xf32, #tpu.memory_space<vmem>>) target(%dma_start3A_284 : memref<10112x128xf32, #tpu.memory_space<vmem_shared>>) offsets(%dma_start3A_281 : memref<128xi32, #tpu.memory_space<vmem>>) semaphore(%run_scoped3A_278 : memref<!tpu.dma_semaphore, #tpu.memory_space<semaphore_mem>>) {add = true}
        %dma_wait3A_285 = arith.constant 0 : i32
        %dma_wait3A_286 = tpu.memref_slice %arg5[%run_scoped3A_172, %run_scoped3A_173, %dma_wait3A_285] : memref<16x2x128xi32, #tpu.memory_space<vmem>> -> memref<1x1x128xi32, #tpu.memory_space<vmem>>
        %dma_wait3A_287 = tpu.memref_squeeze %dma_wait3A_286 : memref<1x1x128xi32, #tpu.memory_space<vmem>> -> memref<128xi32, #tpu.memory_space<vmem>>
        %dma_wait3A_288 = arith.constant 0 : i32
        %dma_wait3A_289 = arith.constant 0 : i32
        %dma_wait3A_290 = tpu.memref_slice %arg8[%dma_wait3A_288, %dma_wait3A_289] : memref<10112x128xf32, #tpu.memory_space<vmem_shared>> -> memref<10112x128xf32, #tpu.memory_space<vmem_shared>>
        tpu.wait_indirect_dma semaphore(%run_scoped3A_278 : memref<!tpu.dma_semaphore, #tpu.memory_space<semaphore_mem>>) src(%arg6 : memref<128x128xf32, #tpu.memory_space<vmem>>) dst(%dma_wait3A_290 : memref<10112x128xf32, #tpu.memory_space<vmem_shared>>)
        tpu.yield
      }) : () -> ()
      %dma_start3A_174 = arith.constant 10 : i32
      %dma_start3A_175 = arith.constant 0 : i32
      %dma_start3A_176 = arith.constant 0 : i32
      %dma_start3A_177 = tpu.memref_slice %arg5[%dma_start3A_174, %dma_start3A_175, %dma_start3A_176] : memref<16x2x128xi32, #tpu.memory_space<vmem>> -> memref<1x1x128xi32, #tpu.memory_space<vmem>>
      %dma_start3A_178 = tpu.memref_squeeze %dma_start3A_177 : memref<1x1x128xi32, #tpu.memory_space<vmem>> -> memref<128xi32, #tpu.memory_space<vmem>>
      %dma_start3A_179 = arith.constant 0 : i32
      %dma_start3A_180 = arith.constant 0 : i32
      %dma_start3A_181 = tpu.memref_slice %arg2[%dma_start3A_179, %dma_start3A_180] : memref<20112x128xf32, #tpu.memory_space<hbm>> -> memref<20112x128xf32, #tpu.memory_space<hbm>>
      tpu.enqueue_indirect_dma source(%dma_start3A_181 : memref<20112x128xf32, #tpu.memory_space<hbm>>) target(%arg6 : memref<128x128xf32, #tpu.memory_space<vmem>>) offsets(%dma_start3A_178 : memref<128xi32, #tpu.memory_space<vmem>>) semaphore(%arg9 : memref<!tpu.dma_semaphore, #tpu.memory_space<semaphore_mem>>)
      %dma_wait3A_182 = arith.constant 0 : i32
      %dma_wait3A_183 = arith.constant 0 : i32
      %dma_wait3A_184 = tpu.memref_slice %arg2[%dma_wait3A_182, %dma_wait3A_183] : memref<20112x128xf32, #tpu.memory_space<hbm>> -> memref<128x128xf32, #tpu.memory_space<hbm>>
      %dma_wait3A_185 = arith.constant 0 : i32
      %dma_wait3A_186 = arith.constant 0 : i32
      %dma_wait3A_187 = tpu.memref_slice %arg2[%dma_wait3A_185, %dma_wait3A_186] : memref<20112x128xf32, #tpu.memory_space<hbm>> -> memref<128x128xf32, #tpu.memory_space<hbm>>
      tpu.wait_dma2 semaphore(%arg10 : memref<!tpu.dma_semaphore, #tpu.memory_space<semaphore_mem>>) src(%dma_wait3A_187 : memref<128x128xf32, #tpu.memory_space<hbm>>) dst(%arg7 : memref<128x128xf32, #tpu.memory_space<vmem>>)
      %run_scoped3A_188 = arith.constant 9 : i32
      %run_scoped3A_189 = arith.constant 1 : i32
      "tpu.region"() ({
        %run_scoped3A_278 = tpu.sem_alloc : memref<!tpu.dma_semaphore, #tpu.memory_space<semaphore_mem>>
        %dma_start3A_279 = arith.constant 0 : i32
        %dma_start3A_280 = tpu.memref_slice %arg5[%run_scoped3A_188, %run_scoped3A_189, %dma_start3A_279] : memref<16x2x128xi32, #tpu.memory_space<vmem>> -> memref<1x1x128xi32, #tpu.memory_space<vmem>>
        %dma_start3A_281 = tpu.memref_squeeze %dma_start3A_280 : memref<1x1x128xi32, #tpu.memory_space<vmem>> -> memref<128xi32, #tpu.memory_space<vmem>>
        %dma_start3A_282 = arith.constant 0 : i32
        %dma_start3A_283 = arith.constant 0 : i32
        %dma_start3A_284 = tpu.memref_slice %arg8[%dma_start3A_282, %dma_start3A_283] : memref<10112x128xf32, #tpu.memory_space<vmem_shared>> -> memref<10112x128xf32, #tpu.memory_space<vmem_shared>>
        tpu.enqueue_indirect_dma source(%arg7 : memref<128x128xf32, #tpu.memory_space<vmem>>) target(%dma_start3A_284 : memref<10112x128xf32, #tpu.memory_space<vmem_shared>>) offsets(%dma_start3A_281 : memref<128xi32, #tpu.memory_space<vmem>>) semaphore(%run_scoped3A_278 : memref<!tpu.dma_semaphore, #tpu.memory_space<semaphore_mem>>) {add = true}
        %dma_wait3A_285 = arith.constant 0 : i32
        %dma_wait3A_286 = tpu.memref_slice %arg5[%run_scoped3A_188, %run_scoped3A_189, %dma_wait3A_285] : memref<16x2x128xi32, #tpu.memory_space<vmem>> -> memref<1x1x128xi32, #tpu.memory_space<vmem>>
        %dma_wait3A_287 = tpu.memref_squeeze %dma_wait3A_286 : memref<1x1x128xi32, #tpu.memory_space<vmem>> -> memref<128xi32, #tpu.memory_space<vmem>>
        %dma_wait3A_288 = arith.constant 0 : i32
        %dma_wait3A_289 = arith.constant 0 : i32
        %dma_wait3A_290 = tpu.memref_slice %arg8[%dma_wait3A_288, %dma_wait3A_289] : memref<10112x128xf32, #tpu.memory_space<vmem_shared>> -> memref<10112x128xf32, #tpu.memory_space<vmem_shared>>
        tpu.wait_indirect_dma semaphore(%run_scoped3A_278 : memref<!tpu.dma_semaphore, #tpu.memory_space<semaphore_mem>>) src(%arg7 : memref<128x128xf32, #tpu.memory_space<vmem>>) dst(%dma_wait3A_290 : memref<10112x128xf32, #tpu.memory_space<vmem_shared>>)
        tpu.yield
      }) : () -> ()
      %dma_start3A_190 = arith.constant 11 : i32
      %dma_start3A_191 = arith.constant 0 : i32
      %dma_start3A_192 = arith.constant 0 : i32
      %dma_start3A_193 = tpu.memref_slice %arg5[%dma_start3A_190, %dma_start3A_191, %dma_start3A_192] : memref<16x2x128xi32, #tpu.memory_space<vmem>> -> memref<1x1x128xi32, #tpu.memory_space<vmem>>
      %dma_start3A_194 = tpu.memref_squeeze %dma_start3A_193 : memref<1x1x128xi32, #tpu.memory_space<vmem>> -> memref<128xi32, #tpu.memory_space<vmem>>
      %dma_start3A_195 = arith.constant 0 : i32
      %dma_start3A_196 = arith.constant 0 : i32
      %dma_start3A_197 = tpu.memref_slice %arg2[%dma_start3A_195, %dma_start3A_196] : memref<20112x128xf32, #tpu.memory_space<hbm>> -> memref<20112x128xf32, #tpu.memory_space<hbm>>
      tpu.enqueue_indirect_dma source(%dma_start3A_197 : memref<20112x128xf32, #tpu.memory_space<hbm>>) target(%arg7 : memref<128x128xf32, #tpu.memory_space<vmem>>) offsets(%dma_start3A_194 : memref<128xi32, #tpu.memory_space<vmem>>) semaphore(%arg10 : memref<!tpu.dma_semaphore, #tpu.memory_space<semaphore_mem>>)
      %dma_wait3A_198 = arith.constant 0 : i32
      %dma_wait3A_199 = arith.constant 0 : i32
      %dma_wait3A_200 = tpu.memref_slice %arg2[%dma_wait3A_198, %dma_wait3A_199] : memref<20112x128xf32, #tpu.memory_space<hbm>> -> memref<128x128xf32, #tpu.memory_space<hbm>>
      %dma_wait3A_201 = arith.constant 0 : i32
      %dma_wait3A_202 = arith.constant 0 : i32
      %dma_wait3A_203 = tpu.memref_slice %arg2[%dma_wait3A_201, %dma_wait3A_202] : memref<20112x128xf32, #tpu.memory_space<hbm>> -> memref<128x128xf32, #tpu.memory_space<hbm>>
      tpu.wait_dma2 semaphore(%arg9 : memref<!tpu.dma_semaphore, #tpu.memory_space<semaphore_mem>>) src(%dma_wait3A_203 : memref<128x128xf32, #tpu.memory_space<hbm>>) dst(%arg6 : memref<128x128xf32, #tpu.memory_space<vmem>>)
      %run_scoped3A_204 = arith.constant 10 : i32
      %run_scoped3A_205 = arith.constant 1 : i32
      "tpu.region"() ({
        %run_scoped3A_278 = tpu.sem_alloc : memref<!tpu.dma_semaphore, #tpu.memory_space<semaphore_mem>>
        %dma_start3A_279 = arith.constant 0 : i32
        %dma_start3A_280 = tpu.memref_slice %arg5[%run_scoped3A_204, %run_scoped3A_205, %dma_start3A_279] : memref<16x2x128xi32, #tpu.memory_space<vmem>> -> memref<1x1x128xi32, #tpu.memory_space<vmem>>
        %dma_start3A_281 = tpu.memref_squeeze %dma_start3A_280 : memref<1x1x128xi32, #tpu.memory_space<vmem>> -> memref<128xi32, #tpu.memory_space<vmem>>
        %dma_start3A_282 = arith.constant 0 : i32
        %dma_start3A_283 = arith.constant 0 : i32
        %dma_start3A_284 = tpu.memref_slice %arg8[%dma_start3A_282, %dma_start3A_283] : memref<10112x128xf32, #tpu.memory_space<vmem_shared>> -> memref<10112x128xf32, #tpu.memory_space<vmem_shared>>
        tpu.enqueue_indirect_dma source(%arg6 : memref<128x128xf32, #tpu.memory_space<vmem>>) target(%dma_start3A_284 : memref<10112x128xf32, #tpu.memory_space<vmem_shared>>) offsets(%dma_start3A_281 : memref<128xi32, #tpu.memory_space<vmem>>) semaphore(%run_scoped3A_278 : memref<!tpu.dma_semaphore, #tpu.memory_space<semaphore_mem>>) {add = true}
        %dma_wait3A_285 = arith.constant 0 : i32
        %dma_wait3A_286 = tpu.memref_slice %arg5[%run_scoped3A_204, %run_scoped3A_205, %dma_wait3A_285] : memref<16x2x128xi32, #tpu.memory_space<vmem>> -> memref<1x1x128xi32, #tpu.memory_space<vmem>>
        %dma_wait3A_287 = tpu.memref_squeeze %dma_wait3A_286 : memref<1x1x128xi32, #tpu.memory_space<vmem>> -> memref<128xi32, #tpu.memory_space<vmem>>
        %dma_wait3A_288 = arith.constant 0 : i32
        %dma_wait3A_289 = arith.constant 0 : i32
        %dma_wait3A_290 = tpu.memref_slice %arg8[%dma_wait3A_288, %dma_wait3A_289] : memref<10112x128xf32, #tpu.memory_space<vmem_shared>> -> memref<10112x128xf32, #tpu.memory_space<vmem_shared>>
        tpu.wait_indirect_dma semaphore(%run_scoped3A_278 : memref<!tpu.dma_semaphore, #tpu.memory_space<semaphore_mem>>) src(%arg6 : memref<128x128xf32, #tpu.memory_space<vmem>>) dst(%dma_wait3A_290 : memref<10112x128xf32, #tpu.memory_space<vmem_shared>>)
        tpu.yield
      }) : () -> ()
      %dma_start3A_206 = arith.constant 12 : i32
      %dma_start3A_207 = arith.constant 0 : i32
      %dma_start3A_208 = arith.constant 0 : i32
      %dma_start3A_209 = tpu.memref_slice %arg5[%dma_start3A_206, %dma_start3A_207, %dma_start3A_208] : memref<16x2x128xi32, #tpu.memory_space<vmem>> -> memref<1x1x128xi32, #tpu.memory_space<vmem>>
      %dma_start3A_210 = tpu.memref_squeeze %dma_start3A_209 : memref<1x1x128xi32, #tpu.memory_space<vmem>> -> memref<128xi32, #tpu.memory_space<vmem>>
      %dma_start3A_211 = arith.constant 0 : i32
      %dma_start3A_212 = arith.constant 0 : i32
      %dma_start3A_213 = tpu.memref_slice %arg2[%dma_start3A_211, %dma_start3A_212] : memref<20112x128xf32, #tpu.memory_space<hbm>> -> memref<20112x128xf32, #tpu.memory_space<hbm>>
      tpu.enqueue_indirect_dma source(%dma_start3A_213 : memref<20112x128xf32, #tpu.memory_space<hbm>>) target(%arg6 : memref<128x128xf32, #tpu.memory_space<vmem>>) offsets(%dma_start3A_210 : memref<128xi32, #tpu.memory_space<vmem>>) semaphore(%arg9 : memref<!tpu.dma_semaphore, #tpu.memory_space<semaphore_mem>>)
      %dma_wait3A_214 = arith.constant 0 : i32
      %dma_wait3A_215 = arith.constant 0 : i32
      %dma_wait3A_216 = tpu.memref_slice %arg2[%dma_wait3A_214, %dma_wait3A_215] : memref<20112x128xf32, #tpu.memory_space<hbm>> -> memref<128x128xf32, #tpu.memory_space<hbm>>
      %dma_wait3A_217 = arith.constant 0 : i32
      %dma_wait3A_218 = arith.constant 0 : i32
      %dma_wait3A_219 = tpu.memref_slice %arg2[%dma_wait3A_217, %dma_wait3A_218] : memref<20112x128xf32, #tpu.memory_space<hbm>> -> memref<128x128xf32, #tpu.memory_space<hbm>>
      tpu.wait_dma2 semaphore(%arg10 : memref<!tpu.dma_semaphore, #tpu.memory_space<semaphore_mem>>) src(%dma_wait3A_219 : memref<128x128xf32, #tpu.memory_space<hbm>>) dst(%arg7 : memref<128x128xf32, #tpu.memory_space<vmem>>)
      %run_scoped3A_220 = arith.constant 11 : i32
      %run_scoped3A_221 = arith.constant 1 : i32
      "tpu.region"() ({
        %run_scoped3A_278 = tpu.sem_alloc : memref<!tpu.dma_semaphore, #tpu.memory_space<semaphore_mem>>
        %dma_start3A_279 = arith.constant 0 : i32
        %dma_start3A_280 = tpu.memref_slice %arg5[%run_scoped3A_220, %run_scoped3A_221, %dma_start3A_279] : memref<16x2x128xi32, #tpu.memory_space<vmem>> -> memref<1x1x128xi32, #tpu.memory_space<vmem>>
        %dma_start3A_281 = tpu.memref_squeeze %dma_start3A_280 : memref<1x1x128xi32, #tpu.memory_space<vmem>> -> memref<128xi32, #tpu.memory_space<vmem>>
        %dma_start3A_282 = arith.constant 0 : i32
        %dma_start3A_283 = arith.constant 0 : i32
        %dma_start3A_284 = tpu.memref_slice %arg8[%dma_start3A_282, %dma_start3A_283] : memref<10112x128xf32, #tpu.memory_space<vmem_shared>> -> memref<10112x128xf32, #tpu.memory_space<vmem_shared>>
        tpu.enqueue_indirect_dma source(%arg7 : memref<128x128xf32, #tpu.memory_space<vmem>>) target(%dma_start3A_284 : memref<10112x128xf32, #tpu.memory_space<vmem_shared>>) offsets(%dma_start3A_281 : memref<128xi32, #tpu.memory_space<vmem>>) semaphore(%run_scoped3A_278 : memref<!tpu.dma_semaphore, #tpu.memory_space<semaphore_mem>>) {add = true}
        %dma_wait3A_285 = arith.constant 0 : i32
        %dma_wait3A_286 = tpu.memref_slice %arg5[%run_scoped3A_220, %run_scoped3A_221, %dma_wait3A_285] : memref<16x2x128xi32, #tpu.memory_space<vmem>> -> memref<1x1x128xi32, #tpu.memory_space<vmem>>
        %dma_wait3A_287 = tpu.memref_squeeze %dma_wait3A_286 : memref<1x1x128xi32, #tpu.memory_space<vmem>> -> memref<128xi32, #tpu.memory_space<vmem>>
        %dma_wait3A_288 = arith.constant 0 : i32
        %dma_wait3A_289 = arith.constant 0 : i32
        %dma_wait3A_290 = tpu.memref_slice %arg8[%dma_wait3A_288, %dma_wait3A_289] : memref<10112x128xf32, #tpu.memory_space<vmem_shared>> -> memref<10112x128xf32, #tpu.memory_space<vmem_shared>>
        tpu.wait_indirect_dma semaphore(%run_scoped3A_278 : memref<!tpu.dma_semaphore, #tpu.memory_space<semaphore_mem>>) src(%arg7 : memref<128x128xf32, #tpu.memory_space<vmem>>) dst(%dma_wait3A_290 : memref<10112x128xf32, #tpu.memory_space<vmem_shared>>)
        tpu.yield
      }) : () -> ()
      %dma_start3A_222 = arith.constant 13 : i32
      %dma_start3A_223 = arith.constant 0 : i32
      %dma_start3A_224 = arith.constant 0 : i32
      %dma_start3A_225 = tpu.memref_slice %arg5[%dma_start3A_222, %dma_start3A_223, %dma_start3A_224] : memref<16x2x128xi32, #tpu.memory_space<vmem>> -> memref<1x1x128xi32, #tpu.memory_space<vmem>>
      %dma_start3A_226 = tpu.memref_squeeze %dma_start3A_225 : memref<1x1x128xi32, #tpu.memory_space<vmem>> -> memref<128xi32, #tpu.memory_space<vmem>>
      %dma_start3A_227 = arith.constant 0 : i32
      %dma_start3A_228 = arith.constant 0 : i32
      %dma_start3A_229 = tpu.memref_slice %arg2[%dma_start3A_227, %dma_start3A_228] : memref<20112x128xf32, #tpu.memory_space<hbm>> -> memref<20112x128xf32, #tpu.memory_space<hbm>>
      tpu.enqueue_indirect_dma source(%dma_start3A_229 : memref<20112x128xf32, #tpu.memory_space<hbm>>) target(%arg7 : memref<128x128xf32, #tpu.memory_space<vmem>>) offsets(%dma_start3A_226 : memref<128xi32, #tpu.memory_space<vmem>>) semaphore(%arg10 : memref<!tpu.dma_semaphore, #tpu.memory_space<semaphore_mem>>)
      %dma_wait3A_230 = arith.constant 0 : i32
      %dma_wait3A_231 = arith.constant 0 : i32
      %dma_wait3A_232 = tpu.memref_slice %arg2[%dma_wait3A_230, %dma_wait3A_231] : memref<20112x128xf32, #tpu.memory_space<hbm>> -> memref<128x128xf32, #tpu.memory_space<hbm>>
      %dma_wait3A_233 = arith.constant 0 : i32
      %dma_wait3A_234 = arith.constant 0 : i32
      %dma_wait3A_235 = tpu.memref_slice %arg2[%dma_wait3A_233, %dma_wait3A_234] : memref<20112x128xf32, #tpu.memory_space<hbm>> -> memref<128x128xf32, #tpu.memory_space<hbm>>
      tpu.wait_dma2 semaphore(%arg9 : memref<!tpu.dma_semaphore, #tpu.memory_space<semaphore_mem>>) src(%dma_wait3A_235 : memref<128x128xf32, #tpu.memory_space<hbm>>) dst(%arg6 : memref<128x128xf32, #tpu.memory_space<vmem>>)
      %run_scoped3A_236 = arith.constant 12 : i32
      %run_scoped3A_237 = arith.constant 1 : i32
      "tpu.region"() ({
        %run_scoped3A_278 = tpu.sem_alloc : memref<!tpu.dma_semaphore, #tpu.memory_space<semaphore_mem>>
        %dma_start3A_279 = arith.constant 0 : i32
        %dma_start3A_280 = tpu.memref_slice %arg5[%run_scoped3A_236, %run_scoped3A_237, %dma_start3A_279] : memref<16x2x128xi32, #tpu.memory_space<vmem>> -> memref<1x1x128xi32, #tpu.memory_space<vmem>>
        %dma_start3A_281 = tpu.memref_squeeze %dma_start3A_280 : memref<1x1x128xi32, #tpu.memory_space<vmem>> -> memref<128xi32, #tpu.memory_space<vmem>>
        %dma_start3A_282 = arith.constant 0 : i32
        %dma_start3A_283 = arith.constant 0 : i32
        %dma_start3A_284 = tpu.memref_slice %arg8[%dma_start3A_282, %dma_start3A_283] : memref<10112x128xf32, #tpu.memory_space<vmem_shared>> -> memref<10112x128xf32, #tpu.memory_space<vmem_shared>>
        tpu.enqueue_indirect_dma source(%arg6 : memref<128x128xf32, #tpu.memory_space<vmem>>) target(%dma_start3A_284 : memref<10112x128xf32, #tpu.memory_space<vmem_shared>>) offsets(%dma_start3A_281 : memref<128xi32, #tpu.memory_space<vmem>>) semaphore(%run_scoped3A_278 : memref<!tpu.dma_semaphore, #tpu.memory_space<semaphore_mem>>) {add = true}
        %dma_wait3A_285 = arith.constant 0 : i32
        %dma_wait3A_286 = tpu.memref_slice %arg5[%run_scoped3A_236, %run_scoped3A_237, %dma_wait3A_285] : memref<16x2x128xi32, #tpu.memory_space<vmem>> -> memref<1x1x128xi32, #tpu.memory_space<vmem>>
        %dma_wait3A_287 = tpu.memref_squeeze %dma_wait3A_286 : memref<1x1x128xi32, #tpu.memory_space<vmem>> -> memref<128xi32, #tpu.memory_space<vmem>>
        %dma_wait3A_288 = arith.constant 0 : i32
        %dma_wait3A_289 = arith.constant 0 : i32
        %dma_wait3A_290 = tpu.memref_slice %arg8[%dma_wait3A_288, %dma_wait3A_289] : memref<10112x128xf32, #tpu.memory_space<vmem_shared>> -> memref<10112x128xf32, #tpu.memory_space<vmem_shared>>
        tpu.wait_indirect_dma semaphore(%run_scoped3A_278 : memref<!tpu.dma_semaphore, #tpu.memory_space<semaphore_mem>>) src(%arg6 : memref<128x128xf32, #tpu.memory_space<vmem>>) dst(%dma_wait3A_290 : memref<10112x128xf32, #tpu.memory_space<vmem_shared>>)
        tpu.yield
      }) : () -> ()
      %dma_start3A_238 = arith.constant 14 : i32
      %dma_start3A_239 = arith.constant 0 : i32
      %dma_start3A_240 = arith.constant 0 : i32
      %dma_start3A_241 = tpu.memref_slice %arg5[%dma_start3A_238, %dma_start3A_239, %dma_start3A_240] : memref<16x2x128xi32, #tpu.memory_space<vmem>> -> memref<1x1x128xi32, #tpu.memory_space<vmem>>
      %dma_start3A_242 = tpu.memref_squeeze %dma_start3A_241 : memref<1x1x128xi32, #tpu.memory_space<vmem>> -> memref<128xi32, #tpu.memory_space<vmem>>
      %dma_start3A_243 = arith.constant 0 : i32
      %dma_start3A_244 = arith.constant 0 : i32
      %dma_start3A_245 = tpu.memref_slice %arg2[%dma_start3A_243, %dma_start3A_244] : memref<20112x128xf32, #tpu.memory_space<hbm>> -> memref<20112x128xf32, #tpu.memory_space<hbm>>
      tpu.enqueue_indirect_dma source(%dma_start3A_245 : memref<20112x128xf32, #tpu.memory_space<hbm>>) target(%arg6 : memref<128x128xf32, #tpu.memory_space<vmem>>) offsets(%dma_start3A_242 : memref<128xi32, #tpu.memory_space<vmem>>) semaphore(%arg9 : memref<!tpu.dma_semaphore, #tpu.memory_space<semaphore_mem>>)
      %dma_wait3A_246 = arith.constant 0 : i32
      %dma_wait3A_247 = arith.constant 0 : i32
      %dma_wait3A_248 = tpu.memref_slice %arg2[%dma_wait3A_246, %dma_wait3A_247] : memref<20112x128xf32, #tpu.memory_space<hbm>> -> memref<128x128xf32, #tpu.memory_space<hbm>>
      %dma_wait3A_249 = arith.constant 0 : i32
      %dma_wait3A_250 = arith.constant 0 : i32
      %dma_wait3A_251 = tpu.memref_slice %arg2[%dma_wait3A_249, %dma_wait3A_250] : memref<20112x128xf32, #tpu.memory_space<hbm>> -> memref<128x128xf32, #tpu.memory_space<hbm>>
      tpu.wait_dma2 semaphore(%arg10 : memref<!tpu.dma_semaphore, #tpu.memory_space<semaphore_mem>>) src(%dma_wait3A_251 : memref<128x128xf32, #tpu.memory_space<hbm>>) dst(%arg7 : memref<128x128xf32, #tpu.memory_space<vmem>>)
      %run_scoped3A_252 = arith.constant 13 : i32
      %run_scoped3A_253 = arith.constant 1 : i32
      "tpu.region"() ({
        %run_scoped3A_278 = tpu.sem_alloc : memref<!tpu.dma_semaphore, #tpu.memory_space<semaphore_mem>>
        %dma_start3A_279 = arith.constant 0 : i32
        %dma_start3A_280 = tpu.memref_slice %arg5[%run_scoped3A_252, %run_scoped3A_253, %dma_start3A_279] : memref<16x2x128xi32, #tpu.memory_space<vmem>> -> memref<1x1x128xi32, #tpu.memory_space<vmem>>
        %dma_start3A_281 = tpu.memref_squeeze %dma_start3A_280 : memref<1x1x128xi32, #tpu.memory_space<vmem>> -> memref<128xi32, #tpu.memory_space<vmem>>
        %dma_start3A_282 = arith.constant 0 : i32
        %dma_start3A_283 = arith.constant 0 : i32
        %dma_start3A_284 = tpu.memref_slice %arg8[%dma_start3A_282, %dma_start3A_283] : memref<10112x128xf32, #tpu.memory_space<vmem_shared>> -> memref<10112x128xf32, #tpu.memory_space<vmem_shared>>
        tpu.enqueue_indirect_dma source(%arg7 : memref<128x128xf32, #tpu.memory_space<vmem>>) target(%dma_start3A_284 : memref<10112x128xf32, #tpu.memory_space<vmem_shared>>) offsets(%dma_start3A_281 : memref<128xi32, #tpu.memory_space<vmem>>) semaphore(%run_scoped3A_278 : memref<!tpu.dma_semaphore, #tpu.memory_space<semaphore_mem>>) {add = true}
        %dma_wait3A_285 = arith.constant 0 : i32
        %dma_wait3A_286 = tpu.memref_slice %arg5[%run_scoped3A_252, %run_scoped3A_253, %dma_wait3A_285] : memref<16x2x128xi32, #tpu.memory_space<vmem>> -> memref<1x1x128xi32, #tpu.memory_space<vmem>>
        %dma_wait3A_287 = tpu.memref_squeeze %dma_wait3A_286 : memref<1x1x128xi32, #tpu.memory_space<vmem>> -> memref<128xi32, #tpu.memory_space<vmem>>
        %dma_wait3A_288 = arith.constant 0 : i32
        %dma_wait3A_289 = arith.constant 0 : i32
        %dma_wait3A_290 = tpu.memref_slice %arg8[%dma_wait3A_288, %dma_wait3A_289] : memref<10112x128xf32, #tpu.memory_space<vmem_shared>> -> memref<10112x128xf32, #tpu.memory_space<vmem_shared>>
        tpu.wait_indirect_dma semaphore(%run_scoped3A_278 : memref<!tpu.dma_semaphore, #tpu.memory_space<semaphore_mem>>) src(%arg7 : memref<128x128xf32, #tpu.memory_space<vmem>>) dst(%dma_wait3A_290 : memref<10112x128xf32, #tpu.memory_space<vmem_shared>>)
        tpu.yield
      }) : () -> ()
      %dma_start3A_254 = arith.constant 15 : i32
      %dma_start3A_255 = arith.constant 0 : i32
      %dma_start3A_256 = arith.constant 0 : i32
      %dma_start3A_257 = tpu.memref_slice %arg5[%dma_start3A_254, %dma_start3A_255, %dma_start3A_256] : memref<16x2x128xi32, #tpu.memory_space<vmem>> -> memref<1x1x128xi32, #tpu.memory_space<vmem>>
      %dma_start3A_258 = tpu.memref_squeeze %dma_start3A_257 : memref<1x1x128xi32, #tpu.memory_space<vmem>> -> memref<128xi32, #tpu.memory_space<vmem>>
      %dma_start3A_259 = arith.constant 0 : i32
      %dma_start3A_260 = arith.constant 0 : i32
      %dma_start3A_261 = tpu.memref_slice %arg2[%dma_start3A_259, %dma_start3A_260] : memref<20112x128xf32, #tpu.memory_space<hbm>> -> memref<20112x128xf32, #tpu.memory_space<hbm>>
      tpu.enqueue_indirect_dma source(%dma_start3A_261 : memref<20112x128xf32, #tpu.memory_space<hbm>>) target(%arg7 : memref<128x128xf32, #tpu.memory_space<vmem>>) offsets(%dma_start3A_258 : memref<128xi32, #tpu.memory_space<vmem>>) semaphore(%arg10 : memref<!tpu.dma_semaphore, #tpu.memory_space<semaphore_mem>>)
      %dma_wait3A_262 = arith.constant 0 : i32
      %dma_wait3A_263 = arith.constant 0 : i32
      %dma_wait3A_264 = tpu.memref_slice %arg2[%dma_wait3A_262, %dma_wait3A_263] : memref<20112x128xf32, #tpu.memory_space<hbm>> -> memref<128x128xf32, #tpu.memory_space<hbm>>
      %dma_wait3A_265 = arith.constant 0 : i32
      %dma_wait3A_266 = arith.constant 0 : i32
      %dma_wait3A_267 = tpu.memref_slice %arg2[%dma_wait3A_265, %dma_wait3A_266] : memref<20112x128xf32, #tpu.memory_space<hbm>> -> memref<128x128xf32, #tpu.memory_space<hbm>>
      tpu.wait_dma2 semaphore(%arg9 : memref<!tpu.dma_semaphore, #tpu.memory_space<semaphore_mem>>) src(%dma_wait3A_267 : memref<128x128xf32, #tpu.memory_space<hbm>>) dst(%arg6 : memref<128x128xf32, #tpu.memory_space<vmem>>)
      %run_scoped3A_268 = arith.constant 14 : i32
      %run_scoped3A_269 = arith.constant 1 : i32
      "tpu.region"() ({
        %run_scoped3A_278 = tpu.sem_alloc : memref<!tpu.dma_semaphore, #tpu.memory_space<semaphore_mem>>
        %dma_start3A_279 = arith.constant 0 : i32
        %dma_start3A_280 = tpu.memref_slice %arg5[%run_scoped3A_268, %run_scoped3A_269, %dma_start3A_279] : memref<16x2x128xi32, #tpu.memory_space<vmem>> -> memref<1x1x128xi32, #tpu.memory_space<vmem>>
        %dma_start3A_281 = tpu.memref_squeeze %dma_start3A_280 : memref<1x1x128xi32, #tpu.memory_space<vmem>> -> memref<128xi32, #tpu.memory_space<vmem>>
        %dma_start3A_282 = arith.constant 0 : i32
        %dma_start3A_283 = arith.constant 0 : i32
        %dma_start3A_284 = tpu.memref_slice %arg8[%dma_start3A_282, %dma_start3A_283] : memref<10112x128xf32, #tpu.memory_space<vmem_shared>> -> memref<10112x128xf32, #tpu.memory_space<vmem_shared>>
        tpu.enqueue_indirect_dma source(%arg6 : memref<128x128xf32, #tpu.memory_space<vmem>>) target(%dma_start3A_284 : memref<10112x128xf32, #tpu.memory_space<vmem_shared>>) offsets(%dma_start3A_281 : memref<128xi32, #tpu.memory_space<vmem>>) semaphore(%run_scoped3A_278 : memref<!tpu.dma_semaphore, #tpu.memory_space<semaphore_mem>>) {add = true}
        %dma_wait3A_285 = arith.constant 0 : i32
        %dma_wait3A_286 = tpu.memref_slice %arg5[%run_scoped3A_268, %run_scoped3A_269, %dma_wait3A_285] : memref<16x2x128xi32, #tpu.memory_space<vmem>> -> memref<1x1x128xi32, #tpu.memory_space<vmem>>
        %dma_wait3A_287 = tpu.memref_squeeze %dma_wait3A_286 : memref<1x1x128xi32, #tpu.memory_space<vmem>> -> memref<128xi32, #tpu.memory_space<vmem>>
        %dma_wait3A_288 = arith.constant 0 : i32
        %dma_wait3A_289 = arith.constant 0 : i32
        %dma_wait3A_290 = tpu.memref_slice %arg8[%dma_wait3A_288, %dma_wait3A_289] : memref<10112x128xf32, #tpu.memory_space<vmem_shared>> -> memref<10112x128xf32, #tpu.memory_space<vmem_shared>>
        tpu.wait_indirect_dma semaphore(%run_scoped3A_278 : memref<!tpu.dma_semaphore, #tpu.memory_space<semaphore_mem>>) src(%arg6 : memref<128x128xf32, #tpu.memory_space<vmem>>) dst(%dma_wait3A_290 : memref<10112x128xf32, #tpu.memory_space<vmem_shared>>)
        tpu.yield
      }) : () -> ()
      %dma_wait3A_270 = arith.constant 0 : i32
      %dma_wait3A_271 = arith.constant 0 : i32
      %dma_wait3A_272 = tpu.memref_slice %arg2[%dma_wait3A_270, %dma_wait3A_271] : memref<20112x128xf32, #tpu.memory_space<hbm>> -> memref<128x128xf32, #tpu.memory_space<hbm>>
      %dma_wait3A_273 = arith.constant 0 : i32
      %dma_wait3A_274 = arith.constant 0 : i32
      %dma_wait3A_275 = tpu.memref_slice %arg2[%dma_wait3A_273, %dma_wait3A_274] : memref<20112x128xf32, #tpu.memory_space<hbm>> -> memref<128x128xf32, #tpu.memory_space<hbm>>
      tpu.wait_dma2 semaphore(%arg10 : memref<!tpu.dma_semaphore, #tpu.memory_space<semaphore_mem>>) src(%dma_wait3A_275 : memref<128x128xf32, #tpu.memory_space<hbm>>) dst(%arg7 : memref<128x128xf32, #tpu.memory_space<vmem>>)
      %run_scoped3A_276 = arith.constant 15 : i32
      %run_scoped3A_277 = arith.constant 1 : i32
      "tpu.region"() ({
        %run_scoped3A_278 = tpu.sem_alloc : memref<!tpu.dma_semaphore, #tpu.memory_space<semaphore_mem>>
        %dma_start3A_279 = arith.constant 0 : i32
        %dma_start3A_280 = tpu.memref_slice %arg5[%run_scoped3A_276, %run_scoped3A_277, %dma_start3A_279] : memref<16x2x128xi32, #tpu.memory_space<vmem>> -> memref<1x1x128xi32, #tpu.memory_space<vmem>>
        %dma_start3A_281 = tpu.memref_squeeze %dma_start3A_280 : memref<1x1x128xi32, #tpu.memory_space<vmem>> -> memref<128xi32, #tpu.memory_space<vmem>>
        %dma_start3A_282 = arith.constant 0 : i32
        %dma_start3A_283 = arith.constant 0 : i32
        %dma_start3A_284 = tpu.memref_slice %arg8[%dma_start3A_282, %dma_start3A_283] : memref<10112x128xf32, #tpu.memory_space<vmem_shared>> -> memref<10112x128xf32, #tpu.memory_space<vmem_shared>>
        tpu.enqueue_indirect_dma source(%arg7 : memref<128x128xf32, #tpu.memory_space<vmem>>) target(%dma_start3A_284 : memref<10112x128xf32, #tpu.memory_space<vmem_shared>>) offsets(%dma_start3A_281 : memref<128xi32, #tpu.memory_space<vmem>>) semaphore(%run_scoped3A_278 : memref<!tpu.dma_semaphore, #tpu.memory_space<semaphore_mem>>) {add = true}
        %dma_wait3A_285 = arith.constant 0 : i32
        %dma_wait3A_286 = tpu.memref_slice %arg5[%run_scoped3A_276, %run_scoped3A_277, %dma_wait3A_285] : memref<16x2x128xi32, #tpu.memory_space<vmem>> -> memref<1x1x128xi32, #tpu.memory_space<vmem>>
        %dma_wait3A_287 = tpu.memref_squeeze %dma_wait3A_286 : memref<1x1x128xi32, #tpu.memory_space<vmem>> -> memref<128xi32, #tpu.memory_space<vmem>>
        %dma_wait3A_288 = arith.constant 0 : i32
        %dma_wait3A_289 = arith.constant 0 : i32
        %dma_wait3A_290 = tpu.memref_slice %arg8[%dma_wait3A_288, %dma_wait3A_289] : memref<10112x128xf32, #tpu.memory_space<vmem_shared>> -> memref<10112x128xf32, #tpu.memory_space<vmem_shared>>
        tpu.wait_indirect_dma semaphore(%run_scoped3A_278 : memref<!tpu.dma_semaphore, #tpu.memory_space<semaphore_mem>>) src(%arg7 : memref<128x128xf32, #tpu.memory_space<vmem>>) dst(%dma_wait3A_290 : memref<10112x128xf32, #tpu.memory_space<vmem_shared>>)
        tpu.yield
      }) : () -> ()
    }
    %scan3A_12 = arith.constant 10 : i32
    %barrier3A_13 = arith.constant 0 : index
    tpu.barrier barrier_id(%barrier3A_13)
    %mul3A_14 = arith.constant 10112 : i32
    %mul3A_15 = arith.muli %arg0, %mul3A_14 : i32
    %mul3A_16 = arith.constant 632 : i32
    %mul3A_17 = arith.muli %arg1, %mul3A_16 : i32
    %add3A_18 = arith.addi %mul3A_15, %mul3A_17 : i32
    %multiple_of3A_19 = tpu.assume_multiple %add3A_18, 8 : i32
    %mul3A_20 = arith.constant 632 : i32
    %mul3A_21 = arith.muli %arg1, %mul3A_20 : i32
    "tpu.region"() ({
      %run_scoped3A = tpu.sem_alloc : memref<!tpu.dma_semaphore, #tpu.memory_space<semaphore_mem>>
      %dma_start3A = arith.constant 0 : i32
      %dma_start3A_22 = tpu.memref_slice %arg4[%multiple_of3A_19, %dma_start3A] : memref<20224x128xf32, #tpu.memory_space<hbm>> -> memref<632x128xf32, #tpu.memory_space<hbm>>
      %dma_start3A_23 = arith.constant 0 : i32
      %dma_start3A_24 = tpu.memref_slice %arg8[%mul3A_21, %dma_start3A_23] : memref<10112x128xf32, #tpu.memory_space<vmem_shared>> -> memref<632x128xf32, #tpu.memory_space<vmem_shared>>
      tpu.enqueue_dma source(%dma_start3A_24 : memref<632x128xf32, #tpu.memory_space<vmem_shared>>) target(%dma_start3A_22 : memref<632x128xf32, #tpu.memory_space<hbm>>) target_semaphore(%run_scoped3A : memref<!tpu.dma_semaphore, #tpu.memory_space<semaphore_mem>>)
      %dma_wait3A = arith.constant 0 : i32
      %dma_wait3A_25 = tpu.memref_slice %arg4[%multiple_of3A_19, %dma_wait3A] : memref<20224x128xf32, #tpu.memory_space<hbm>> -> memref<632x128xf32, #tpu.memory_space<hbm>>
      %dma_wait3A_26 = arith.constant 0 : i32
      %dma_wait3A_27 = tpu.memref_slice %arg8[%mul3A_21, %dma_wait3A_26] : memref<10112x128xf32, #tpu.memory_space<vmem_shared>> -> memref<632x128xf32, #tpu.memory_space<vmem_shared>>
      tpu.wait_dma2 semaphore(%run_scoped3A : memref<!tpu.dma_semaphore, #tpu.memory_space<semaphore_mem>>) src(%dma_wait3A_27 : memref<632x128xf32, #tpu.memory_space<vmem_shared>>) dst(%dma_wait3A_25 : memref<632x128xf32, #tpu.memory_space<hbm>>)
      tpu.yield
    }) : () -> ()
    return
  }
}

#map = affine_map<(d0, d1) -> (0, 0)>
#map1 = affine_map<(d0, d1) -> (0, 0, 0, 0)>
module attributes {stable_mosaic.version = 14 : i64} {
  func.func @_scatter(%arg0: i32, %arg1: i32, %arg2: memref<10640x128xf32, #tpu.memory_space<hbm>>, %arg3: memref<32x80x2x128xi32, #tpu.memory_space<hbm>>, %arg4: memref<20224x128xf32, #tpu.memory_space<hbm>>, %arg5: memref<16x2x128xi32, #tpu.memory_space<vmem>>, %arg6: memref<128x128xf32, #tpu.memory_space<vmem>>, %arg7: memref<128x128xf32, #tpu.memory_space<vmem>>, %arg8: memref<10112x128xf32, #tpu.memory_space<vmem_shared>>, %arg9: memref<!tpu.dma_semaphore, #tpu.memory_space<semaphore_mem>>, %arg10: memref<!tpu.dma_semaphore, #tpu.memory_space<semaphore_mem>>) attributes {dimension_semantics = [#tpu.dimension_semantics<core_parallel>, #tpu.dimension_semantics<subcore_parallel>], iteration_bounds = array<i64: 2, 16>, scalar_prefetch = 0 : i64, scratch_operands = 6 : i64, tpu.core_type = #tpu.core_type<sc_vector_subcore>, window_params = [{transform_indices = #map}, {transform_indices = #map1}, {transform_indices = #map}]} {
    %mul3A = arith.constant 16 : i32
    %mul3A_0 = arith.muli %arg0, %mul3A : i32
    %add3A = arith.addi %mul3A_0, %arg1 : i32
    %mul3A_1 = arith.constant 10112 : i32
    %mul3A_2 = arith.muli %arg0, %mul3A_1 : i32
    %mul3A_3 = arith.constant 632 : i32
    %mul3A_4 = arith.muli %arg1, %mul3A_3 : i32
    %add3A_5 = arith.addi %mul3A_2, %mul3A_4 : i32
    %multiple_of3A = tpu.assume_multiple %add3A_5, 8 : i32
    %mul3A_6 = arith.constant 632 : i32
    %mul3A_7 = arith.muli %arg1, %mul3A_6 : i32
    "tpu.region"() ({
      %run_scoped3A = tpu.sem_alloc : memref<!tpu.dma_semaphore, #tpu.memory_space<semaphore_mem>>
      %dma_start3A = arith.constant 0 : i32
      %dma_start3A_22 = tpu.memref_slice %arg8[%mul3A_7, %dma_start3A] : memref<10112x128xf32, #tpu.memory_space<vmem_shared>> -> memref<632x128xf32, #tpu.memory_space<vmem_shared>>
      %dma_start3A_23 = arith.constant 0 : i32
      %dma_start3A_24 = tpu.memref_slice %arg2[%multiple_of3A, %dma_start3A_23] : memref<10640x128xf32, #tpu.memory_space<hbm>> -> memref<632x128xf32, #tpu.memory_space<hbm>>
      tpu.enqueue_dma source(%dma_start3A_24 : memref<632x128xf32, #tpu.memory_space<hbm>>) target(%dma_start3A_22 : memref<632x128xf32, #tpu.memory_space<vmem_shared>>) target_semaphore(%run_scoped3A : memref<!tpu.dma_semaphore, #tpu.memory_space<semaphore_mem>>)
      %dma_wait3A = arith.constant 0 : i32
      %dma_wait3A_25 = tpu.memref_slice %arg8[%mul3A_7, %dma_wait3A] : memref<10112x128xf32, #tpu.memory_space<vmem_shared>> -> memref<632x128xf32, #tpu.memory_space<vmem_shared>>
      %dma_wait3A_26 = arith.constant 0 : i32
      %dma_wait3A_27 = tpu.memref_slice %arg2[%multiple_of3A, %dma_wait3A_26] : memref<10640x128xf32, #tpu.memory_space<hbm>> -> memref<632x128xf32, #tpu.memory_space<hbm>>
      tpu.wait_dma2 semaphore(%run_scoped3A : memref<!tpu.dma_semaphore, #tpu.memory_space<semaphore_mem>>) src(%dma_wait3A_27 : memref<632x128xf32, #tpu.memory_space<hbm>>) dst(%dma_wait3A_25 : memref<632x128xf32, #tpu.memory_space<vmem_shared>>)
      tpu.yield
    }) : () -> ()
    %barrier3A = arith.constant 0 : index
    tpu.barrier barrier_id(%barrier3A)
    %scan3A = arith.constant 0 : i32
    %scan3A_8 = arith.constant 0 : i32
    %scan3A_9 = arith.constant 5 : i32
    %scan3A_10 = arith.addi %scan3A_8, %scan3A_9 : i32
    %scan3A_11 = arith.constant 1 : i32
    scf.for %scan3A_22 = %scan3A_8 to %scan3A_10 step %scan3A_11  : i32 {
      %mul3A_23 = arith.constant 16 : i32
      %mul3A_24 = arith.muli %scan3A_22, %mul3A_23 : i32
      "tpu.region"() ({
        %run_scoped3A_278 = tpu.sem_alloc : memref<!tpu.dma_semaphore, #tpu.memory_space<semaphore_mem>>
        %dma_start3A_279 = arith.constant 0 : i32
        %dma_start3A_280 = arith.constant 0 : i32
        %dma_start3A_281 = tpu.memref_slice %arg3[%add3A, %mul3A_24, %dma_start3A_279, %dma_start3A_280] : memref<32x80x2x128xi32, #tpu.memory_space<hbm>> -> memref<1x16x2x128xi32, #tpu.memory_space<hbm>>
        %dma_start3A_282 = tpu.memref_squeeze %dma_start3A_281 : memref<1x16x2x128xi32, #tpu.memory_space<hbm>> -> memref<16x2x128xi32, #tpu.memory_space<hbm>>
        %dma_start3A_283 = arith.constant 0 : i32
        %dma_start3A_284 = arith.constant 0 : i32
        %dma_start3A_285 = tpu.memref_slice %arg3[%add3A, %mul3A_24, %dma_start3A_283, %dma_start3A_284] : memref<32x80x2x128xi32, #tpu.memory_space<hbm>> -> memref<1x16x2x128xi32, #tpu.memory_space<hbm>>
        %dma_start3A_286 = tpu.memref_squeeze %dma_start3A_285 : memref<1x16x2x128xi32, #tpu.memory_space<hbm>> -> memref<16x2x128xi32, #tpu.memory_space<hbm>>
        tpu.enqueue_dma source(%dma_start3A_286 : memref<16x2x128xi32, #tpu.memory_space<hbm>>) target(%arg5 : memref<16x2x128xi32, #tpu.memory_space<vmem>>) target_semaphore(%run_scoped3A_278 : memref<!tpu.dma_semaphore, #tpu.memory_space<semaphore_mem>>)
        %dma_wait3A_287 = arith.constant 0 : i32
        %dma_wait3A_288 = arith.constant 0 : i32
        %dma_wait3A_289 = tpu.memref_slice %arg3[%add3A, %mul3A_24, %dma_wait3A_287, %dma_wait3A_288] : memref<32x80x2x128xi32, #tpu.memory_space<hbm>> -> memref<1x16x2x128xi32, #tpu.memory_space<hbm>>
        %dma_wait3A_290 = tpu.memref_squeeze %dma_wait3A_289 : memref<1x16x2x128xi32, #tpu.memory_space<hbm>> -> memref<16x2x128xi32, #tpu.memory_space<hbm>>
        %dma_wait3A_291 = arith.constant 0 : i32
        %dma_wait3A_292 = arith.constant 0 : i32
        %dma_wait3A_293 = tpu.memref_slice %arg3[%add3A, %mul3A_24, %dma_wait3A_291, %dma_wait3A_292] : memref<32x80x2x128xi32, #tpu.memory_space<hbm>> -> memref<1x16x2x128xi32, #tpu.memory_space<hbm>>
        %dma_wait3A_294 = tpu.memref_squeeze %dma_wait3A_293 : memref<1x16x2x128xi32, #tpu.memory_space<hbm>> -> memref<16x2x128xi32, #tpu.memory_space<hbm>>
        tpu.wait_dma2 semaphore(%run_scoped3A_278 : memref<!tpu.dma_semaphore, #tpu.memory_space<semaphore_mem>>) src(%dma_wait3A_294 : memref<16x2x128xi32, #tpu.memory_space<hbm>>) dst(%arg5 : memref<16x2x128xi32, #tpu.memory_space<vmem>>)
        tpu.yield
      }) : () -> ()
      %dma_start3A = arith.constant 0 : i32
      %dma_start3A_25 = arith.constant 0 : i32
      %dma_start3A_26 = arith.constant 0 : i32
      %dma_start3A_27 = tpu.memref_slice %arg5[%dma_start3A, %dma_start3A_25, %dma_start3A_26] : memref<16x2x128xi32, #tpu.memory_space<vmem>> -> memref<1x1x128xi32, #tpu.memory_space<vmem>>
      %dma_start3A_28 = tpu.memref_squeeze %dma_start3A_27 : memref<1x1x128xi32, #tpu.memory_space<vmem>> -> memref<128xi32, #tpu.memory_space<vmem>>
      %dma_start3A_29 = arith.constant 0 : i32
      %dma_start3A_30 = arith.constant 0 : i32
      %dma_start3A_31 = tpu.memref_slice %arg2[%dma_start3A_29, %dma_start3A_30] : memref<10640x128xf32, #tpu.memory_space<hbm>> -> memref<10640x128xf32, #tpu.memory_space<hbm>>
      tpu.enqueue_indirect_dma source(%dma_start3A_31 : memref<10640x128xf32, #tpu.memory_space<hbm>>) target(%arg6 : memref<128x128xf32, #tpu.memory_space<vmem>>) offsets(%dma_start3A_28 : memref<128xi32, #tpu.memory_space<vmem>>) semaphore(%arg9 : memref<!tpu.dma_semaphore, #tpu.memory_space<semaphore_mem>>)
      %dma_start3A_32 = arith.constant 1 : i32
      %dma_start3A_33 = arith.constant 0 : i32
      %dma_start3A_34 = arith.constant 0 : i32
      %dma_start3A_35 = tpu.memref_slice %arg5[%dma_start3A_32, %dma_start3A_33, %dma_start3A_34] : memref<16x2x128xi32, #tpu.memory_space<vmem>> -> memref<1x1x128xi32, #tpu.memory_space<vmem>>
      %dma_start3A_36 = tpu.memref_squeeze %dma_start3A_35 : memref<1x1x128xi32, #tpu.memory_space<vmem>> -> memref<128xi32, #tpu.memory_space<vmem>>
      %dma_start3A_37 = arith.constant 0 : i32
      %dma_start3A_38 = arith.constant 0 : i32
      %dma_start3A_39 = tpu.memref_slice %arg2[%dma_start3A_37, %dma_start3A_38] : memref<10640x128xf32, #tpu.memory_space<hbm>> -> memref<10640x128xf32, #tpu.memory_space<hbm>>
      tpu.enqueue_indirect_dma source(%dma_start3A_39 : memref<10640x128xf32, #tpu.memory_space<hbm>>) target(%arg7 : memref<128x128xf32, #tpu.memory_space<vmem>>) offsets(%dma_start3A_36 : memref<128xi32, #tpu.memory_space<vmem>>) semaphore(%arg10 : memref<!tpu.dma_semaphore, #tpu.memory_space<semaphore_mem>>)
      %dma_wait3A = arith.constant 0 : i32
      %dma_wait3A_40 = arith.constant 0 : i32
      %dma_wait3A_41 = tpu.memref_slice %arg2[%dma_wait3A, %dma_wait3A_40] : memref<10640x128xf32, #tpu.memory_space<hbm>> -> memref<128x128xf32, #tpu.memory_space<hbm>>
      %dma_wait3A_42 = arith.constant 0 : i32
      %dma_wait3A_43 = arith.constant 0 : i32
      %dma_wait3A_44 = tpu.memref_slice %arg2[%dma_wait3A_42, %dma_wait3A_43] : memref<10640x128xf32, #tpu.memory_space<hbm>> -> memref<128x128xf32, #tpu.memory_space<hbm>>
      tpu.wait_dma2 semaphore(%arg9 : memref<!tpu.dma_semaphore, #tpu.memory_space<semaphore_mem>>) src(%dma_wait3A_44 : memref<128x128xf32, #tpu.memory_space<hbm>>) dst(%arg6 : memref<128x128xf32, #tpu.memory_space<vmem>>)
      %run_scoped3A = arith.constant 0 : i32
      %run_scoped3A_45 = arith.constant 1 : i32
      "tpu.region"() ({
        %run_scoped3A_278 = tpu.sem_alloc : memref<!tpu.dma_semaphore, #tpu.memory_space<semaphore_mem>>
        %dma_start3A_279 = arith.constant 0 : i32
        %dma_start3A_280 = tpu.memref_slice %arg5[%run_scoped3A, %run_scoped3A_45, %dma_start3A_279] : memref<16x2x128xi32, #tpu.memory_space<vmem>> -> memref<1x1x128xi32, #tpu.memory_space<vmem>>
        %dma_start3A_281 = tpu.memref_squeeze %dma_start3A_280 : memref<1x1x128xi32, #tpu.memory_space<vmem>> -> memref<128xi32, #tpu.memory_space<vmem>>
        %dma_start3A_282 = arith.constant 0 : i32
        %dma_start3A_283 = arith.constant 0 : i32
        %dma_start3A_284 = tpu.memref_slice %arg8[%dma_start3A_282, %dma_start3A_283] : memref<10112x128xf32, #tpu.memory_space<vmem_shared>> -> memref<10112x128xf32, #tpu.memory_space<vmem_shared>>
        tpu.enqueue_indirect_dma source(%arg6 : memref<128x128xf32, #tpu.memory_space<vmem>>) target(%dma_start3A_284 : memref<10112x128xf32, #tpu.memory_space<vmem_shared>>) offsets(%dma_start3A_281 : memref<128xi32, #tpu.memory_space<vmem>>) semaphore(%run_scoped3A_278 : memref<!tpu.dma_semaphore, #tpu.memory_space<semaphore_mem>>) {add = true}
        %dma_wait3A_285 = arith.constant 0 : i32
        %dma_wait3A_286 = tpu.memref_slice %arg5[%run_scoped3A, %run_scoped3A_45, %dma_wait3A_285] : memref<16x2x128xi32, #tpu.memory_space<vmem>> -> memref<1x1x128xi32, #tpu.memory_space<vmem>>
        %dma_wait3A_287 = tpu.memref_squeeze %dma_wait3A_286 : memref<1x1x128xi32, #tpu.memory_space<vmem>> -> memref<128xi32, #tpu.memory_space<vmem>>
        %dma_wait3A_288 = arith.constant 0 : i32
        %dma_wait3A_289 = arith.constant 0 : i32
        %dma_wait3A_290 = tpu.memref_slice %arg8[%dma_wait3A_288, %dma_wait3A_289] : memref<10112x128xf32, #tpu.memory_space<vmem_shared>> -> memref<10112x128xf32, #tpu.memory_space<vmem_shared>>
        tpu.wait_indirect_dma semaphore(%run_scoped3A_278 : memref<!tpu.dma_semaphore, #tpu.memory_space<semaphore_mem>>) src(%arg6 : memref<128x128xf32, #tpu.memory_space<vmem>>) dst(%dma_wait3A_290 : memref<10112x128xf32, #tpu.memory_space<vmem_shared>>)
        tpu.yield
      }) : () -> ()
      %dma_start3A_46 = arith.constant 2 : i32
      %dma_start3A_47 = arith.constant 0 : i32
      %dma_start3A_48 = arith.constant 0 : i32
      %dma_start3A_49 = tpu.memref_slice %arg5[%dma_start3A_46, %dma_start3A_47, %dma_start3A_48] : memref<16x2x128xi32, #tpu.memory_space<vmem>> -> memref<1x1x128xi32, #tpu.memory_space<vmem>>
      %dma_start3A_50 = tpu.memref_squeeze %dma_start3A_49 : memref<1x1x128xi32, #tpu.memory_space<vmem>> -> memref<128xi32, #tpu.memory_space<vmem>>
      %dma_start3A_51 = arith.constant 0 : i32
      %dma_start3A_52 = arith.constant 0 : i32
      %dma_start3A_53 = tpu.memref_slice %arg2[%dma_start3A_51, %dma_start3A_52] : memref<10640x128xf32, #tpu.memory_space<hbm>> -> memref<10640x128xf32, #tpu.memory_space<hbm>>
      tpu.enqueue_indirect_dma source(%dma_start3A_53 : memref<10640x128xf32, #tpu.memory_space<hbm>>) target(%arg6 : memref<128x128xf32, #tpu.memory_space<vmem>>) offsets(%dma_start3A_50 : memref<128xi32, #tpu.memory_space<vmem>>) semaphore(%arg9 : memref<!tpu.dma_semaphore, #tpu.memory_space<semaphore_mem>>)
      %dma_wait3A_54 = arith.constant 0 : i32
      %dma_wait3A_55 = arith.constant 0 : i32
      %dma_wait3A_56 = tpu.memref_slice %arg2[%dma_wait3A_54, %dma_wait3A_55] : memref<10640x128xf32, #tpu.memory_space<hbm>> -> memref<128x128xf32, #tpu.memory_space<hbm>>
      %dma_wait3A_57 = arith.constant 0 : i32
      %dma_wait3A_58 = arith.constant 0 : i32
      %dma_wait3A_59 = tpu.memref_slice %arg2[%dma_wait3A_57, %dma_wait3A_58] : memref<10640x128xf32, #tpu.memory_space<hbm>> -> memref<128x128xf32, #tpu.memory_space<hbm>>
      tpu.wait_dma2 semaphore(%arg10 : memref<!tpu.dma_semaphore, #tpu.memory_space<semaphore_mem>>) src(%dma_wait3A_59 : memref<128x128xf32, #tpu.memory_space<hbm>>) dst(%arg7 : memref<128x128xf32, #tpu.memory_space<vmem>>)
      %run_scoped3A_60 = arith.constant 1 : i32
      %run_scoped3A_61 = arith.constant 1 : i32
      "tpu.region"() ({
        %run_scoped3A_278 = tpu.sem_alloc : memref<!tpu.dma_semaphore, #tpu.memory_space<semaphore_mem>>
        %dma_start3A_279 = arith.constant 0 : i32
        %dma_start3A_280 = tpu.memref_slice %arg5[%run_scoped3A_60, %run_scoped3A_61, %dma_start3A_279] : memref<16x2x128xi32, #tpu.memory_space<vmem>> -> memref<1x1x128xi32, #tpu.memory_space<vmem>>
        %dma_start3A_281 = tpu.memref_squeeze %dma_start3A_280 : memref<1x1x128xi32, #tpu.memory_space<vmem>> -> memref<128xi32, #tpu.memory_space<vmem>>
        %dma_start3A_282 = arith.constant 0 : i32
        %dma_start3A_283 = arith.constant 0 : i32
        %dma_start3A_284 = tpu.memref_slice %arg8[%dma_start3A_282, %dma_start3A_283] : memref<10112x128xf32, #tpu.memory_space<vmem_shared>> -> memref<10112x128xf32, #tpu.memory_space<vmem_shared>>
        tpu.enqueue_indirect_dma source(%arg7 : memref<128x128xf32, #tpu.memory_space<vmem>>) target(%dma_start3A_284 : memref<10112x128xf32, #tpu.memory_space<vmem_shared>>) offsets(%dma_start3A_281 : memref<128xi32, #tpu.memory_space<vmem>>) semaphore(%run_scoped3A_278 : memref<!tpu.dma_semaphore, #tpu.memory_space<semaphore_mem>>) {add = true}
        %dma_wait3A_285 = arith.constant 0 : i32
        %dma_wait3A_286 = tpu.memref_slice %arg5[%run_scoped3A_60, %run_scoped3A_61, %dma_wait3A_285] : memref<16x2x128xi32, #tpu.memory_space<vmem>> -> memref<1x1x128xi32, #tpu.memory_space<vmem>>
        %dma_wait3A_287 = tpu.memref_squeeze %dma_wait3A_286 : memref<1x1x128xi32, #tpu.memory_space<vmem>> -> memref<128xi32, #tpu.memory_space<vmem>>
        %dma_wait3A_288 = arith.constant 0 : i32
        %dma_wait3A_289 = arith.constant 0 : i32
        %dma_wait3A_290 = tpu.memref_slice %arg8[%dma_wait3A_288, %dma_wait3A_289] : memref<10112x128xf32, #tpu.memory_space<vmem_shared>> -> memref<10112x128xf32, #tpu.memory_space<vmem_shared>>
        tpu.wait_indirect_dma semaphore(%run_scoped3A_278 : memref<!tpu.dma_semaphore, #tpu.memory_space<semaphore_mem>>) src(%arg7 : memref<128x128xf32, #tpu.memory_space<vmem>>) dst(%dma_wait3A_290 : memref<10112x128xf32, #tpu.memory_space<vmem_shared>>)
        tpu.yield
      }) : () -> ()
      %dma_start3A_62 = arith.constant 3 : i32
      %dma_start3A_63 = arith.constant 0 : i32
      %dma_start3A_64 = arith.constant 0 : i32
      %dma_start3A_65 = tpu.memref_slice %arg5[%dma_start3A_62, %dma_start3A_63, %dma_start3A_64] : memref<16x2x128xi32, #tpu.memory_space<vmem>> -> memref<1x1x128xi32, #tpu.memory_space<vmem>>
      %dma_start3A_66 = tpu.memref_squeeze %dma_start3A_65 : memref<1x1x128xi32, #tpu.memory_space<vmem>> -> memref<128xi32, #tpu.memory_space<vmem>>
      %dma_start3A_67 = arith.constant 0 : i32
      %dma_start3A_68 = arith.constant 0 : i32
      %dma_start3A_69 = tpu.memref_slice %arg2[%dma_start3A_67, %dma_start3A_68] : memref<10640x128xf32, #tpu.memory_space<hbm>> -> memref<10640x128xf32, #tpu.memory_space<hbm>>
      tpu.enqueue_indirect_dma source(%dma_start3A_69 : memref<10640x128xf32, #tpu.memory_space<hbm>>) target(%arg7 : memref<128x128xf32, #tpu.memory_space<vmem>>) offsets(%dma_start3A_66 : memref<128xi32, #tpu.memory_space<vmem>>) semaphore(%arg10 : memref<!tpu.dma_semaphore, #tpu.memory_space<semaphore_mem>>)
      %dma_wait3A_70 = arith.constant 0 : i32
      %dma_wait3A_71 = arith.constant 0 : i32
      %dma_wait3A_72 = tpu.memref_slice %arg2[%dma_wait3A_70, %dma_wait3A_71] : memref<10640x128xf32, #tpu.memory_space<hbm>> -> memref<128x128xf32, #tpu.memory_space<hbm>>
      %dma_wait3A_73 = arith.constant 0 : i32
      %dma_wait3A_74 = arith.constant 0 : i32
      %dma_wait3A_75 = tpu.memref_slice %arg2[%dma_wait3A_73, %dma_wait3A_74] : memref<10640x128xf32, #tpu.memory_space<hbm>> -> memref<128x128xf32, #tpu.memory_space<hbm>>
      tpu.wait_dma2 semaphore(%arg9 : memref<!tpu.dma_semaphore, #tpu.memory_space<semaphore_mem>>) src(%dma_wait3A_75 : memref<128x128xf32, #tpu.memory_space<hbm>>) dst(%arg6 : memref<128x128xf32, #tpu.memory_space<vmem>>)
      %run_scoped3A_76 = arith.constant 2 : i32
      %run_scoped3A_77 = arith.constant 1 : i32
      "tpu.region"() ({
        %run_scoped3A_278 = tpu.sem_alloc : memref<!tpu.dma_semaphore, #tpu.memory_space<semaphore_mem>>
        %dma_start3A_279 = arith.constant 0 : i32
        %dma_start3A_280 = tpu.memref_slice %arg5[%run_scoped3A_76, %run_scoped3A_77, %dma_start3A_279] : memref<16x2x128xi32, #tpu.memory_space<vmem>> -> memref<1x1x128xi32, #tpu.memory_space<vmem>>
        %dma_start3A_281 = tpu.memref_squeeze %dma_start3A_280 : memref<1x1x128xi32, #tpu.memory_space<vmem>> -> memref<128xi32, #tpu.memory_space<vmem>>
        %dma_start3A_282 = arith.constant 0 : i32
        %dma_start3A_283 = arith.constant 0 : i32
        %dma_start3A_284 = tpu.memref_slice %arg8[%dma_start3A_282, %dma_start3A_283] : memref<10112x128xf32, #tpu.memory_space<vmem_shared>> -> memref<10112x128xf32, #tpu.memory_space<vmem_shared>>
        tpu.enqueue_indirect_dma source(%arg6 : memref<128x128xf32, #tpu.memory_space<vmem>>) target(%dma_start3A_284 : memref<10112x128xf32, #tpu.memory_space<vmem_shared>>) offsets(%dma_start3A_281 : memref<128xi32, #tpu.memory_space<vmem>>) semaphore(%run_scoped3A_278 : memref<!tpu.dma_semaphore, #tpu.memory_space<semaphore_mem>>) {add = true}
        %dma_wait3A_285 = arith.constant 0 : i32
        %dma_wait3A_286 = tpu.memref_slice %arg5[%run_scoped3A_76, %run_scoped3A_77, %dma_wait3A_285] : memref<16x2x128xi32, #tpu.memory_space<vmem>> -> memref<1x1x128xi32, #tpu.memory_space<vmem>>
        %dma_wait3A_287 = tpu.memref_squeeze %dma_wait3A_286 : memref<1x1x128xi32, #tpu.memory_space<vmem>> -> memref<128xi32, #tpu.memory_space<vmem>>
        %dma_wait3A_288 = arith.constant 0 : i32
        %dma_wait3A_289 = arith.constant 0 : i32
        %dma_wait3A_290 = tpu.memref_slice %arg8[%dma_wait3A_288, %dma_wait3A_289] : memref<10112x128xf32, #tpu.memory_space<vmem_shared>> -> memref<10112x128xf32, #tpu.memory_space<vmem_shared>>
        tpu.wait_indirect_dma semaphore(%run_scoped3A_278 : memref<!tpu.dma_semaphore, #tpu.memory_space<semaphore_mem>>) src(%arg6 : memref<128x128xf32, #tpu.memory_space<vmem>>) dst(%dma_wait3A_290 : memref<10112x128xf32, #tpu.memory_space<vmem_shared>>)
        tpu.yield
      }) : () -> ()
      %dma_start3A_78 = arith.constant 4 : i32
      %dma_start3A_79 = arith.constant 0 : i32
      %dma_start3A_80 = arith.constant 0 : i32
      %dma_start3A_81 = tpu.memref_slice %arg5[%dma_start3A_78, %dma_start3A_79, %dma_start3A_80] : memref<16x2x128xi32, #tpu.memory_space<vmem>> -> memref<1x1x128xi32, #tpu.memory_space<vmem>>
      %dma_start3A_82 = tpu.memref_squeeze %dma_start3A_81 : memref<1x1x128xi32, #tpu.memory_space<vmem>> -> memref<128xi32, #tpu.memory_space<vmem>>
      %dma_start3A_83 = arith.constant 0 : i32
      %dma_start3A_84 = arith.constant 0 : i32
      %dma_start3A_85 = tpu.memref_slice %arg2[%dma_start3A_83, %dma_start3A_84] : memref<10640x128xf32, #tpu.memory_space<hbm>> -> memref<10640x128xf32, #tpu.memory_space<hbm>>
      tpu.enqueue_indirect_dma source(%dma_start3A_85 : memref<10640x128xf32, #tpu.memory_space<hbm>>) target(%arg6 : memref<128x128xf32, #tpu.memory_space<vmem>>) offsets(%dma_start3A_82 : memref<128xi32, #tpu.memory_space<vmem>>) semaphore(%arg9 : memref<!tpu.dma_semaphore, #tpu.memory_space<semaphore_mem>>)
      %dma_wait3A_86 = arith.constant 0 : i32
      %dma_wait3A_87 = arith.constant 0 : i32
      %dma_wait3A_88 = tpu.memref_slice %arg2[%dma_wait3A_86, %dma_wait3A_87] : memref<10640x128xf32, #tpu.memory_space<hbm>> -> memref<128x128xf32, #tpu.memory_space<hbm>>
      %dma_wait3A_89 = arith.constant 0 : i32
      %dma_wait3A_90 = arith.constant 0 : i32
      %dma_wait3A_91 = tpu.memref_slice %arg2[%dma_wait3A_89, %dma_wait3A_90] : memref<10640x128xf32, #tpu.memory_space<hbm>> -> memref<128x128xf32, #tpu.memory_space<hbm>>
      tpu.wait_dma2 semaphore(%arg10 : memref<!tpu.dma_semaphore, #tpu.memory_space<semaphore_mem>>) src(%dma_wait3A_91 : memref<128x128xf32, #tpu.memory_space<hbm>>) dst(%arg7 : memref<128x128xf32, #tpu.memory_space<vmem>>)
      %run_scoped3A_92 = arith.constant 3 : i32
      %run_scoped3A_93 = arith.constant 1 : i32
      "tpu.region"() ({
        %run_scoped3A_278 = tpu.sem_alloc : memref<!tpu.dma_semaphore, #tpu.memory_space<semaphore_mem>>
        %dma_start3A_279 = arith.constant 0 : i32
        %dma_start3A_280 = tpu.memref_slice %arg5[%run_scoped3A_92, %run_scoped3A_93, %dma_start3A_279] : memref<16x2x128xi32, #tpu.memory_space<vmem>> -> memref<1x1x128xi32, #tpu.memory_space<vmem>>
        %dma_start3A_281 = tpu.memref_squeeze %dma_start3A_280 : memref<1x1x128xi32, #tpu.memory_space<vmem>> -> memref<128xi32, #tpu.memory_space<vmem>>
        %dma_start3A_282 = arith.constant 0 : i32
        %dma_start3A_283 = arith.constant 0 : i32
        %dma_start3A_284 = tpu.memref_slice %arg8[%dma_start3A_282, %dma_start3A_283] : memref<10112x128xf32, #tpu.memory_space<vmem_shared>> -> memref<10112x128xf32, #tpu.memory_space<vmem_shared>>
        tpu.enqueue_indirect_dma source(%arg7 : memref<128x128xf32, #tpu.memory_space<vmem>>) target(%dma_start3A_284 : memref<10112x128xf32, #tpu.memory_space<vmem_shared>>) offsets(%dma_start3A_281 : memref<128xi32, #tpu.memory_space<vmem>>) semaphore(%run_scoped3A_278 : memref<!tpu.dma_semaphore, #tpu.memory_space<semaphore_mem>>) {add = true}
        %dma_wait3A_285 = arith.constant 0 : i32
        %dma_wait3A_286 = tpu.memref_slice %arg5[%run_scoped3A_92, %run_scoped3A_93, %dma_wait3A_285] : memref<16x2x128xi32, #tpu.memory_space<vmem>> -> memref<1x1x128xi32, #tpu.memory_space<vmem>>
        %dma_wait3A_287 = tpu.memref_squeeze %dma_wait3A_286 : memref<1x1x128xi32, #tpu.memory_space<vmem>> -> memref<128xi32, #tpu.memory_space<vmem>>
        %dma_wait3A_288 = arith.constant 0 : i32
        %dma_wait3A_289 = arith.constant 0 : i32
        %dma_wait3A_290 = tpu.memref_slice %arg8[%dma_wait3A_288, %dma_wait3A_289] : memref<10112x128xf32, #tpu.memory_space<vmem_shared>> -> memref<10112x128xf32, #tpu.memory_space<vmem_shared>>
        tpu.wait_indirect_dma semaphore(%run_scoped3A_278 : memref<!tpu.dma_semaphore, #tpu.memory_space<semaphore_mem>>) src(%arg7 : memref<128x128xf32, #tpu.memory_space<vmem>>) dst(%dma_wait3A_290 : memref<10112x128xf32, #tpu.memory_space<vmem_shared>>)
        tpu.yield
      }) : () -> ()
      %dma_start3A_94 = arith.constant 5 : i32
      %dma_start3A_95 = arith.constant 0 : i32
      %dma_start3A_96 = arith.constant 0 : i32
      %dma_start3A_97 = tpu.memref_slice %arg5[%dma_start3A_94, %dma_start3A_95, %dma_start3A_96] : memref<16x2x128xi32, #tpu.memory_space<vmem>> -> memref<1x1x128xi32, #tpu.memory_space<vmem>>
      %dma_start3A_98 = tpu.memref_squeeze %dma_start3A_97 : memref<1x1x128xi32, #tpu.memory_space<vmem>> -> memref<128xi32, #tpu.memory_space<vmem>>
      %dma_start3A_99 = arith.constant 0 : i32
      %dma_start3A_100 = arith.constant 0 : i32
      %dma_start3A_101 = tpu.memref_slice %arg2[%dma_start3A_99, %dma_start3A_100] : memref<10640x128xf32, #tpu.memory_space<hbm>> -> memref<10640x128xf32, #tpu.memory_space<hbm>>
      tpu.enqueue_indirect_dma source(%dma_start3A_101 : memref<10640x128xf32, #tpu.memory_space<hbm>>) target(%arg7 : memref<128x128xf32, #tpu.memory_space<vmem>>) offsets(%dma_start3A_98 : memref<128xi32, #tpu.memory_space<vmem>>) semaphore(%arg10 : memref<!tpu.dma_semaphore, #tpu.memory_space<semaphore_mem>>)
      %dma_wait3A_102 = arith.constant 0 : i32
      %dma_wait3A_103 = arith.constant 0 : i32
      %dma_wait3A_104 = tpu.memref_slice %arg2[%dma_wait3A_102, %dma_wait3A_103] : memref<10640x128xf32, #tpu.memory_space<hbm>> -> memref<128x128xf32, #tpu.memory_space<hbm>>
      %dma_wait3A_105 = arith.constant 0 : i32
      %dma_wait3A_106 = arith.constant 0 : i32
      %dma_wait3A_107 = tpu.memref_slice %arg2[%dma_wait3A_105, %dma_wait3A_106] : memref<10640x128xf32, #tpu.memory_space<hbm>> -> memref<128x128xf32, #tpu.memory_space<hbm>>
      tpu.wait_dma2 semaphore(%arg9 : memref<!tpu.dma_semaphore, #tpu.memory_space<semaphore_mem>>) src(%dma_wait3A_107 : memref<128x128xf32, #tpu.memory_space<hbm>>) dst(%arg6 : memref<128x128xf32, #tpu.memory_space<vmem>>)
      %run_scoped3A_108 = arith.constant 4 : i32
      %run_scoped3A_109 = arith.constant 1 : i32
      "tpu.region"() ({
        %run_scoped3A_278 = tpu.sem_alloc : memref<!tpu.dma_semaphore, #tpu.memory_space<semaphore_mem>>
        %dma_start3A_279 = arith.constant 0 : i32
        %dma_start3A_280 = tpu.memref_slice %arg5[%run_scoped3A_108, %run_scoped3A_109, %dma_start3A_279] : memref<16x2x128xi32, #tpu.memory_space<vmem>> -> memref<1x1x128xi32, #tpu.memory_space<vmem>>
        %dma_start3A_281 = tpu.memref_squeeze %dma_start3A_280 : memref<1x1x128xi32, #tpu.memory_space<vmem>> -> memref<128xi32, #tpu.memory_space<vmem>>
        %dma_start3A_282 = arith.constant 0 : i32
        %dma_start3A_283 = arith.constant 0 : i32
        %dma_start3A_284 = tpu.memref_slice %arg8[%dma_start3A_282, %dma_start3A_283] : memref<10112x128xf32, #tpu.memory_space<vmem_shared>> -> memref<10112x128xf32, #tpu.memory_space<vmem_shared>>
        tpu.enqueue_indirect_dma source(%arg6 : memref<128x128xf32, #tpu.memory_space<vmem>>) target(%dma_start3A_284 : memref<10112x128xf32, #tpu.memory_space<vmem_shared>>) offsets(%dma_start3A_281 : memref<128xi32, #tpu.memory_space<vmem>>) semaphore(%run_scoped3A_278 : memref<!tpu.dma_semaphore, #tpu.memory_space<semaphore_mem>>) {add = true}
        %dma_wait3A_285 = arith.constant 0 : i32
        %dma_wait3A_286 = tpu.memref_slice %arg5[%run_scoped3A_108, %run_scoped3A_109, %dma_wait3A_285] : memref<16x2x128xi32, #tpu.memory_space<vmem>> -> memref<1x1x128xi32, #tpu.memory_space<vmem>>
        %dma_wait3A_287 = tpu.memref_squeeze %dma_wait3A_286 : memref<1x1x128xi32, #tpu.memory_space<vmem>> -> memref<128xi32, #tpu.memory_space<vmem>>
        %dma_wait3A_288 = arith.constant 0 : i32
        %dma_wait3A_289 = arith.constant 0 : i32
        %dma_wait3A_290 = tpu.memref_slice %arg8[%dma_wait3A_288, %dma_wait3A_289] : memref<10112x128xf32, #tpu.memory_space<vmem_shared>> -> memref<10112x128xf32, #tpu.memory_space<vmem_shared>>
        tpu.wait_indirect_dma semaphore(%run_scoped3A_278 : memref<!tpu.dma_semaphore, #tpu.memory_space<semaphore_mem>>) src(%arg6 : memref<128x128xf32, #tpu.memory_space<vmem>>) dst(%dma_wait3A_290 : memref<10112x128xf32, #tpu.memory_space<vmem_shared>>)
        tpu.yield
      }) : () -> ()
      %dma_start3A_110 = arith.constant 6 : i32
      %dma_start3A_111 = arith.constant 0 : i32
      %dma_start3A_112 = arith.constant 0 : i32
      %dma_start3A_113 = tpu.memref_slice %arg5[%dma_start3A_110, %dma_start3A_111, %dma_start3A_112] : memref<16x2x128xi32, #tpu.memory_space<vmem>> -> memref<1x1x128xi32, #tpu.memory_space<vmem>>
      %dma_start3A_114 = tpu.memref_squeeze %dma_start3A_113 : memref<1x1x128xi32, #tpu.memory_space<vmem>> -> memref<128xi32, #tpu.memory_space<vmem>>
      %dma_start3A_115 = arith.constant 0 : i32
      %dma_start3A_116 = arith.constant 0 : i32
      %dma_start3A_117 = tpu.memref_slice %arg2[%dma_start3A_115, %dma_start3A_116] : memref<10640x128xf32, #tpu.memory_space<hbm>> -> memref<10640x128xf32, #tpu.memory_space<hbm>>
      tpu.enqueue_indirect_dma source(%dma_start3A_117 : memref<10640x128xf32, #tpu.memory_space<hbm>>) target(%arg6 : memref<128x128xf32, #tpu.memory_space<vmem>>) offsets(%dma_start3A_114 : memref<128xi32, #tpu.memory_space<vmem>>) semaphore(%arg9 : memref<!tpu.dma_semaphore, #tpu.memory_space<semaphore_mem>>)
      %dma_wait3A_118 = arith.constant 0 : i32
      %dma_wait3A_119 = arith.constant 0 : i32
      %dma_wait3A_120 = tpu.memref_slice %arg2[%dma_wait3A_118, %dma_wait3A_119] : memref<10640x128xf32, #tpu.memory_space<hbm>> -> memref<128x128xf32, #tpu.memory_space<hbm>>
      %dma_wait3A_121 = arith.constant 0 : i32
      %dma_wait3A_122 = arith.constant 0 : i32
      %dma_wait3A_123 = tpu.memref_slice %arg2[%dma_wait3A_121, %dma_wait3A_122] : memref<10640x128xf32, #tpu.memory_space<hbm>> -> memref<128x128xf32, #tpu.memory_space<hbm>>
      tpu.wait_dma2 semaphore(%arg10 : memref<!tpu.dma_semaphore, #tpu.memory_space<semaphore_mem>>) src(%dma_wait3A_123 : memref<128x128xf32, #tpu.memory_space<hbm>>) dst(%arg7 : memref<128x128xf32, #tpu.memory_space<vmem>>)
      %run_scoped3A_124 = arith.constant 5 : i32
      %run_scoped3A_125 = arith.constant 1 : i32
      "tpu.region"() ({
        %run_scoped3A_278 = tpu.sem_alloc : memref<!tpu.dma_semaphore, #tpu.memory_space<semaphore_mem>>
        %dma_start3A_279 = arith.constant 0 : i32
        %dma_start3A_280 = tpu.memref_slice %arg5[%run_scoped3A_124, %run_scoped3A_125, %dma_start3A_279] : memref<16x2x128xi32, #tpu.memory_space<vmem>> -> memref<1x1x128xi32, #tpu.memory_space<vmem>>
        %dma_start3A_281 = tpu.memref_squeeze %dma_start3A_280 : memref<1x1x128xi32, #tpu.memory_space<vmem>> -> memref<128xi32, #tpu.memory_space<vmem>>
        %dma_start3A_282 = arith.constant 0 : i32
        %dma_start3A_283 = arith.constant 0 : i32
        %dma_start3A_284 = tpu.memref_slice %arg8[%dma_start3A_282, %dma_start3A_283] : memref<10112x128xf32, #tpu.memory_space<vmem_shared>> -> memref<10112x128xf32, #tpu.memory_space<vmem_shared>>
        tpu.enqueue_indirect_dma source(%arg7 : memref<128x128xf32, #tpu.memory_space<vmem>>) target(%dma_start3A_284 : memref<10112x128xf32, #tpu.memory_space<vmem_shared>>) offsets(%dma_start3A_281 : memref<128xi32, #tpu.memory_space<vmem>>) semaphore(%run_scoped3A_278 : memref<!tpu.dma_semaphore, #tpu.memory_space<semaphore_mem>>) {add = true}
        %dma_wait3A_285 = arith.constant 0 : i32
        %dma_wait3A_286 = tpu.memref_slice %arg5[%run_scoped3A_124, %run_scoped3A_125, %dma_wait3A_285] : memref<16x2x128xi32, #tpu.memory_space<vmem>> -> memref<1x1x128xi32, #tpu.memory_space<vmem>>
        %dma_wait3A_287 = tpu.memref_squeeze %dma_wait3A_286 : memref<1x1x128xi32, #tpu.memory_space<vmem>> -> memref<128xi32, #tpu.memory_space<vmem>>
        %dma_wait3A_288 = arith.constant 0 : i32
        %dma_wait3A_289 = arith.constant 0 : i32
        %dma_wait3A_290 = tpu.memref_slice %arg8[%dma_wait3A_288, %dma_wait3A_289] : memref<10112x128xf32, #tpu.memory_space<vmem_shared>> -> memref<10112x128xf32, #tpu.memory_space<vmem_shared>>
        tpu.wait_indirect_dma semaphore(%run_scoped3A_278 : memref<!tpu.dma_semaphore, #tpu.memory_space<semaphore_mem>>) src(%arg7 : memref<128x128xf32, #tpu.memory_space<vmem>>) dst(%dma_wait3A_290 : memref<10112x128xf32, #tpu.memory_space<vmem_shared>>)
        tpu.yield
      }) : () -> ()
      %dma_start3A_126 = arith.constant 7 : i32
      %dma_start3A_127 = arith.constant 0 : i32
      %dma_start3A_128 = arith.constant 0 : i32
      %dma_start3A_129 = tpu.memref_slice %arg5[%dma_start3A_126, %dma_start3A_127, %dma_start3A_128] : memref<16x2x128xi32, #tpu.memory_space<vmem>> -> memref<1x1x128xi32, #tpu.memory_space<vmem>>
      %dma_start3A_130 = tpu.memref_squeeze %dma_start3A_129 : memref<1x1x128xi32, #tpu.memory_space<vmem>> -> memref<128xi32, #tpu.memory_space<vmem>>
      %dma_start3A_131 = arith.constant 0 : i32
      %dma_start3A_132 = arith.constant 0 : i32
      %dma_start3A_133 = tpu.memref_slice %arg2[%dma_start3A_131, %dma_start3A_132] : memref<10640x128xf32, #tpu.memory_space<hbm>> -> memref<10640x128xf32, #tpu.memory_space<hbm>>
      tpu.enqueue_indirect_dma source(%dma_start3A_133 : memref<10640x128xf32, #tpu.memory_space<hbm>>) target(%arg7 : memref<128x128xf32, #tpu.memory_space<vmem>>) offsets(%dma_start3A_130 : memref<128xi32, #tpu.memory_space<vmem>>) semaphore(%arg10 : memref<!tpu.dma_semaphore, #tpu.memory_space<semaphore_mem>>)
      %dma_wait3A_134 = arith.constant 0 : i32
      %dma_wait3A_135 = arith.constant 0 : i32
      %dma_wait3A_136 = tpu.memref_slice %arg2[%dma_wait3A_134, %dma_wait3A_135] : memref<10640x128xf32, #tpu.memory_space<hbm>> -> memref<128x128xf32, #tpu.memory_space<hbm>>
      %dma_wait3A_137 = arith.constant 0 : i32
      %dma_wait3A_138 = arith.constant 0 : i32
      %dma_wait3A_139 = tpu.memref_slice %arg2[%dma_wait3A_137, %dma_wait3A_138] : memref<10640x128xf32, #tpu.memory_space<hbm>> -> memref<128x128xf32, #tpu.memory_space<hbm>>
      tpu.wait_dma2 semaphore(%arg9 : memref<!tpu.dma_semaphore, #tpu.memory_space<semaphore_mem>>) src(%dma_wait3A_139 : memref<128x128xf32, #tpu.memory_space<hbm>>) dst(%arg6 : memref<128x128xf32, #tpu.memory_space<vmem>>)
      %run_scoped3A_140 = arith.constant 6 : i32
      %run_scoped3A_141 = arith.constant 1 : i32
      "tpu.region"() ({
        %run_scoped3A_278 = tpu.sem_alloc : memref<!tpu.dma_semaphore, #tpu.memory_space<semaphore_mem>>
        %dma_start3A_279 = arith.constant 0 : i32
        %dma_start3A_280 = tpu.memref_slice %arg5[%run_scoped3A_140, %run_scoped3A_141, %dma_start3A_279] : memref<16x2x128xi32, #tpu.memory_space<vmem>> -> memref<1x1x128xi32, #tpu.memory_space<vmem>>
        %dma_start3A_281 = tpu.memref_squeeze %dma_start3A_280 : memref<1x1x128xi32, #tpu.memory_space<vmem>> -> memref<128xi32, #tpu.memory_space<vmem>>
        %dma_start3A_282 = arith.constant 0 : i32
        %dma_start3A_283 = arith.constant 0 : i32
        %dma_start3A_284 = tpu.memref_slice %arg8[%dma_start3A_282, %dma_start3A_283] : memref<10112x128xf32, #tpu.memory_space<vmem_shared>> -> memref<10112x128xf32, #tpu.memory_space<vmem_shared>>
        tpu.enqueue_indirect_dma source(%arg6 : memref<128x128xf32, #tpu.memory_space<vmem>>) target(%dma_start3A_284 : memref<10112x128xf32, #tpu.memory_space<vmem_shared>>) offsets(%dma_start3A_281 : memref<128xi32, #tpu.memory_space<vmem>>) semaphore(%run_scoped3A_278 : memref<!tpu.dma_semaphore, #tpu.memory_space<semaphore_mem>>) {add = true}
        %dma_wait3A_285 = arith.constant 0 : i32
        %dma_wait3A_286 = tpu.memref_slice %arg5[%run_scoped3A_140, %run_scoped3A_141, %dma_wait3A_285] : memref<16x2x128xi32, #tpu.memory_space<vmem>> -> memref<1x1x128xi32, #tpu.memory_space<vmem>>
        %dma_wait3A_287 = tpu.memref_squeeze %dma_wait3A_286 : memref<1x1x128xi32, #tpu.memory_space<vmem>> -> memref<128xi32, #tpu.memory_space<vmem>>
        %dma_wait3A_288 = arith.constant 0 : i32
        %dma_wait3A_289 = arith.constant 0 : i32
        %dma_wait3A_290 = tpu.memref_slice %arg8[%dma_wait3A_288, %dma_wait3A_289] : memref<10112x128xf32, #tpu.memory_space<vmem_shared>> -> memref<10112x128xf32, #tpu.memory_space<vmem_shared>>
        tpu.wait_indirect_dma semaphore(%run_scoped3A_278 : memref<!tpu.dma_semaphore, #tpu.memory_space<semaphore_mem>>) src(%arg6 : memref<128x128xf32, #tpu.memory_space<vmem>>) dst(%dma_wait3A_290 : memref<10112x128xf32, #tpu.memory_space<vmem_shared>>)
        tpu.yield
      }) : () -> ()
      %dma_start3A_142 = arith.constant 8 : i32
      %dma_start3A_143 = arith.constant 0 : i32
      %dma_start3A_144 = arith.constant 0 : i32
      %dma_start3A_145 = tpu.memref_slice %arg5[%dma_start3A_142, %dma_start3A_143, %dma_start3A_144] : memref<16x2x128xi32, #tpu.memory_space<vmem>> -> memref<1x1x128xi32, #tpu.memory_space<vmem>>
      %dma_start3A_146 = tpu.memref_squeeze %dma_start3A_145 : memref<1x1x128xi32, #tpu.memory_space<vmem>> -> memref<128xi32, #tpu.memory_space<vmem>>
      %dma_start3A_147 = arith.constant 0 : i32
      %dma_start3A_148 = arith.constant 0 : i32
      %dma_start3A_149 = tpu.memref_slice %arg2[%dma_start3A_147, %dma_start3A_148] : memref<10640x128xf32, #tpu.memory_space<hbm>> -> memref<10640x128xf32, #tpu.memory_space<hbm>>
      tpu.enqueue_indirect_dma source(%dma_start3A_149 : memref<10640x128xf32, #tpu.memory_space<hbm>>) target(%arg6 : memref<128x128xf32, #tpu.memory_space<vmem>>) offsets(%dma_start3A_146 : memref<128xi32, #tpu.memory_space<vmem>>) semaphore(%arg9 : memref<!tpu.dma_semaphore, #tpu.memory_space<semaphore_mem>>)
      %dma_wait3A_150 = arith.constant 0 : i32
      %dma_wait3A_151 = arith.constant 0 : i32
      %dma_wait3A_152 = tpu.memref_slice %arg2[%dma_wait3A_150, %dma_wait3A_151] : memref<10640x128xf32, #tpu.memory_space<hbm>> -> memref<128x128xf32, #tpu.memory_space<hbm>>
      %dma_wait3A_153 = arith.constant 0 : i32
      %dma_wait3A_154 = arith.constant 0 : i32
      %dma_wait3A_155 = tpu.memref_slice %arg2[%dma_wait3A_153, %dma_wait3A_154] : memref<10640x128xf32, #tpu.memory_space<hbm>> -> memref<128x128xf32, #tpu.memory_space<hbm>>
      tpu.wait_dma2 semaphore(%arg10 : memref<!tpu.dma_semaphore, #tpu.memory_space<semaphore_mem>>) src(%dma_wait3A_155 : memref<128x128xf32, #tpu.memory_space<hbm>>) dst(%arg7 : memref<128x128xf32, #tpu.memory_space<vmem>>)
      %run_scoped3A_156 = arith.constant 7 : i32
      %run_scoped3A_157 = arith.constant 1 : i32
      "tpu.region"() ({
        %run_scoped3A_278 = tpu.sem_alloc : memref<!tpu.dma_semaphore, #tpu.memory_space<semaphore_mem>>
        %dma_start3A_279 = arith.constant 0 : i32
        %dma_start3A_280 = tpu.memref_slice %arg5[%run_scoped3A_156, %run_scoped3A_157, %dma_start3A_279] : memref<16x2x128xi32, #tpu.memory_space<vmem>> -> memref<1x1x128xi32, #tpu.memory_space<vmem>>
        %dma_start3A_281 = tpu.memref_squeeze %dma_start3A_280 : memref<1x1x128xi32, #tpu.memory_space<vmem>> -> memref<128xi32, #tpu.memory_space<vmem>>
        %dma_start3A_282 = arith.constant 0 : i32
        %dma_start3A_283 = arith.constant 0 : i32
        %dma_start3A_284 = tpu.memref_slice %arg8[%dma_start3A_282, %dma_start3A_283] : memref<10112x128xf32, #tpu.memory_space<vmem_shared>> -> memref<10112x128xf32, #tpu.memory_space<vmem_shared>>
        tpu.enqueue_indirect_dma source(%arg7 : memref<128x128xf32, #tpu.memory_space<vmem>>) target(%dma_start3A_284 : memref<10112x128xf32, #tpu.memory_space<vmem_shared>>) offsets(%dma_start3A_281 : memref<128xi32, #tpu.memory_space<vmem>>) semaphore(%run_scoped3A_278 : memref<!tpu.dma_semaphore, #tpu.memory_space<semaphore_mem>>) {add = true}
        %dma_wait3A_285 = arith.constant 0 : i32
        %dma_wait3A_286 = tpu.memref_slice %arg5[%run_scoped3A_156, %run_scoped3A_157, %dma_wait3A_285] : memref<16x2x128xi32, #tpu.memory_space<vmem>> -> memref<1x1x128xi32, #tpu.memory_space<vmem>>
        %dma_wait3A_287 = tpu.memref_squeeze %dma_wait3A_286 : memref<1x1x128xi32, #tpu.memory_space<vmem>> -> memref<128xi32, #tpu.memory_space<vmem>>
        %dma_wait3A_288 = arith.constant 0 : i32
        %dma_wait3A_289 = arith.constant 0 : i32
        %dma_wait3A_290 = tpu.memref_slice %arg8[%dma_wait3A_288, %dma_wait3A_289] : memref<10112x128xf32, #tpu.memory_space<vmem_shared>> -> memref<10112x128xf32, #tpu.memory_space<vmem_shared>>
        tpu.wait_indirect_dma semaphore(%run_scoped3A_278 : memref<!tpu.dma_semaphore, #tpu.memory_space<semaphore_mem>>) src(%arg7 : memref<128x128xf32, #tpu.memory_space<vmem>>) dst(%dma_wait3A_290 : memref<10112x128xf32, #tpu.memory_space<vmem_shared>>)
        tpu.yield
      }) : () -> ()
      %dma_start3A_158 = arith.constant 9 : i32
      %dma_start3A_159 = arith.constant 0 : i32
      %dma_start3A_160 = arith.constant 0 : i32
      %dma_start3A_161 = tpu.memref_slice %arg5[%dma_start3A_158, %dma_start3A_159, %dma_start3A_160] : memref<16x2x128xi32, #tpu.memory_space<vmem>> -> memref<1x1x128xi32, #tpu.memory_space<vmem>>
      %dma_start3A_162 = tpu.memref_squeeze %dma_start3A_161 : memref<1x1x128xi32, #tpu.memory_space<vmem>> -> memref<128xi32, #tpu.memory_space<vmem>>
      %dma_start3A_163 = arith.constant 0 : i32
      %dma_start3A_164 = arith.constant 0 : i32
      %dma_start3A_165 = tpu.memref_slice %arg2[%dma_start3A_163, %dma_start3A_164] : memref<10640x128xf32, #tpu.memory_space<hbm>> -> memref<10640x128xf32, #tpu.memory_space<hbm>>
      tpu.enqueue_indirect_dma source(%dma_start3A_165 : memref<10640x128xf32, #tpu.memory_space<hbm>>) target(%arg7 : memref<128x128xf32, #tpu.memory_space<vmem>>) offsets(%dma_start3A_162 : memref<128xi32, #tpu.memory_space<vmem>>) semaphore(%arg10 : memref<!tpu.dma_semaphore, #tpu.memory_space<semaphore_mem>>)
      %dma_wait3A_166 = arith.constant 0 : i32
      %dma_wait3A_167 = arith.constant 0 : i32
      %dma_wait3A_168 = tpu.memref_slice %arg2[%dma_wait3A_166, %dma_wait3A_167] : memref<10640x128xf32, #tpu.memory_space<hbm>> -> memref<128x128xf32, #tpu.memory_space<hbm>>
      %dma_wait3A_169 = arith.constant 0 : i32
      %dma_wait3A_170 = arith.constant 0 : i32
      %dma_wait3A_171 = tpu.memref_slice %arg2[%dma_wait3A_169, %dma_wait3A_170] : memref<10640x128xf32, #tpu.memory_space<hbm>> -> memref<128x128xf32, #tpu.memory_space<hbm>>
      tpu.wait_dma2 semaphore(%arg9 : memref<!tpu.dma_semaphore, #tpu.memory_space<semaphore_mem>>) src(%dma_wait3A_171 : memref<128x128xf32, #tpu.memory_space<hbm>>) dst(%arg6 : memref<128x128xf32, #tpu.memory_space<vmem>>)
      %run_scoped3A_172 = arith.constant 8 : i32
      %run_scoped3A_173 = arith.constant 1 : i32
      "tpu.region"() ({
        %run_scoped3A_278 = tpu.sem_alloc : memref<!tpu.dma_semaphore, #tpu.memory_space<semaphore_mem>>
        %dma_start3A_279 = arith.constant 0 : i32
        %dma_start3A_280 = tpu.memref_slice %arg5[%run_scoped3A_172, %run_scoped3A_173, %dma_start3A_279] : memref<16x2x128xi32, #tpu.memory_space<vmem>> -> memref<1x1x128xi32, #tpu.memory_space<vmem>>
        %dma_start3A_281 = tpu.memref_squeeze %dma_start3A_280 : memref<1x1x128xi32, #tpu.memory_space<vmem>> -> memref<128xi32, #tpu.memory_space<vmem>>
        %dma_start3A_282 = arith.constant 0 : i32
        %dma_start3A_283 = arith.constant 0 : i32
        %dma_start3A_284 = tpu.memref_slice %arg8[%dma_start3A_282, %dma_start3A_283] : memref<10112x128xf32, #tpu.memory_space<vmem_shared>> -> memref<10112x128xf32, #tpu.memory_space<vmem_shared>>
        tpu.enqueue_indirect_dma source(%arg6 : memref<128x128xf32, #tpu.memory_space<vmem>>) target(%dma_start3A_284 : memref<10112x128xf32, #tpu.memory_space<vmem_shared>>) offsets(%dma_start3A_281 : memref<128xi32, #tpu.memory_space<vmem>>) semaphore(%run_scoped3A_278 : memref<!tpu.dma_semaphore, #tpu.memory_space<semaphore_mem>>) {add = true}
        %dma_wait3A_285 = arith.constant 0 : i32
        %dma_wait3A_286 = tpu.memref_slice %arg5[%run_scoped3A_172, %run_scoped3A_173, %dma_wait3A_285] : memref<16x2x128xi32, #tpu.memory_space<vmem>> -> memref<1x1x128xi32, #tpu.memory_space<vmem>>
        %dma_wait3A_287 = tpu.memref_squeeze %dma_wait3A_286 : memref<1x1x128xi32, #tpu.memory_space<vmem>> -> memref<128xi32, #tpu.memory_space<vmem>>
        %dma_wait3A_288 = arith.constant 0 : i32
        %dma_wait3A_289 = arith.constant 0 : i32
        %dma_wait3A_290 = tpu.memref_slice %arg8[%dma_wait3A_288, %dma_wait3A_289] : memref<10112x128xf32, #tpu.memory_space<vmem_shared>> -> memref<10112x128xf32, #tpu.memory_space<vmem_shared>>
        tpu.wait_indirect_dma semaphore(%run_scoped3A_278 : memref<!tpu.dma_semaphore, #tpu.memory_space<semaphore_mem>>) src(%arg6 : memref<128x128xf32, #tpu.memory_space<vmem>>) dst(%dma_wait3A_290 : memref<10112x128xf32, #tpu.memory_space<vmem_shared>>)
        tpu.yield
      }) : () -> ()
      %dma_start3A_174 = arith.constant 10 : i32
      %dma_start3A_175 = arith.constant 0 : i32
      %dma_start3A_176 = arith.constant 0 : i32
      %dma_start3A_177 = tpu.memref_slice %arg5[%dma_start3A_174, %dma_start3A_175, %dma_start3A_176] : memref<16x2x128xi32, #tpu.memory_space<vmem>> -> memref<1x1x128xi32, #tpu.memory_space<vmem>>
      %dma_start3A_178 = tpu.memref_squeeze %dma_start3A_177 : memref<1x1x128xi32, #tpu.memory_space<vmem>> -> memref<128xi32, #tpu.memory_space<vmem>>
      %dma_start3A_179 = arith.constant 0 : i32
      %dma_start3A_180 = arith.constant 0 : i32
      %dma_start3A_181 = tpu.memref_slice %arg2[%dma_start3A_179, %dma_start3A_180] : memref<10640x128xf32, #tpu.memory_space<hbm>> -> memref<10640x128xf32, #tpu.memory_space<hbm>>
      tpu.enqueue_indirect_dma source(%dma_start3A_181 : memref<10640x128xf32, #tpu.memory_space<hbm>>) target(%arg6 : memref<128x128xf32, #tpu.memory_space<vmem>>) offsets(%dma_start3A_178 : memref<128xi32, #tpu.memory_space<vmem>>) semaphore(%arg9 : memref<!tpu.dma_semaphore, #tpu.memory_space<semaphore_mem>>)
      %dma_wait3A_182 = arith.constant 0 : i32
      %dma_wait3A_183 = arith.constant 0 : i32
      %dma_wait3A_184 = tpu.memref_slice %arg2[%dma_wait3A_182, %dma_wait3A_183] : memref<10640x128xf32, #tpu.memory_space<hbm>> -> memref<128x128xf32, #tpu.memory_space<hbm>>
      %dma_wait3A_185 = arith.constant 0 : i32
      %dma_wait3A_186 = arith.constant 0 : i32
      %dma_wait3A_187 = tpu.memref_slice %arg2[%dma_wait3A_185, %dma_wait3A_186] : memref<10640x128xf32, #tpu.memory_space<hbm>> -> memref<128x128xf32, #tpu.memory_space<hbm>>
      tpu.wait_dma2 semaphore(%arg10 : memref<!tpu.dma_semaphore, #tpu.memory_space<semaphore_mem>>) src(%dma_wait3A_187 : memref<128x128xf32, #tpu.memory_space<hbm>>) dst(%arg7 : memref<128x128xf32, #tpu.memory_space<vmem>>)
      %run_scoped3A_188 = arith.constant 9 : i32
      %run_scoped3A_189 = arith.constant 1 : i32
      "tpu.region"() ({
        %run_scoped3A_278 = tpu.sem_alloc : memref<!tpu.dma_semaphore, #tpu.memory_space<semaphore_mem>>
        %dma_start3A_279 = arith.constant 0 : i32
        %dma_start3A_280 = tpu.memref_slice %arg5[%run_scoped3A_188, %run_scoped3A_189, %dma_start3A_279] : memref<16x2x128xi32, #tpu.memory_space<vmem>> -> memref<1x1x128xi32, #tpu.memory_space<vmem>>
        %dma_start3A_281 = tpu.memref_squeeze %dma_start3A_280 : memref<1x1x128xi32, #tpu.memory_space<vmem>> -> memref<128xi32, #tpu.memory_space<vmem>>
        %dma_start3A_282 = arith.constant 0 : i32
        %dma_start3A_283 = arith.constant 0 : i32
        %dma_start3A_284 = tpu.memref_slice %arg8[%dma_start3A_282, %dma_start3A_283] : memref<10112x128xf32, #tpu.memory_space<vmem_shared>> -> memref<10112x128xf32, #tpu.memory_space<vmem_shared>>
        tpu.enqueue_indirect_dma source(%arg7 : memref<128x128xf32, #tpu.memory_space<vmem>>) target(%dma_start3A_284 : memref<10112x128xf32, #tpu.memory_space<vmem_shared>>) offsets(%dma_start3A_281 : memref<128xi32, #tpu.memory_space<vmem>>) semaphore(%run_scoped3A_278 : memref<!tpu.dma_semaphore, #tpu.memory_space<semaphore_mem>>) {add = true}
        %dma_wait3A_285 = arith.constant 0 : i32
        %dma_wait3A_286 = tpu.memref_slice %arg5[%run_scoped3A_188, %run_scoped3A_189, %dma_wait3A_285] : memref<16x2x128xi32, #tpu.memory_space<vmem>> -> memref<1x1x128xi32, #tpu.memory_space<vmem>>
        %dma_wait3A_287 = tpu.memref_squeeze %dma_wait3A_286 : memref<1x1x128xi32, #tpu.memory_space<vmem>> -> memref<128xi32, #tpu.memory_space<vmem>>
        %dma_wait3A_288 = arith.constant 0 : i32
        %dma_wait3A_289 = arith.constant 0 : i32
        %dma_wait3A_290 = tpu.memref_slice %arg8[%dma_wait3A_288, %dma_wait3A_289] : memref<10112x128xf32, #tpu.memory_space<vmem_shared>> -> memref<10112x128xf32, #tpu.memory_space<vmem_shared>>
        tpu.wait_indirect_dma semaphore(%run_scoped3A_278 : memref<!tpu.dma_semaphore, #tpu.memory_space<semaphore_mem>>) src(%arg7 : memref<128x128xf32, #tpu.memory_space<vmem>>) dst(%dma_wait3A_290 : memref<10112x128xf32, #tpu.memory_space<vmem_shared>>)
        tpu.yield
      }) : () -> ()
      %dma_start3A_190 = arith.constant 11 : i32
      %dma_start3A_191 = arith.constant 0 : i32
      %dma_start3A_192 = arith.constant 0 : i32
      %dma_start3A_193 = tpu.memref_slice %arg5[%dma_start3A_190, %dma_start3A_191, %dma_start3A_192] : memref<16x2x128xi32, #tpu.memory_space<vmem>> -> memref<1x1x128xi32, #tpu.memory_space<vmem>>
      %dma_start3A_194 = tpu.memref_squeeze %dma_start3A_193 : memref<1x1x128xi32, #tpu.memory_space<vmem>> -> memref<128xi32, #tpu.memory_space<vmem>>
      %dma_start3A_195 = arith.constant 0 : i32
      %dma_start3A_196 = arith.constant 0 : i32
      %dma_start3A_197 = tpu.memref_slice %arg2[%dma_start3A_195, %dma_start3A_196] : memref<10640x128xf32, #tpu.memory_space<hbm>> -> memref<10640x128xf32, #tpu.memory_space<hbm>>
      tpu.enqueue_indirect_dma source(%dma_start3A_197 : memref<10640x128xf32, #tpu.memory_space<hbm>>) target(%arg7 : memref<128x128xf32, #tpu.memory_space<vmem>>) offsets(%dma_start3A_194 : memref<128xi32, #tpu.memory_space<vmem>>) semaphore(%arg10 : memref<!tpu.dma_semaphore, #tpu.memory_space<semaphore_mem>>)
      %dma_wait3A_198 = arith.constant 0 : i32
      %dma_wait3A_199 = arith.constant 0 : i32
      %dma_wait3A_200 = tpu.memref_slice %arg2[%dma_wait3A_198, %dma_wait3A_199] : memref<10640x128xf32, #tpu.memory_space<hbm>> -> memref<128x128xf32, #tpu.memory_space<hbm>>
      %dma_wait3A_201 = arith.constant 0 : i32
      %dma_wait3A_202 = arith.constant 0 : i32
      %dma_wait3A_203 = tpu.memref_slice %arg2[%dma_wait3A_201, %dma_wait3A_202] : memref<10640x128xf32, #tpu.memory_space<hbm>> -> memref<128x128xf32, #tpu.memory_space<hbm>>
      tpu.wait_dma2 semaphore(%arg9 : memref<!tpu.dma_semaphore, #tpu.memory_space<semaphore_mem>>) src(%dma_wait3A_203 : memref<128x128xf32, #tpu.memory_space<hbm>>) dst(%arg6 : memref<128x128xf32, #tpu.memory_space<vmem>>)
      %run_scoped3A_204 = arith.constant 10 : i32
      %run_scoped3A_205 = arith.constant 1 : i32
      "tpu.region"() ({
        %run_scoped3A_278 = tpu.sem_alloc : memref<!tpu.dma_semaphore, #tpu.memory_space<semaphore_mem>>
        %dma_start3A_279 = arith.constant 0 : i32
        %dma_start3A_280 = tpu.memref_slice %arg5[%run_scoped3A_204, %run_scoped3A_205, %dma_start3A_279] : memref<16x2x128xi32, #tpu.memory_space<vmem>> -> memref<1x1x128xi32, #tpu.memory_space<vmem>>
        %dma_start3A_281 = tpu.memref_squeeze %dma_start3A_280 : memref<1x1x128xi32, #tpu.memory_space<vmem>> -> memref<128xi32, #tpu.memory_space<vmem>>
        %dma_start3A_282 = arith.constant 0 : i32
        %dma_start3A_283 = arith.constant 0 : i32
        %dma_start3A_284 = tpu.memref_slice %arg8[%dma_start3A_282, %dma_start3A_283] : memref<10112x128xf32, #tpu.memory_space<vmem_shared>> -> memref<10112x128xf32, #tpu.memory_space<vmem_shared>>
        tpu.enqueue_indirect_dma source(%arg6 : memref<128x128xf32, #tpu.memory_space<vmem>>) target(%dma_start3A_284 : memref<10112x128xf32, #tpu.memory_space<vmem_shared>>) offsets(%dma_start3A_281 : memref<128xi32, #tpu.memory_space<vmem>>) semaphore(%run_scoped3A_278 : memref<!tpu.dma_semaphore, #tpu.memory_space<semaphore_mem>>) {add = true}
        %dma_wait3A_285 = arith.constant 0 : i32
        %dma_wait3A_286 = tpu.memref_slice %arg5[%run_scoped3A_204, %run_scoped3A_205, %dma_wait3A_285] : memref<16x2x128xi32, #tpu.memory_space<vmem>> -> memref<1x1x128xi32, #tpu.memory_space<vmem>>
        %dma_wait3A_287 = tpu.memref_squeeze %dma_wait3A_286 : memref<1x1x128xi32, #tpu.memory_space<vmem>> -> memref<128xi32, #tpu.memory_space<vmem>>
        %dma_wait3A_288 = arith.constant 0 : i32
        %dma_wait3A_289 = arith.constant 0 : i32
        %dma_wait3A_290 = tpu.memref_slice %arg8[%dma_wait3A_288, %dma_wait3A_289] : memref<10112x128xf32, #tpu.memory_space<vmem_shared>> -> memref<10112x128xf32, #tpu.memory_space<vmem_shared>>
        tpu.wait_indirect_dma semaphore(%run_scoped3A_278 : memref<!tpu.dma_semaphore, #tpu.memory_space<semaphore_mem>>) src(%arg6 : memref<128x128xf32, #tpu.memory_space<vmem>>) dst(%dma_wait3A_290 : memref<10112x128xf32, #tpu.memory_space<vmem_shared>>)
        tpu.yield
      }) : () -> ()
      %dma_start3A_206 = arith.constant 12 : i32
      %dma_start3A_207 = arith.constant 0 : i32
      %dma_start3A_208 = arith.constant 0 : i32
      %dma_start3A_209 = tpu.memref_slice %arg5[%dma_start3A_206, %dma_start3A_207, %dma_start3A_208] : memref<16x2x128xi32, #tpu.memory_space<vmem>> -> memref<1x1x128xi32, #tpu.memory_space<vmem>>
      %dma_start3A_210 = tpu.memref_squeeze %dma_start3A_209 : memref<1x1x128xi32, #tpu.memory_space<vmem>> -> memref<128xi32, #tpu.memory_space<vmem>>
      %dma_start3A_211 = arith.constant 0 : i32
      %dma_start3A_212 = arith.constant 0 : i32
      %dma_start3A_213 = tpu.memref_slice %arg2[%dma_start3A_211, %dma_start3A_212] : memref<10640x128xf32, #tpu.memory_space<hbm>> -> memref<10640x128xf32, #tpu.memory_space<hbm>>
      tpu.enqueue_indirect_dma source(%dma_start3A_213 : memref<10640x128xf32, #tpu.memory_space<hbm>>) target(%arg6 : memref<128x128xf32, #tpu.memory_space<vmem>>) offsets(%dma_start3A_210 : memref<128xi32, #tpu.memory_space<vmem>>) semaphore(%arg9 : memref<!tpu.dma_semaphore, #tpu.memory_space<semaphore_mem>>)
      %dma_wait3A_214 = arith.constant 0 : i32
      %dma_wait3A_215 = arith.constant 0 : i32
      %dma_wait3A_216 = tpu.memref_slice %arg2[%dma_wait3A_214, %dma_wait3A_215] : memref<10640x128xf32, #tpu.memory_space<hbm>> -> memref<128x128xf32, #tpu.memory_space<hbm>>
      %dma_wait3A_217 = arith.constant 0 : i32
      %dma_wait3A_218 = arith.constant 0 : i32
      %dma_wait3A_219 = tpu.memref_slice %arg2[%dma_wait3A_217, %dma_wait3A_218] : memref<10640x128xf32, #tpu.memory_space<hbm>> -> memref<128x128xf32, #tpu.memory_space<hbm>>
      tpu.wait_dma2 semaphore(%arg10 : memref<!tpu.dma_semaphore, #tpu.memory_space<semaphore_mem>>) src(%dma_wait3A_219 : memref<128x128xf32, #tpu.memory_space<hbm>>) dst(%arg7 : memref<128x128xf32, #tpu.memory_space<vmem>>)
      %run_scoped3A_220 = arith.constant 11 : i32
      %run_scoped3A_221 = arith.constant 1 : i32
      "tpu.region"() ({
        %run_scoped3A_278 = tpu.sem_alloc : memref<!tpu.dma_semaphore, #tpu.memory_space<semaphore_mem>>
        %dma_start3A_279 = arith.constant 0 : i32
        %dma_start3A_280 = tpu.memref_slice %arg5[%run_scoped3A_220, %run_scoped3A_221, %dma_start3A_279] : memref<16x2x128xi32, #tpu.memory_space<vmem>> -> memref<1x1x128xi32, #tpu.memory_space<vmem>>
        %dma_start3A_281 = tpu.memref_squeeze %dma_start3A_280 : memref<1x1x128xi32, #tpu.memory_space<vmem>> -> memref<128xi32, #tpu.memory_space<vmem>>
        %dma_start3A_282 = arith.constant 0 : i32
        %dma_start3A_283 = arith.constant 0 : i32
        %dma_start3A_284 = tpu.memref_slice %arg8[%dma_start3A_282, %dma_start3A_283] : memref<10112x128xf32, #tpu.memory_space<vmem_shared>> -> memref<10112x128xf32, #tpu.memory_space<vmem_shared>>
        tpu.enqueue_indirect_dma source(%arg7 : memref<128x128xf32, #tpu.memory_space<vmem>>) target(%dma_start3A_284 : memref<10112x128xf32, #tpu.memory_space<vmem_shared>>) offsets(%dma_start3A_281 : memref<128xi32, #tpu.memory_space<vmem>>) semaphore(%run_scoped3A_278 : memref<!tpu.dma_semaphore, #tpu.memory_space<semaphore_mem>>) {add = true}
        %dma_wait3A_285 = arith.constant 0 : i32
        %dma_wait3A_286 = tpu.memref_slice %arg5[%run_scoped3A_220, %run_scoped3A_221, %dma_wait3A_285] : memref<16x2x128xi32, #tpu.memory_space<vmem>> -> memref<1x1x128xi32, #tpu.memory_space<vmem>>
        %dma_wait3A_287 = tpu.memref_squeeze %dma_wait3A_286 : memref<1x1x128xi32, #tpu.memory_space<vmem>> -> memref<128xi32, #tpu.memory_space<vmem>>
        %dma_wait3A_288 = arith.constant 0 : i32
        %dma_wait3A_289 = arith.constant 0 : i32
        %dma_wait3A_290 = tpu.memref_slice %arg8[%dma_wait3A_288, %dma_wait3A_289] : memref<10112x128xf32, #tpu.memory_space<vmem_shared>> -> memref<10112x128xf32, #tpu.memory_space<vmem_shared>>
        tpu.wait_indirect_dma semaphore(%run_scoped3A_278 : memref<!tpu.dma_semaphore, #tpu.memory_space<semaphore_mem>>) src(%arg7 : memref<128x128xf32, #tpu.memory_space<vmem>>) dst(%dma_wait3A_290 : memref<10112x128xf32, #tpu.memory_space<vmem_shared>>)
        tpu.yield
      }) : () -> ()
      %dma_start3A_222 = arith.constant 13 : i32
      %dma_start3A_223 = arith.constant 0 : i32
      %dma_start3A_224 = arith.constant 0 : i32
      %dma_start3A_225 = tpu.memref_slice %arg5[%dma_start3A_222, %dma_start3A_223, %dma_start3A_224] : memref<16x2x128xi32, #tpu.memory_space<vmem>> -> memref<1x1x128xi32, #tpu.memory_space<vmem>>
      %dma_start3A_226 = tpu.memref_squeeze %dma_start3A_225 : memref<1x1x128xi32, #tpu.memory_space<vmem>> -> memref<128xi32, #tpu.memory_space<vmem>>
      %dma_start3A_227 = arith.constant 0 : i32
      %dma_start3A_228 = arith.constant 0 : i32
      %dma_start3A_229 = tpu.memref_slice %arg2[%dma_start3A_227, %dma_start3A_228] : memref<10640x128xf32, #tpu.memory_space<hbm>> -> memref<10640x128xf32, #tpu.memory_space<hbm>>
      tpu.enqueue_indirect_dma source(%dma_start3A_229 : memref<10640x128xf32, #tpu.memory_space<hbm>>) target(%arg7 : memref<128x128xf32, #tpu.memory_space<vmem>>) offsets(%dma_start3A_226 : memref<128xi32, #tpu.memory_space<vmem>>) semaphore(%arg10 : memref<!tpu.dma_semaphore, #tpu.memory_space<semaphore_mem>>)
      %dma_wait3A_230 = arith.constant 0 : i32
      %dma_wait3A_231 = arith.constant 0 : i32
      %dma_wait3A_232 = tpu.memref_slice %arg2[%dma_wait3A_230, %dma_wait3A_231] : memref<10640x128xf32, #tpu.memory_space<hbm>> -> memref<128x128xf32, #tpu.memory_space<hbm>>
      %dma_wait3A_233 = arith.constant 0 : i32
      %dma_wait3A_234 = arith.constant 0 : i32
      %dma_wait3A_235 = tpu.memref_slice %arg2[%dma_wait3A_233, %dma_wait3A_234] : memref<10640x128xf32, #tpu.memory_space<hbm>> -> memref<128x128xf32, #tpu.memory_space<hbm>>
      tpu.wait_dma2 semaphore(%arg9 : memref<!tpu.dma_semaphore, #tpu.memory_space<semaphore_mem>>) src(%dma_wait3A_235 : memref<128x128xf32, #tpu.memory_space<hbm>>) dst(%arg6 : memref<128x128xf32, #tpu.memory_space<vmem>>)
      %run_scoped3A_236 = arith.constant 12 : i32
      %run_scoped3A_237 = arith.constant 1 : i32
      "tpu.region"() ({
        %run_scoped3A_278 = tpu.sem_alloc : memref<!tpu.dma_semaphore, #tpu.memory_space<semaphore_mem>>
        %dma_start3A_279 = arith.constant 0 : i32
        %dma_start3A_280 = tpu.memref_slice %arg5[%run_scoped3A_236, %run_scoped3A_237, %dma_start3A_279] : memref<16x2x128xi32, #tpu.memory_space<vmem>> -> memref<1x1x128xi32, #tpu.memory_space<vmem>>
        %dma_start3A_281 = tpu.memref_squeeze %dma_start3A_280 : memref<1x1x128xi32, #tpu.memory_space<vmem>> -> memref<128xi32, #tpu.memory_space<vmem>>
        %dma_start3A_282 = arith.constant 0 : i32
        %dma_start3A_283 = arith.constant 0 : i32
        %dma_start3A_284 = tpu.memref_slice %arg8[%dma_start3A_282, %dma_start3A_283] : memref<10112x128xf32, #tpu.memory_space<vmem_shared>> -> memref<10112x128xf32, #tpu.memory_space<vmem_shared>>
        tpu.enqueue_indirect_dma source(%arg6 : memref<128x128xf32, #tpu.memory_space<vmem>>) target(%dma_start3A_284 : memref<10112x128xf32, #tpu.memory_space<vmem_shared>>) offsets(%dma_start3A_281 : memref<128xi32, #tpu.memory_space<vmem>>) semaphore(%run_scoped3A_278 : memref<!tpu.dma_semaphore, #tpu.memory_space<semaphore_mem>>) {add = true}
        %dma_wait3A_285 = arith.constant 0 : i32
        %dma_wait3A_286 = tpu.memref_slice %arg5[%run_scoped3A_236, %run_scoped3A_237, %dma_wait3A_285] : memref<16x2x128xi32, #tpu.memory_space<vmem>> -> memref<1x1x128xi32, #tpu.memory_space<vmem>>
        %dma_wait3A_287 = tpu.memref_squeeze %dma_wait3A_286 : memref<1x1x128xi32, #tpu.memory_space<vmem>> -> memref<128xi32, #tpu.memory_space<vmem>>
        %dma_wait3A_288 = arith.constant 0 : i32
        %dma_wait3A_289 = arith.constant 0 : i32
        %dma_wait3A_290 = tpu.memref_slice %arg8[%dma_wait3A_288, %dma_wait3A_289] : memref<10112x128xf32, #tpu.memory_space<vmem_shared>> -> memref<10112x128xf32, #tpu.memory_space<vmem_shared>>
        tpu.wait_indirect_dma semaphore(%run_scoped3A_278 : memref<!tpu.dma_semaphore, #tpu.memory_space<semaphore_mem>>) src(%arg6 : memref<128x128xf32, #tpu.memory_space<vmem>>) dst(%dma_wait3A_290 : memref<10112x128xf32, #tpu.memory_space<vmem_shared>>)
        tpu.yield
      }) : () -> ()
      %dma_start3A_238 = arith.constant 14 : i32
      %dma_start3A_239 = arith.constant 0 : i32
      %dma_start3A_240 = arith.constant 0 : i32
      %dma_start3A_241 = tpu.memref_slice %arg5[%dma_start3A_238, %dma_start3A_239, %dma_start3A_240] : memref<16x2x128xi32, #tpu.memory_space<vmem>> -> memref<1x1x128xi32, #tpu.memory_space<vmem>>
      %dma_start3A_242 = tpu.memref_squeeze %dma_start3A_241 : memref<1x1x128xi32, #tpu.memory_space<vmem>> -> memref<128xi32, #tpu.memory_space<vmem>>
      %dma_start3A_243 = arith.constant 0 : i32
      %dma_start3A_244 = arith.constant 0 : i32
      %dma_start3A_245 = tpu.memref_slice %arg2[%dma_start3A_243, %dma_start3A_244] : memref<10640x128xf32, #tpu.memory_space<hbm>> -> memref<10640x128xf32, #tpu.memory_space<hbm>>
      tpu.enqueue_indirect_dma source(%dma_start3A_245 : memref<10640x128xf32, #tpu.memory_space<hbm>>) target(%arg6 : memref<128x128xf32, #tpu.memory_space<vmem>>) offsets(%dma_start3A_242 : memref<128xi32, #tpu.memory_space<vmem>>) semaphore(%arg9 : memref<!tpu.dma_semaphore, #tpu.memory_space<semaphore_mem>>)
      %dma_wait3A_246 = arith.constant 0 : i32
      %dma_wait3A_247 = arith.constant 0 : i32
      %dma_wait3A_248 = tpu.memref_slice %arg2[%dma_wait3A_246, %dma_wait3A_247] : memref<10640x128xf32, #tpu.memory_space<hbm>> -> memref<128x128xf32, #tpu.memory_space<hbm>>
      %dma_wait3A_249 = arith.constant 0 : i32
      %dma_wait3A_250 = arith.constant 0 : i32
      %dma_wait3A_251 = tpu.memref_slice %arg2[%dma_wait3A_249, %dma_wait3A_250] : memref<10640x128xf32, #tpu.memory_space<hbm>> -> memref<128x128xf32, #tpu.memory_space<hbm>>
      tpu.wait_dma2 semaphore(%arg10 : memref<!tpu.dma_semaphore, #tpu.memory_space<semaphore_mem>>) src(%dma_wait3A_251 : memref<128x128xf32, #tpu.memory_space<hbm>>) dst(%arg7 : memref<128x128xf32, #tpu.memory_space<vmem>>)
      %run_scoped3A_252 = arith.constant 13 : i32
      %run_scoped3A_253 = arith.constant 1 : i32
      "tpu.region"() ({
        %run_scoped3A_278 = tpu.sem_alloc : memref<!tpu.dma_semaphore, #tpu.memory_space<semaphore_mem>>
        %dma_start3A_279 = arith.constant 0 : i32
        %dma_start3A_280 = tpu.memref_slice %arg5[%run_scoped3A_252, %run_scoped3A_253, %dma_start3A_279] : memref<16x2x128xi32, #tpu.memory_space<vmem>> -> memref<1x1x128xi32, #tpu.memory_space<vmem>>
        %dma_start3A_281 = tpu.memref_squeeze %dma_start3A_280 : memref<1x1x128xi32, #tpu.memory_space<vmem>> -> memref<128xi32, #tpu.memory_space<vmem>>
        %dma_start3A_282 = arith.constant 0 : i32
        %dma_start3A_283 = arith.constant 0 : i32
        %dma_start3A_284 = tpu.memref_slice %arg8[%dma_start3A_282, %dma_start3A_283] : memref<10112x128xf32, #tpu.memory_space<vmem_shared>> -> memref<10112x128xf32, #tpu.memory_space<vmem_shared>>
        tpu.enqueue_indirect_dma source(%arg7 : memref<128x128xf32, #tpu.memory_space<vmem>>) target(%dma_start3A_284 : memref<10112x128xf32, #tpu.memory_space<vmem_shared>>) offsets(%dma_start3A_281 : memref<128xi32, #tpu.memory_space<vmem>>) semaphore(%run_scoped3A_278 : memref<!tpu.dma_semaphore, #tpu.memory_space<semaphore_mem>>) {add = true}
        %dma_wait3A_285 = arith.constant 0 : i32
        %dma_wait3A_286 = tpu.memref_slice %arg5[%run_scoped3A_252, %run_scoped3A_253, %dma_wait3A_285] : memref<16x2x128xi32, #tpu.memory_space<vmem>> -> memref<1x1x128xi32, #tpu.memory_space<vmem>>
        %dma_wait3A_287 = tpu.memref_squeeze %dma_wait3A_286 : memref<1x1x128xi32, #tpu.memory_space<vmem>> -> memref<128xi32, #tpu.memory_space<vmem>>
        %dma_wait3A_288 = arith.constant 0 : i32
        %dma_wait3A_289 = arith.constant 0 : i32
        %dma_wait3A_290 = tpu.memref_slice %arg8[%dma_wait3A_288, %dma_wait3A_289] : memref<10112x128xf32, #tpu.memory_space<vmem_shared>> -> memref<10112x128xf32, #tpu.memory_space<vmem_shared>>
        tpu.wait_indirect_dma semaphore(%run_scoped3A_278 : memref<!tpu.dma_semaphore, #tpu.memory_space<semaphore_mem>>) src(%arg7 : memref<128x128xf32, #tpu.memory_space<vmem>>) dst(%dma_wait3A_290 : memref<10112x128xf32, #tpu.memory_space<vmem_shared>>)
        tpu.yield
      }) : () -> ()
      %dma_start3A_254 = arith.constant 15 : i32
      %dma_start3A_255 = arith.constant 0 : i32
      %dma_start3A_256 = arith.constant 0 : i32
      %dma_start3A_257 = tpu.memref_slice %arg5[%dma_start3A_254, %dma_start3A_255, %dma_start3A_256] : memref<16x2x128xi32, #tpu.memory_space<vmem>> -> memref<1x1x128xi32, #tpu.memory_space<vmem>>
      %dma_start3A_258 = tpu.memref_squeeze %dma_start3A_257 : memref<1x1x128xi32, #tpu.memory_space<vmem>> -> memref<128xi32, #tpu.memory_space<vmem>>
      %dma_start3A_259 = arith.constant 0 : i32
      %dma_start3A_260 = arith.constant 0 : i32
      %dma_start3A_261 = tpu.memref_slice %arg2[%dma_start3A_259, %dma_start3A_260] : memref<10640x128xf32, #tpu.memory_space<hbm>> -> memref<10640x128xf32, #tpu.memory_space<hbm>>
      tpu.enqueue_indirect_dma source(%dma_start3A_261 : memref<10640x128xf32, #tpu.memory_space<hbm>>) target(%arg7 : memref<128x128xf32, #tpu.memory_space<vmem>>) offsets(%dma_start3A_258 : memref<128xi32, #tpu.memory_space<vmem>>) semaphore(%arg10 : memref<!tpu.dma_semaphore, #tpu.memory_space<semaphore_mem>>)
      %dma_wait3A_262 = arith.constant 0 : i32
      %dma_wait3A_263 = arith.constant 0 : i32
      %dma_wait3A_264 = tpu.memref_slice %arg2[%dma_wait3A_262, %dma_wait3A_263] : memref<10640x128xf32, #tpu.memory_space<hbm>> -> memref<128x128xf32, #tpu.memory_space<hbm>>
      %dma_wait3A_265 = arith.constant 0 : i32
      %dma_wait3A_266 = arith.constant 0 : i32
      %dma_wait3A_267 = tpu.memref_slice %arg2[%dma_wait3A_265, %dma_wait3A_266] : memref<10640x128xf32, #tpu.memory_space<hbm>> -> memref<128x128xf32, #tpu.memory_space<hbm>>
      tpu.wait_dma2 semaphore(%arg9 : memref<!tpu.dma_semaphore, #tpu.memory_space<semaphore_mem>>) src(%dma_wait3A_267 : memref<128x128xf32, #tpu.memory_space<hbm>>) dst(%arg6 : memref<128x128xf32, #tpu.memory_space<vmem>>)
      %run_scoped3A_268 = arith.constant 14 : i32
      %run_scoped3A_269 = arith.constant 1 : i32
      "tpu.region"() ({
        %run_scoped3A_278 = tpu.sem_alloc : memref<!tpu.dma_semaphore, #tpu.memory_space<semaphore_mem>>
        %dma_start3A_279 = arith.constant 0 : i32
        %dma_start3A_280 = tpu.memref_slice %arg5[%run_scoped3A_268, %run_scoped3A_269, %dma_start3A_279] : memref<16x2x128xi32, #tpu.memory_space<vmem>> -> memref<1x1x128xi32, #tpu.memory_space<vmem>>
        %dma_start3A_281 = tpu.memref_squeeze %dma_start3A_280 : memref<1x1x128xi32, #tpu.memory_space<vmem>> -> memref<128xi32, #tpu.memory_space<vmem>>
        %dma_start3A_282 = arith.constant 0 : i32
        %dma_start3A_283 = arith.constant 0 : i32
        %dma_start3A_284 = tpu.memref_slice %arg8[%dma_start3A_282, %dma_start3A_283] : memref<10112x128xf32, #tpu.memory_space<vmem_shared>> -> memref<10112x128xf32, #tpu.memory_space<vmem_shared>>
        tpu.enqueue_indirect_dma source(%arg6 : memref<128x128xf32, #tpu.memory_space<vmem>>) target(%dma_start3A_284 : memref<10112x128xf32, #tpu.memory_space<vmem_shared>>) offsets(%dma_start3A_281 : memref<128xi32, #tpu.memory_space<vmem>>) semaphore(%run_scoped3A_278 : memref<!tpu.dma_semaphore, #tpu.memory_space<semaphore_mem>>) {add = true}
        %dma_wait3A_285 = arith.constant 0 : i32
        %dma_wait3A_286 = tpu.memref_slice %arg5[%run_scoped3A_268, %run_scoped3A_269, %dma_wait3A_285] : memref<16x2x128xi32, #tpu.memory_space<vmem>> -> memref<1x1x128xi32, #tpu.memory_space<vmem>>
        %dma_wait3A_287 = tpu.memref_squeeze %dma_wait3A_286 : memref<1x1x128xi32, #tpu.memory_space<vmem>> -> memref<128xi32, #tpu.memory_space<vmem>>
        %dma_wait3A_288 = arith.constant 0 : i32
        %dma_wait3A_289 = arith.constant 0 : i32
        %dma_wait3A_290 = tpu.memref_slice %arg8[%dma_wait3A_288, %dma_wait3A_289] : memref<10112x128xf32, #tpu.memory_space<vmem_shared>> -> memref<10112x128xf32, #tpu.memory_space<vmem_shared>>
        tpu.wait_indirect_dma semaphore(%run_scoped3A_278 : memref<!tpu.dma_semaphore, #tpu.memory_space<semaphore_mem>>) src(%arg6 : memref<128x128xf32, #tpu.memory_space<vmem>>) dst(%dma_wait3A_290 : memref<10112x128xf32, #tpu.memory_space<vmem_shared>>)
        tpu.yield
      }) : () -> ()
      %dma_wait3A_270 = arith.constant 0 : i32
      %dma_wait3A_271 = arith.constant 0 : i32
      %dma_wait3A_272 = tpu.memref_slice %arg2[%dma_wait3A_270, %dma_wait3A_271] : memref<10640x128xf32, #tpu.memory_space<hbm>> -> memref<128x128xf32, #tpu.memory_space<hbm>>
      %dma_wait3A_273 = arith.constant 0 : i32
      %dma_wait3A_274 = arith.constant 0 : i32
      %dma_wait3A_275 = tpu.memref_slice %arg2[%dma_wait3A_273, %dma_wait3A_274] : memref<10640x128xf32, #tpu.memory_space<hbm>> -> memref<128x128xf32, #tpu.memory_space<hbm>>
      tpu.wait_dma2 semaphore(%arg10 : memref<!tpu.dma_semaphore, #tpu.memory_space<semaphore_mem>>) src(%dma_wait3A_275 : memref<128x128xf32, #tpu.memory_space<hbm>>) dst(%arg7 : memref<128x128xf32, #tpu.memory_space<vmem>>)
      %run_scoped3A_276 = arith.constant 15 : i32
      %run_scoped3A_277 = arith.constant 1 : i32
      "tpu.region"() ({
        %run_scoped3A_278 = tpu.sem_alloc : memref<!tpu.dma_semaphore, #tpu.memory_space<semaphore_mem>>
        %dma_start3A_279 = arith.constant 0 : i32
        %dma_start3A_280 = tpu.memref_slice %arg5[%run_scoped3A_276, %run_scoped3A_277, %dma_start3A_279] : memref<16x2x128xi32, #tpu.memory_space<vmem>> -> memref<1x1x128xi32, #tpu.memory_space<vmem>>
        %dma_start3A_281 = tpu.memref_squeeze %dma_start3A_280 : memref<1x1x128xi32, #tpu.memory_space<vmem>> -> memref<128xi32, #tpu.memory_space<vmem>>
        %dma_start3A_282 = arith.constant 0 : i32
        %dma_start3A_283 = arith.constant 0 : i32
        %dma_start3A_284 = tpu.memref_slice %arg8[%dma_start3A_282, %dma_start3A_283] : memref<10112x128xf32, #tpu.memory_space<vmem_shared>> -> memref<10112x128xf32, #tpu.memory_space<vmem_shared>>
        tpu.enqueue_indirect_dma source(%arg7 : memref<128x128xf32, #tpu.memory_space<vmem>>) target(%dma_start3A_284 : memref<10112x128xf32, #tpu.memory_space<vmem_shared>>) offsets(%dma_start3A_281 : memref<128xi32, #tpu.memory_space<vmem>>) semaphore(%run_scoped3A_278 : memref<!tpu.dma_semaphore, #tpu.memory_space<semaphore_mem>>) {add = true}
        %dma_wait3A_285 = arith.constant 0 : i32
        %dma_wait3A_286 = tpu.memref_slice %arg5[%run_scoped3A_276, %run_scoped3A_277, %dma_wait3A_285] : memref<16x2x128xi32, #tpu.memory_space<vmem>> -> memref<1x1x128xi32, #tpu.memory_space<vmem>>
        %dma_wait3A_287 = tpu.memref_squeeze %dma_wait3A_286 : memref<1x1x128xi32, #tpu.memory_space<vmem>> -> memref<128xi32, #tpu.memory_space<vmem>>
        %dma_wait3A_288 = arith.constant 0 : i32
        %dma_wait3A_289 = arith.constant 0 : i32
        %dma_wait3A_290 = tpu.memref_slice %arg8[%dma_wait3A_288, %dma_wait3A_289] : memref<10112x128xf32, #tpu.memory_space<vmem_shared>> -> memref<10112x128xf32, #tpu.memory_space<vmem_shared>>
        tpu.wait_indirect_dma semaphore(%run_scoped3A_278 : memref<!tpu.dma_semaphore, #tpu.memory_space<semaphore_mem>>) src(%arg7 : memref<128x128xf32, #tpu.memory_space<vmem>>) dst(%dma_wait3A_290 : memref<10112x128xf32, #tpu.memory_space<vmem_shared>>)
        tpu.yield
      }) : () -> ()
    }
    %scan3A_12 = arith.constant 5 : i32
    %barrier3A_13 = arith.constant 0 : index
    tpu.barrier barrier_id(%barrier3A_13)
    %mul3A_14 = arith.constant 10112 : i32
    %mul3A_15 = arith.muli %arg0, %mul3A_14 : i32
    %mul3A_16 = arith.constant 632 : i32
    %mul3A_17 = arith.muli %arg1, %mul3A_16 : i32
    %add3A_18 = arith.addi %mul3A_15, %mul3A_17 : i32
    %multiple_of3A_19 = tpu.assume_multiple %add3A_18, 8 : i32
    %mul3A_20 = arith.constant 632 : i32
    %mul3A_21 = arith.muli %arg1, %mul3A_20 : i32
    "tpu.region"() ({
      %run_scoped3A = tpu.sem_alloc : memref<!tpu.dma_semaphore, #tpu.memory_space<semaphore_mem>>
      %dma_start3A = arith.constant 0 : i32
      %dma_start3A_22 = tpu.memref_slice %arg4[%multiple_of3A_19, %dma_start3A] : memref<20224x128xf32, #tpu.memory_space<hbm>> -> memref<632x128xf32, #tpu.memory_space<hbm>>
      %dma_start3A_23 = arith.constant 0 : i32
      %dma_start3A_24 = tpu.memref_slice %arg8[%mul3A_21, %dma_start3A_23] : memref<10112x128xf32, #tpu.memory_space<vmem_shared>> -> memref<632x128xf32, #tpu.memory_space<vmem_shared>>
      tpu.enqueue_dma source(%dma_start3A_24 : memref<632x128xf32, #tpu.memory_space<vmem_shared>>) target(%dma_start3A_22 : memref<632x128xf32, #tpu.memory_space<hbm>>) target_semaphore(%run_scoped3A : memref<!tpu.dma_semaphore, #tpu.memory_space<semaphore_mem>>)
      %dma_wait3A = arith.constant 0 : i32
      %dma_wait3A_25 = tpu.memref_slice %arg4[%multiple_of3A_19, %dma_wait3A] : memref<20224x128xf32, #tpu.memory_space<hbm>> -> memref<632x128xf32, #tpu.memory_space<hbm>>
      %dma_wait3A_26 = arith.constant 0 : i32
      %dma_wait3A_27 = tpu.memref_slice %arg8[%mul3A_21, %dma_wait3A_26] : memref<10112x128xf32, #tpu.memory_space<vmem_shared>> -> memref<632x128xf32, #tpu.memory_space<vmem_shared>>
      tpu.wait_dma2 semaphore(%run_scoped3A : memref<!tpu.dma_semaphore, #tpu.memory_space<semaphore_mem>>) src(%dma_wait3A_27 : memref<632x128xf32, #tpu.memory_space<vmem_shared>>) dst(%dma_wait3A_25 : memref<632x128xf32, #tpu.memory_space<hbm>>)
      tpu.yield
    }) : () -> ()
    return
  }
}

module attributes {stable_mosaic.version = 14 : i64} {
  func.func @body(%arg0: i32, %arg1: memref<1000x128xf32, #tpu.memory_space<vmem>>, %arg2: memref<128x256xf32, #tpu.memory_space<vmem>>, %arg3: memref<1000x256xf32, #tpu.memory_space<vmem>>) attributes {dimension_semantics = [#tpu.dimension_semantics<arbitrary>], iteration_bounds = array<i64: 10>, scalar_prefetch = 0 : i64, scratch_operands = 0 : i64, tpu.core_type = #tpu.core_type<tc>, window_params = [{transform_indices = @transform_0, window_bounds = array<i64: 1000, 128>}, {pipeline_mode = #tpu.pipeline_mode<synchronous>, transform_indices = @transform_1, window_bounds = array<i64: 128, 256>}, {transform_indices = @transform_2, window_bounds = array<i64: 1000, 256>}]} {
    %get3A = arith.constant 0 : index
    %get3A_0 = arith.constant 0 : index
    %get3A_1 = vector.load %arg1[%get3A, %get3A_0] : memref<1000x128xf32, #tpu.memory_space<vmem>>, vector<1000x128xf32>
    %get3A_2 = arith.constant 0 : index
    %get3A_3 = arith.constant 0 : index
    %get3A_4 = vector.load %arg2[%get3A_2, %get3A_3] : memref<128x256xf32, #tpu.memory_space<vmem>>, vector<128x256xf32>
    %dot_general3A = arith.constant dense<0.000000e+00> : vector<1000x256xf32>
    %dot_general3A_5 = tpu.matmul %get3A_1, %get3A_4, %dot_general3A {dimension_numbers = #tpu.dot_dimension_numbers<[1], [0], [0], [1], [0, 0, 1, 1], [], []>, transpose_lhs_hint = false} : vector<1000x128xf32>, vector<128x256xf32>, vector<1000x256xf32> -> vector<1000x256xf32>
    %swap3A = arith.constant 0 : index
    %swap3A_6 = arith.constant 0 : index
    %swap3A_7 = vector.load %arg3[%swap3A, %swap3A_6] : memref<1000x256xf32, #tpu.memory_space<vmem>>, vector<1000x256xf32>
    tpu.vector_store %arg3[%swap3A, %swap3A_6], %dot_general3A_5 {strides = array<i32>} : memref<1000x256xf32, #tpu.memory_space<vmem>>, vector<1000x256xf32>,
    return
  }
  func.func @transform_0(%arg0: i32) -> (i32, i32) {
    %c0_i32 = arith.constant 0 : i32
    %c0_i32_0 = arith.constant 0 : i32
    return %arg0, %c0_i32 : i32, i32
  }
  func.func @transform_1(%arg0: i32) -> (i32, i32) {
    %c0_i32 = arith.constant 0 : i32
    %c0_i32_0 = arith.constant 0 : i32
    %c0_i32_1 = arith.constant 0 : i32
    return %c0_i32, %c0_i32_0 : i32, i32
  }
  func.func @transform_2(%arg0: i32) -> (i32, i32) {
    %c0_i32 = arith.constant 0 : i32
    %c0_i32_0 = arith.constant 0 : i32
    return %arg0, %c0_i32 : i32, i32
  }
}

module attributes {stable_mosaic.version = 14 : i64} {
  func.func @body(%arg0: i32, %arg1: memref<1000x256xf32, #tpu.memory_space<vmem>>, %arg2: memref<256x128xf32, #tpu.memory_space<vmem>>, %arg3: memref<1000x128xf32, #tpu.memory_space<vmem>>) attributes {dimension_semantics = [#tpu.dimension_semantics<arbitrary>], iteration_bounds = array<i64: 10>, scalar_prefetch = 0 : i64, scratch_operands = 0 : i64, tpu.core_type = #tpu.core_type<tc>, window_params = [{transform_indices = @transform_0, window_bounds = array<i64: 1000, 256>}, {pipeline_mode = #tpu.pipeline_mode<synchronous>, transform_indices = @transform_1, window_bounds = array<i64: 256, 128>}, {transform_indices = @transform_2, window_bounds = array<i64: 1000, 128>}]} {
    %get3A = arith.constant 0 : index
    %get3A_0 = arith.constant 0 : index
    %get3A_1 = vector.load %arg1[%get3A, %get3A_0] : memref<1000x256xf32, #tpu.memory_space<vmem>>, vector<1000x256xf32>
    %get3A_2 = arith.constant 0 : index
    %get3A_3 = arith.constant 0 : index
    %get3A_4 = vector.load %arg2[%get3A_2, %get3A_3] : memref<256x128xf32, #tpu.memory_space<vmem>>, vector<256x128xf32>
    %dot_general3A = arith.constant dense<0.000000e+00> : vector<1000x128xf32>
    %dot_general3A_5 = tpu.matmul %get3A_1, %get3A_4, %dot_general3A {dimension_numbers = #tpu.dot_dimension_numbers<[1], [0], [0], [1], [0, 0, 1, 1], [], []>, transpose_lhs_hint = false} : vector<1000x256xf32>, vector<256x128xf32>, vector<1000x128xf32> -> vector<1000x128xf32>
    %swap3A = arith.constant 0 : index
    %swap3A_6 = arith.constant 0 : index
    %swap3A_7 = vector.load %arg3[%swap3A, %swap3A_6] : memref<1000x128xf32, #tpu.memory_space<vmem>>, vector<1000x128xf32>
    tpu.vector_store %arg3[%swap3A, %swap3A_6], %dot_general3A_5 {strides = array<i32>} : memref<1000x128xf32, #tpu.memory_space<vmem>>, vector<1000x128xf32>,
    return
  }
  func.func @transform_0(%arg0: i32) -> (i32, i32) {
    %c0_i32 = arith.constant 0 : i32
    %c0_i32_0 = arith.constant 0 : i32
    return %arg0, %c0_i32 : i32, i32
  }
  func.func @transform_1(%arg0: i32) -> (i32, i32) {
    %c0_i32 = arith.constant 0 : i32
    %c0_i32_0 = arith.constant 0 : i32
    %c0_i32_1 = arith.constant 0 : i32
    return %c0_i32, %c0_i32_0 : i32, i32
  }
  func.func @transform_2(%arg0: i32) -> (i32, i32) {
    %c0_i32 = arith.constant 0 : i32
    %c0_i32_0 = arith.constant 0 : i32
    return %arg0, %c0_i32 : i32, i32
  }
}

</mosaic_0001>

<sc_bundles>
// kernel: kernel.10.cloned.1.call-start
scs
__scs_entry_jumppad:
0x0: {  	(pc) =	sbr.rel $0x88, $3  }
0x1: {  	(tag) =	ssettag $0x0;
	lr =	simm.s32 $0x1  }
0x2: {  	[smem:$0x3F9B] =	sst lr;
	_ =	strace $0xD0000000  }
0x3: {  	_ = 	snop  }
0x4: {  	_ = 	snop  }
0x5: {  	_ = 	snop  }
0x6: {  	_ = 	snop  }
0x7: {  	_ = 	snop  }
__scs_overlays_trampoline_lowered:
0x8: {  	[smem:$0x3FAA] =	sst s0  }
0x9: {  	[smem:$0x3FAB] =	sst s1  }
0xa: {  	[smem:$0x3FAC] =	sst s2  }
0xb: {  	[smem:$0x3FAD] =	sst s3  }
0xc: {  	[smem:$0x3FAE] =	sst s4  }
0xd: {  	[smem:$0x3FAF] =	sst s5  }
0xe: {  	[smem:$0x3FB0] =	sst s6  }
0xf: {  	[smem:$0x3FB1] =	sst s7  }
0x10: {  	[smem:$0x3FB2] =	sst s8  }
0x11: {  	[smem:$0x3FB3] =	sst s9;
	s0 =	simm.s32 @!p0 $0x0  }
0x12: {  	s1 =	sld [smem:$0x3F99];
	s0 =	simm.s32 @p0 $0x1  }
0x13: {  	[smem:$0x3FB4] =	sst s0;
	s0 =	simm.s32 @!p1 $0x0  }
0x14: {  	s2 =	sld [smem:$0x3F98];
	s0 =	simm.s32 @p1 $0x1  }
0x15: {  	[smem:$0x3FB5] =	sst s0;
	s0 =	simm.s32 @!p2 $0x0  }
0x16: {  	s3 =	sld [smem:$0x3FDB];
	s0 =	simm.s32 @p2 $0x1  }
0x17: {  	s4 =	simm.s32 $0x1BF5;
	[smem:$0x3FB7] =	sst s0  }
0x18: {  	s0 =	sld [smem:$0x3F9A];
	_ =	swait.ge [sflag:s4], $0x0  }
0x19: {  	s7 =	sld [smem:$0x3F9B]  }
0x1a: {  	s8 =	sadd.s32 $0xFFFFE003, lr  }
0x1b: {  	s9 =	sadd.s32 $0xFFFFFEF7, lr;
	s5 =	simm.s32 $0xFFFFFFFF;
	p2 =	slt.u32 s8, $0xFFFFF086  }
0x1c: {  	p1 =	slt.u32 s9, $0xF7A;
	s5 =	simm.s32 @!p2 $0x0  }
0x1d: {  	s5 =	simm.s32 @p1 $0x1;
	p0 =	seq.s32 s7, s2  }
0x1e: {  	s7 =	smul.u32 @!p0 $0xF7A, s2;
	p2 =	seq.s32 @!p0 s5, $0x0  }
0x1f: {  	s9 =	smul.u32 $0xF7A, s1;
	s8 =	simm.s32 @!p0 $0x1BF5;
	p2 =	por !p2, p0  }
0x20: {  	[sflag:s8] =	ssyncset.s32 @!p0 $0xFFFFF086;
	s6 =	sadd.s32 @!p0 s3, s7;
	s7 =	simm.s32 @!p0 $0x108  }
0x21: {  	s3 =	sadd.s32 s3, s9;
	s6 =	sadd.s32 @!p0 $0x88, s6;
	s7 =	simm.s32 @p2 $0x1082  }
0x22: {  	[simem:s7], [sflag:s8] =	dma.local @!p0 [hbm:s6], $0xF7A  }
0x23: {  	s9 =	sor.u32 $0xD0000000, s2;
	s6 =	simm.s32 $0x108;
	_ =	swait.ge @!p0 [sflag:s8], $0x0  }
0x24: {  	s3 =	sadd.s32 $0x88, s3;
	s6 =	simm.s32 @!p1 $0x1082;
	[sflag:s4] =	ssyncset.s32 $0xFFFFF086  }
0x25: {  	[simem:s6], [sflag:s4] =	dma.local [hbm:s3], $0xF7A  }
0x26: {  	[smem:$0x3F9B] =	sst s1;
	(tag) =	ssettag s2;
	_ =	strace s9  }
0x27: {  	s1 =	sld [smem:$0x3FAB]  }
0x28: {  	s2 =	sld [smem:$0x3FAC]  }
0x29: {  	s4 =	sld [smem:$0x3FAE]  }
0x2a: {  	p0 =	seq.s32 s5, $0x0;
	s5 =	sld [smem:$0x3FAF]  }
0x2b: {  	s6 =	sld [smem:$0x3FB0]  }
0x2c: {  	s7 =	sld [smem:$0x3FB1]  }
0x2d: {  	s3 =	simm.s32 $0x108;
	s8 =	sld [smem:$0x3FB2]  }
0x2e: {  	s3 =	simm.s32 @!p0 $0x1082;
	s9 =	sld [smem:$0x3FB3]  }
0x2f: {  	lr =	sadd.s32 s0, s3;
	s0 =	sld [smem:$0x3FAA]  }
0x30: {  	s3 =	sld [smem:$0x3FAD]  }
0x31: {  	[smem:$0x3FB6] =	sst s10  }
0x32: {  	s10 =	sld [smem:$0x3FB4];
	_ =	sdelay $0x3  }
0x33: {  	p0 =	seq.s32 s10, $0x1;
	s10 =	sld [smem:$0x3FB6];
	_ =	sdelay $0x3  }
0x34: {  	[smem:$0x3FB6] =	sst s10  }
0x35: {  	s10 =	sld [smem:$0x3FB5];
	_ =	sdelay $0x3  }
0x36: {  	p1 =	seq.s32 s10, $0x1;
	s10 =	sld [smem:$0x3FB6];
	_ =	sdelay $0x3  }
0x37: {  	[smem:$0x3FB6] =	sst s10  }
0x38: {  	s10 =	sld [smem:$0x3FB7]  }
0x39: {  	_ = 	snop;
	(pc) =	sbr.ind lr, $3  }
0x3a: {  	_ = 	snop  }
0x3b: {  	_ = 	snop  }
0x3c: {  	p2 =	seq.s32 s10, $0x1;
	s10 =	sld [smem:$0x3FB6]  }
0x3d: {  	_ =	shalt  }
0x3e: {  	_ =	shalt  }
0x3f: {  	_ =	shalt  }
0x40: {  	_ =	shalt  }
0x41: {  	_ =	shalt  }
0x42: {  	_ =	shalt  }
0x43: {  	_ =	shalt  }
0x44: {  	_ =	shalt  }
0x45: {  	_ =	shalt  }
0x46: {  	_ =	shalt  }
0x47: {  	_ =	shalt  }
0x48: {  	_ =	shalt  }
0x49: {  	_ =	shalt  }
0x4a: {  	_ =	shalt  }
0x4b: {  	_ =	shalt  }
0x4c: {  	_ =	shalt  }
0x4d: {  	_ =	shalt  }
0x4e: {  	_ =	shalt  }
0x4f: {  	_ =	shalt  }
0x50: {  	_ =	shalt  }
0x51: {  	_ =	shalt  }
0x52: {  	_ =	shalt  }
0x53: {  	_ =	shalt  }
0x54: {  	_ =	shalt  }
0x55: {  	_ =	shalt  }
0x56: {  	_ =	shalt  }
0x57: {  	_ =	shalt  }
0x58: {  	_ =	shalt  }
0x59: {  	_ =	shalt  }
0x5a: {  	_ =	shalt  }
0x5b: {  	_ =	shalt  }
0x5c: {  	_ =	shalt  }
0x5d: {  	_ =	shalt  }
0x5e: {  	_ =	shalt  }
0x5f: {  	_ =	shalt  }
0x60: {  	_ =	shalt  }
0x61: {  	_ =	shalt  }
0x62: {  	_ =	shalt  }
0x63: {  	_ =	shalt  }
0x64: {  	_ =	shalt  }
0x65: {  	_ =	shalt  }
0x66: {  	_ =	shalt  }
0x67: {  	_ =	shalt  }
0x68: {  	_ =	shalt  }
0x69: {  	_ =	shalt  }
0x6a: {  	_ =	shalt  }
0x6b: {  	_ =	shalt  }
0x6c: {  	_ =	shalt  }
0x6d: {  	_ =	shalt  }
0x6e: {  	_ =	shalt  }
0x6f: {  	_ =	shalt  }
0x70: {  	_ =	shalt  }
0x71: {  	_ =	shalt  }
0x72: {  	_ =	shalt  }
0x73: {  	_ =	shalt  }
0x74: {  	_ =	shalt  }
0x75: {  	_ =	shalt  }
0x76: {  	_ =	shalt  }
0x77: {  	_ =	shalt  }
0x78: {  	_ =	shalt  }
0x79: {  	_ =	shalt  }
0x7a: {  	_ =	shalt  }
0x7b: {  	_ =	shalt  }
0x7c: {  	_ =	shalt  }
0x7d: {  	_ =	shalt  }
0x7e: {  	_ =	shalt  }
0x7f: {  	_ =	shalt  }
0x80: {  	_ =	shalt  }
0x81: {  	_ =	shalt  }
0x82: {  	_ =	shalt  }
0x83: {  	_ =	shalt  }
0x84: {  	_ =	shalt  }
0x85: {  	_ =	shalt  }
0x86: {  	_ =	shalt  }
0x87: {  	_ =	shalt  }
.Lfunc_end0:
.L_simem_size_0:
called_computation.1_lowered:
.L_overlay_start_0:
0x88: {  	s2 =	sld [smem:$0x3FD9]  }
0x89: {  	s3 =	sld [smem:$0x3FFE];
	_ =	sdelay $0x1  }
0x8a: {  	s1 =	srdreg.scid  }
0x8b: {  	s0 =	sand.u32 $0x1, s1  }
0x8c: {  	s16 =	sshll.u32 s0, $0xA;
	s2 =	sadd.s32 s3, s2  }
0x8d: {  	s2 =	sadd.s32 s2, s16  }
0x8e: {  	[smem:$0x3FC2] =	sst s2  }
0x8f: {  	_ = 	snop  }
0x90: {  	(tm) =	ssettm $0x1  }
0x91: {  	s17 =	sld [smem:$0x3FFB];
	_ =	sdelay $0x3  }
0x92: {  	_ =	strace s17  }
0x93: {  	s2 =	sld [smem:$0x3FFC];
	_ =	sdelay $0x3  }
0x94: {  	_ =	strace s2  }
0x95: {  	s2 =	sld [smem:$0x3FFD];
	_ =	sdelay $0x3  }
0x96: {  	_ =	strace s2  }
0x97: {  	_ =	strace $0x8FFFFFFF  }
0x98: {  	s18 =	sld [smem:$0x3FDB];
	_ =	sdelay $0x1  }
0x99: {  	s19 =	simm.s32 $_scs_section_size  }
0x9a: {  	s4 =	simm.s32 $_size__tile_overlayer_lowered;
	s5 =	simm.s32 $_tile_overlayer_lowered  }
0x9b: {  	s22 =	simm.s32 $0x1BFF;
	s21 =	sshll.u32 s5, $0x1;
	s2 =	sadd.s32 s19, s18  }
0x9c: {  	s6 =	simm.s32 $0x0;
	s20 =	sshll.u32 s4, $0x1;
	s4 =	sadd.s32 s21, s2  }
0x9d: {  	[timem:s6], [sflag:s22] =	dma.local [hbm:s4], s20  }
0x9e: {  	_ =	swait.ge [sflag:s22], s20  }
0x9f: {  	s3 =	ssub.s32 $0x0, s20;
	[sflag:s22] =	ssyncset.done $0x0  }
0xa0: {  	[sflag:s22] =	ssyncadd.s32 s3;
	_ =	sdelay $0x1  }
0xa1: {  	s23 =	simm.s32 $0x1B8B  }
0xa2: {  	_ =	swait.ge [sflag:s23], $0x1  }
0xa3: {  	[sflag:s23] =	ssyncset.done $0x0  }
0xa4: {  	s25 =	simm.s32 $0x1B8E;
	s24 =	sld [smem:$0x3FFE];
	[sflag:s23] =	ssyncadd.s32 $0xFFFFFFFF  }
0xa5: {  	s26 =	simm.s32 $execute0_lowered;
	[smem:$0x3FD2] =	sst s25  }
0xa6: {  	s4 =	sshll.u32 s26, $0x1;
	_ =	strace $0x80000049;
	[dreg:$0x1] =	wrdreg $0xFFFFFFFF  }
0xa7: {  	s28 =	simm.s32 $_size_execute0_lowered;
	s2 =	sadd.s32 s2, s4;
	[dreg:$0x0] =	wrdreg $0x0  }
0xa8: {  	s4 =	sshll.u32 s28, $0x1;
	[dreg:$0x2] =	wrdreg s2  }
0xa9: {  	[dreg:$0x3] =	wrdreg s4  }
0xaa: {  	[dreg:$0x4] =	wrdreg $0xC0  }
0xab: {  	_ =	task [dreg:s6], $0x5FFFF  }
0xac: {  	[dreg:$0x1] =	wrdreg $0xFFFFFFFF  }
0xad: {  	[dreg:$0x0] =	wrdreg $0x60  }
0xae: {  	[dreg:$0x2] =	wrdreg s24  }
0xaf: {  	[dreg:$0x3] =	wrdreg $0x90000  }
0xb0: {  	[dreg:$0x4] =	wrdreg $0x9  }
0xb1: {  	_ =	task.clear_ibuf [dreg:s6], $0x5FFFF;
	_ =	strace $0x90000049  }
0xb2: {  	s29 =	simm.s32 $0x9;
	_ =	strace $0x8000004B  }
0xb3: {  	_ =	swait.ge [sflag:s29], $0x1  }
0xb4: {  	[sflag:s29] =	ssyncadd.s32 $0xFFFFFFFF  }
0xb5: {  	_ =	strace $0x9000004B  }
0xb6: {  	_ =	sfence  }
0xb7: {  	s30 =	sld [smem:$0x0];
	_ =	sdelay $0x2  }
0xb8: {  	s31 =	sshll.u32 s1, $0xD;
	s1 =	sshrl.u32 s1, $0x2  }
0xb9: {  	s3 =	sand.u32 $0x4000, s31;
	s1 =	sadd.s32 s1, s30  }
0xba: {  	s0 =	sor.u32 s3, s0;
	s1 =	sshll.u32 s1, $0x11  }
0xbb: {  	s0 =	sor.u32 s1, s0  }
0xbc: {  	s0 =	sadd.s32 $0x8F2B, s0  }
0xbd: {  	[sflag:s0] =	ssyncadd.remote.s32 $0x1  }
0xbe: {  	_ =	sfence.sel $0xFFFF  }
0xbf: {  	[dreg:$0x0] =	wrdreg $0xFFFFFFFF;
	(pc) =	sbr.abs _section_cstart, $3  }
0xc0: {  	[dreg:$0x1] =	wrdreg $0xFFFFFFFF  }
0xc1: {  	_ =	task.clear_ibuf [dreg:s6], $0x2FFFF;
	_ =	strace $0x9FFFFFFF  }
0xc2: {  	(tm) =	ssettm $0x7FFFFFFF  }
0xc3: {  	_ =	shalt  }
tec
execute0_lowered:
.L_overlay_start_1:
0x0: {  	(tag) =	ssettag $0x1  }
0x1: {  	s0 =	srdreg.scid  }
0x2: {  	s1 =	rddreg [dreg:$0x0];
	s10 =	stileid.u32  }
0x3: {  	s2 =	rddreg [dreg:$0x1];
	s3 =	simm.s32 $0x0;
	s16 =	simm.s32 $0x100  }
0x4: {  	s17 =	simm.s32 $0x200;
	s18 =	simm.s32 $0x180;
	s19 =	simm.s32 $0x300  }
0x5: {  	s20 =	simm.s32 $0x280;
	s21 =	simm.s32 $0x400;
	[smem:$0x7FF] =	sst s3  }
0x6: {  	s11 =	simm.s32 $0x80;
	_ =	strace $0x8000004A;
	[dreg:$0x4] =	wrdreg s16  }
0x7: {  	s22 =	simm.s32 $0x380;
	s12 =	simm.s32 $0x1000;
	[dreg:$0x5] =	wrdreg s17  }
0x8: {  	s23 =	simm.s32 $0x500;
	s24 =	simm.s32 $0x480;
	[dreg:$0x6] =	wrdreg s18  }
0x9: {  	s25 =	simm.s32 $0x600;
	s26 =	simm.s32 $0x580;
	[dreg:$0x7] =	wrdreg s19  }
0xa: {  	s28 =	simm.s32 $0xB80;
	s29 =	simm.s32 $0xD00;
	[dreg:$0x8] =	wrdreg s20  }
0xb: {  	s30 =	simm.s32 $0xC80;
	s5 =	smul.u32 $0xA000, s10;
	[dreg:$0x9] =	wrdreg s21  }
0xc: {  	s31 =	simm.s32 $0xE00;
	s6 =	smul.u32 $0x278, s10;
	[dreg:$0xa] =	wrdreg s22  }
0xd: {  	s0 =	sand.u32 $0x1, s0;
	s9 =	smul.u32 $0x4F000, s10;
	[dreg:$0xb] =	wrdreg s23  }
0xe: {  	s15 =	sshll.u32 s10, $0x6;
	s4 =	smul.u32 $0xA0000, s0;
	[dreg:$0xc] =	wrdreg s24  }
0xf: {  	s10 =	simm.s32 $0x3;
	s7 =	smul.u32 $0x2780, s0;
	[dreg:$0xd] =	wrdreg s25  }
0x10: {  	s8 =	smul.u32 $0x2710, s0;
	s0 =	ssub.s32 $0x2, s0;
	[dreg:$0xe] =	wrdreg s26  }
0x11: {  	s16 =	simm.s32 $0x700;
	s17 =	simm.s32 $0x680;
	s18 =	simm.s32 $0x800  }
0x12: {  	s19 =	simm.s32 $0x780;
	s20 =	simm.s32 $0x900;
	s21 =	simm.s32 $0x880  }
0x13: {  	s22 =	simm.s32 $0xA00;
	s23 =	simm.s32 $0x980;
	s24 =	simm.s32 $0xB00  }
0x14: {  	s25 =	simm.s32 $0xA80;
	s26 =	simm.s32 $0xC00;
	s13 =	sshrl.u32 s0, $0x1  }
0x15: {  	s14 =	sshrl.u32 s9, $0x2;
	s5 =	sadd.s32 s5, s4;
	s4 =	sadd.s32 $0x1400, s1  }
0x16: {  	s7 =	sadd.s32 s6, s7;
	s6 =	sadd.s32 s6, s8;
	s0 =	ssub.s32 s0, s13  }
0x17: {  	s8 =	sor.u32 $0x1C03, s15;
	s13 =	simm.s32 $0x5000;
	s15 =	simm.s32 $0x2  }
0x18: {  	s5 =	sshrl.u32 s5, $0x3;
	s7 =	sshll.u32 s7, $0x4;
	s6 =	sshll.u32 s6, $0x4  }
0x19: {  	s0 =	smax.u32 s0, $0x1;
	[dreg:$0x10] =	wrdreg s8;
	s5 =	sadd.s32 s5, s1  }
0x1a: {  	s1 =	sadd.s32 s7, s1;
	s6 =	sadd.s32 s4, s6;
	[dreg:$0x12] =	wrdreg s0  }
0x1b: {  	s7 =	sadd.s32 s14, s2;
	[dreg:$0xf] =	wrdreg s6;
	s5 =	sadd.s32 $0x50400, s5  }
0x1c: {  	s14 =	simm.s32 $0x1;
	s1 =	sadd.s32 $0x78400, s1;
	[dreg:$0x3] =	wrdreg s5  }
0x1d: {  	s0 =	simm.s32 $0xF00;
	s6 =	simm.s32 $0x0;
	[dreg:$0x11] =	wrdreg s1  }
0x1e: {  	s9 =	sshrl.u32 s7, $0x3;
	s7 =	simm.s32 $0xF80;
	[dreg:$0x14] =	wrdreg s6  }
0x1f: {  	s1 =	simm.s32 $0xD80;
	s5 =	simm.s32 $0xE80;
	[dreg:$0x13] =	wrdreg s9  }
.LBB2_1:
0x20: {  	s6 =	rddreg [dreg:$0xf]  }
0x21: {  	[spmem:s9], [sflag:s8] =	dma.local [hbm:s6], $0x2780  }
0x22: {  	_ =	swait.ge [sflag:s10], $0x2780  }
0x23: {  	[sflag:s10] =	ssyncset.done $0x0  }
0x24: {  	[sflag:s10] =	ssyncadd.s32 $0xFFFFD880  }
0x25: {  	[bflag:$0x0] =	sbarrier.arrive $0xFFFF  }
0x26: {  	s8 =	rddreg [dreg:$0x3]  }
0x27: {  	s6 =	sadd.s32 $0x0, s8  }
0x28: {  	[tilespmem:s3], [sflag:$0x3] =	stream.linear.gather [hbm4b:s6+s3], $0x1000, $0x38;
	[tilespmem:$0x1CC00] =	vst v63  }
0x29: {  	_ =	swait.ge [sflag:s10], $0x1000  }
0x2a: {  	[sflag:s10] =	ssyncset.done $0x0  }
0x2b: {  	[sflag:s10] =	ssyncadd.s32 $0xFFFFF000  }
0x2c: {  	[tilespmem:s12], [sflag:$0x1] =	stream.indirect.gather [hbm4b:s4+s11], $0x80, s3, s11, $0xb8;
	[tilespmem:$0x1CC00] =	vst v63  }
0x2d: {  	s9 =	rddreg [dreg:$0x4]  }
0x2e: {  	[tilespmem:s13], [sflag:$0x2] =	stream.indirect.gather [hbm4b:s4+s11], $0x80, s9, s11, $0xb8;
	[tilespmem:$0x1CC00] =	vst v63  }
0x2f: {  	_ =	swait.ge [sflag:s14], $0x4000  }
0x30: {  	[sflag:s14] =	ssyncset.done $0x0  }
0x31: {  	[sflag:s14] =	ssyncadd.s32 $0xFFFFC000  }
0x32: {  	[spmem:s2] =	stream.indirect.scatter.add.f32 [tilespmem:s12], [sflag:$0x3], $0x80, s11, s11, $0xb8;
	[tilespmem:$0x1CC00] =	vst v63  }
0x33: {  	_ =	swait.ge [sflag:s10], $0x4000  }
0x34: {  	[sflag:s10] =	ssyncset.done $0x0  }
0x35: {  	s8 =	rddreg [dreg:$0x5];
	[sflag:s10] =	ssyncadd.s32 $0xFFFFC000  }
0x36: {  	[tilespmem:s12], [sflag:$0x1] =	stream.indirect.gather [hbm4b:s4+s11], $0x80, s8, s11, $0xb8;
	[tilespmem:$0x1CC00] =	vst v63  }
0x37: {  	_ =	swait.ge [sflag:s15], $0x4000  }
0x38: {  	[sflag:s15] =	ssyncset.done $0x0  }
0x39: {  	s9 =	rddreg [dreg:$0x6];
	[sflag:s15] =	ssyncadd.s32 $0xFFFFC000  }
0x3a: {  	[spmem:s2] =	stream.indirect.scatter.add.f32 [tilespmem:s13], [sflag:$0x3], $0x80, s9, s11, $0xb8;
	[tilespmem:$0x1CC00] =	vst v63  }
0x3b: {  	_ =	swait.ge [sflag:s10], $0x4000  }
0x3c: {  	[sflag:s10] =	ssyncset.done $0x0  }
0x3d: {  	s8 =	rddreg [dreg:$0x7];
	[sflag:s10] =	ssyncadd.s32 $0xFFFFC000  }
0x3e: {  	[tilespmem:s13], [sflag:$0x2] =	stream.indirect.gather [hbm4b:s4+s11], $0x80, s8, s11, $0xb8;
	[tilespmem:$0x1CC00] =	vst v63  }
0x3f: {  	_ =	swait.ge [sflag:s14], $0x4000  }
0x40: {  	[sflag:s14] =	ssyncset.done $0x0  }
0x41: {  	s9 =	rddreg [dreg:$0x8];
	[sflag:s14] =	ssyncadd.s32 $0xFFFFC000  }
0x42: {  	[spmem:s2] =	stream.indirect.scatter.add.f32 [tilespmem:s12], [sflag:$0x3], $0x80, s9, s11, $0xb8;
	[tilespmem:$0x1CC00] =	vst v63  }
0x43: {  	_ =	swait.ge [sflag:s10], $0x4000  }
0x44: {  	[sflag:s10] =	ssyncset.done $0x0  }
0x45: {  	s8 =	rddreg [dreg:$0x9];
	[sflag:s10] =	ssyncadd.s32 $0xFFFFC000  }
0x46: {  	[tilespmem:s12], [sflag:$0x1] =	stream.indirect.gather [hbm4b:s4+s11], $0x80, s8, s11, $0xb8;
	[tilespmem:$0x1CC00] =	vst v63  }
0x47: {  	_ =	swait.ge [sflag:s15], $0x4000  }
0x48: {  	[sflag:s15] =	ssyncset.done $0x0  }
0x49: {  	s9 =	rddreg [dreg:$0xa];
	[sflag:s15] =	ssyncadd.s32 $0xFFFFC000  }
0x4a: {  	[spmem:s2] =	stream.indirect.scatter.add.f32 [tilespmem:s13], [sflag:$0x3], $0x80, s9, s11, $0xb8;
	[tilespmem:$0x1CC00] =	vst v63  }
0x4b: {  	_ =	swait.ge [sflag:s10], $0x4000  }
0x4c: {  	[sflag:s10] =	ssyncset.done $0x0  }
0x4d: {  	s8 =	rddreg [dreg:$0xb];
	[sflag:s10] =	ssyncadd.s32 $0xFFFFC000  }
0x4e: {  	[tilespmem:s13], [sflag:$0x2] =	stream.indirect.gather [hbm4b:s4+s11], $0x80, s8, s11, $0xb8;
	[tilespmem:$0x1CC00] =	vst v63  }
0x4f: {  	_ =	swait.ge [sflag:s14], $0x4000  }
0x50: {  	[sflag:s14] =	ssyncset.done $0x0  }
0x51: {  	s9 =	rddreg [dreg:$0xc];
	[sflag:s14] =	ssyncadd.s32 $0xFFFFC000  }
0x52: {  	[spmem:s2] =	stream.indirect.scatter.add.f32 [tilespmem:s12], [sflag:$0x3], $0x80, s9, s11, $0xb8;
	[tilespmem:$0x1CC00] =	vst v63  }
0x53: {  	_ =	swait.ge [sflag:s10], $0x4000  }
0x54: {  	[sflag:s10] =	ssyncset.done $0x0  }
0x55: {  	s8 =	rddreg [dreg:$0xd];
	[sflag:s10] =	ssyncadd.s32 $0xFFFFC000  }
0x56: {  	[tilespmem:s12], [sflag:$0x1] =	stream.indirect.gather [hbm4b:s4+s11], $0x80, s8, s11, $0xb8;
	[tilespmem:$0x1CC00] =	vst v63  }
0x57: {  	_ =	swait.ge [sflag:s15], $0x4000  }
0x58: {  	[sflag:s15] =	ssyncset.done $0x0  }
0x59: {  	s9 =	rddreg [dreg:$0xe];
	[sflag:s15] =	ssyncadd.s32 $0xFFFFC000  }
0x5a: {  	[spmem:s2] =	stream.indirect.scatter.add.f32 [tilespmem:s13], [sflag:$0x3], $0x80, s9, s11, $0xb8;
	[tilespmem:$0x1CC00] =	vst v63  }
0x5b: {  	_ =	swait.ge [sflag:s10], $0x4000  }
0x5c: {  	[sflag:s10] =	ssyncset.done $0x0  }
0x5d: {  	[sflag:s10] =	ssyncadd.s32 $0xFFFFC000  }
0x5e: {  	[tilespmem:s13], [sflag:$0x2] =	stream.indirect.gather [hbm4b:s4+s11], $0x80, s16, s11, $0xb8;
	[tilespmem:$0x1CC00] =	vst v63  }
0x5f: {  	_ =	swait.ge [sflag:s14], $0x4000  }
0x60: {  	[sflag:s14] =	ssyncset.done $0x0  }
0x61: {  	[sflag:s14] =	ssyncadd.s32 $0xFFFFC000  }
0x62: {  	[spmem:s2] =	stream.indirect.scatter.add.f32 [tilespmem:s12], [sflag:$0x3], $0x80, s17, s11, $0xb8;
	[tilespmem:$0x1CC00] =	vst v63  }
0x63: {  	_ =	swait.ge [sflag:s10], $0x4000  }
0x64: {  	[sflag:s10] =	ssyncset.done $0x0  }
0x65: {  	[sflag:s10] =	ssyncadd.s32 $0xFFFFC000  }
0x66: {  	[tilespmem:s12], [sflag:$0x1] =	stream.indirect.gather [hbm4b:s4+s11], $0x80, s18, s11, $0xb8;
	[tilespmem:$0x1CC00] =	vst v63  }
0x67: {  	_ =	swait.ge [sflag:s15], $0x4000  }
0x68: {  	[sflag:s15] =	ssyncset.done $0x0  }
0x69: {  	[sflag:s15] =	ssyncadd.s32 $0xFFFFC000  }
0x6a: {  	[spmem:s2] =	stream.indirect.scatter.add.f32 [tilespmem:s13], [sflag:$0x3], $0x80, s19, s11, $0xb8;
	[tilespmem:$0x1CC00] =	vst v63  }
0x6b: {  	_ =	swait.ge [sflag:s10], $0x4000  }
0x6c: {  	[sflag:s10] =	ssyncset.done $0x0  }
0x6d: {  	[sflag:s10] =	ssyncadd.s32 $0xFFFFC000  }
0x6e: {  	[tilespmem:s13], [sflag:$0x2] =	stream.indirect.gather [hbm4b:s4+s11], $0x80, s20, s11, $0xb8;
	[tilespmem:$0x1CC00] =	vst v63  }
0x6f: {  	_ =	swait.ge [sflag:s14], $0x4000  }
0x70: {  	[sflag:s14] =	ssyncset.done $0x0  }
0x71: {  	[sflag:s14] =	ssyncadd.s32 $0xFFFFC000  }
0x72: {  	[spmem:s2] =	stream.indirect.scatter.add.f32 [tilespmem:s12], [sflag:$0x3], $0x80, s21, s11, $0xb8;
	[tilespmem:$0x1CC00] =	vst v63  }
0x73: {  	_ =	swait.ge [sflag:s10], $0x4000  }
0x74: {  	[sflag:s10] =	ssyncset.done $0x0  }
0x75: {  	[sflag:s10] =	ssyncadd.s32 $0xFFFFC000  }
0x76: {  	[tilespmem:s12], [sflag:$0x1] =	stream.indirect.gather [hbm4b:s4+s11], $0x80, s22, s11, $0xb8;
	[tilespmem:$0x1CC00] =	vst v63  }
0x77: {  	_ =	swait.ge [sflag:s15], $0x4000  }
0x78: {  	[sflag:s15] =	ssyncset.done $0x0  }
0x79: {  	[sflag:s15] =	ssyncadd.s32 $0xFFFFC000  }
0x7a: {  	[spmem:s2] =	stream.indirect.scatter.add.f32 [tilespmem:s13], [sflag:$0x3], $0x80, s23, s11, $0xb8;
	[tilespmem:$0x1CC00] =	vst v63  }
0x7b: {  	_ =	swait.ge [sflag:s10], $0x4000  }
0x7c: {  	[sflag:s10] =	ssyncset.done $0x0  }
0x7d: {  	[sflag:s10] =	ssyncadd.s32 $0xFFFFC000  }
0x7e: {  	[tilespmem:s13], [sflag:$0x2] =	stream.indirect.gather [hbm4b:s4+s11], $0x80, s24, s11, $0xb8;
	[tilespmem:$0x1CC00] =	vst v63  }
0x7f: {  	_ =	swait.ge [sflag:s14], $0x4000  }
0x80: {  	[sflag:s14] =	ssyncset.done $0x0  }
0x81: {  	[sflag:s14] =	ssyncadd.s32 $0xFFFFC000  }
0x82: {  	[spmem:s2] =	stream.indirect.scatter.add.f32 [tilespmem:s12], [sflag:$0x3], $0x80, s25, s11, $0xb8;
	[tilespmem:$0x1CC00] =	vst v63  }
0x83: {  	_ =	swait.ge [sflag:s10], $0x4000  }
0x84: {  	[sflag:s10] =	ssyncset.done $0x0  }
0x85: {  	[sflag:s10] =	ssyncadd.s32 $0xFFFFC000  }
0x86: {  	[tilespmem:s12], [sflag:$0x1] =	stream.indirect.gather [hbm4b:s4+s11], $0x80, s26, s11, $0xb8;
	[tilespmem:$0x1CC00] =	vst v63  }
0x87: {  	_ =	swait.ge [sflag:s15], $0x4000  }
0x88: {  	[sflag:s15] =	ssyncset.done $0x0  }
0x89: {  	[sflag:s15] =	ssyncadd.s32 $0xFFFFC000  }
0x8a: {  	[spmem:s2] =	stream.indirect.scatter.add.f32 [tilespmem:s13], [sflag:$0x3], $0x80, s28, s11, $0xb8;
	[tilespmem:$0x1CC00] =	vst v63  }
0x8b: {  	_ =	swait.ge [sflag:s10], $0x4000  }
0x8c: {  	[sflag:s10] =	ssyncset.done $0x0  }
0x8d: {  	[sflag:s10] =	ssyncadd.s32 $0xFFFFC000  }
0x8e: {  	[tilespmem:s13], [sflag:$0x2] =	stream.indirect.gather [hbm4b:s4+s11], $0x80, s29, s11, $0xb8;
	[tilespmem:$0x1CC00] =	vst v63  }
0x8f: {  	_ =	swait.ge [sflag:s14], $0x4000  }
0x90: {  	[sflag:s14] =	ssyncset.done $0x0  }
0x91: {  	[sflag:s14] =	ssyncadd.s32 $0xFFFFC000  }
0x92: {  	[spmem:s2] =	stream.indirect.scatter.add.f32 [tilespmem:s12], [sflag:$0x3], $0x80, s30, s11, $0xb8;
	[tilespmem:$0x1CC00] =	vst v63  }
0x93: {  	_ =	swait.ge [sflag:s10], $0x4000  }
0x94: {  	[sflag:s10] =	ssyncset.done $0x0  }
0x95: {  	[sflag:s10] =	ssyncadd.s32 $0xFFFFC000  }
0x96: {  	[tilespmem:s12], [sflag:$0x1] =	stream.indirect.gather [hbm4b:s4+s11], $0x80, s31, s11, $0xb8;
	[tilespmem:$0x1CC00] =	vst v63  }
0x97: {  	_ =	swait.ge [sflag:s15], $0x4000  }
0x98: {  	[sflag:s15] =	ssyncset.done $0x0  }
0x99: {  	[sflag:s15] =	ssyncadd.s32 $0xFFFFC000  }
0x9a: {  	[spmem:s2] =	stream.indirect.scatter.add.f32 [tilespmem:s13], [sflag:$0x3], $0x80, s1, s11, $0xb8;
	[tilespmem:$0x1CC00] =	vst v63  }
0x9b: {  	_ =	swait.ge [sflag:s10], $0x4000  }
0x9c: {  	[sflag:s10] =	ssyncset.done $0x0  }
0x9d: {  	[sflag:s10] =	ssyncadd.s32 $0xFFFFC000  }
0x9e: {  	[tilespmem:s13], [sflag:$0x2] =	stream.indirect.gather [hbm4b:s4+s11], $0x80, s0, s11, $0xb8;
	[tilespmem:$0x1CC00] =	vst v63  }
0x9f: {  	_ =	swait.ge [sflag:s14], $0x4000  }
0xa0: {  	[sflag:s14] =	ssyncset.done $0x0  }
0xa1: {  	[sflag:s14] =	ssyncadd.s32 $0xFFFFC000  }
0xa2: {  	[spmem:s2] =	stream.indirect.scatter.add.f32 [tilespmem:s12], [sflag:$0x3], $0x80, s5, s11, $0xb8;
	[tilespmem:$0x1CC00] =	vst v63  }
0xa3: {  	_ =	swait.ge [sflag:s10], $0x4000  }
0xa4: {  	[sflag:s10] =	ssyncset.done $0x0  }
0xa5: {  	[sflag:s10] =	ssyncadd.s32 $0xFFFFC000  }
0xa6: {  	_ =	swait.ge [sflag:s15], $0x4000  }
0xa7: {  	[sflag:s15] =	ssyncset.done $0x0  }
0xa8: {  	[sflag:s15] =	ssyncadd.s32 $0xFFFFC000  }
0xa9: {  	[spmem:s2] =	stream.indirect.scatter.add.f32 [tilespmem:s13], [sflag:$0x3], $0x80, s7, s11, $0xb8;
	[tilespmem:$0x1CC00] =	vst v63  }
0xaa: {  	s6 =	simm.s32 $0x200;
	_ =	swait.ge [sflag:s10], $0x4000  }
.LBB2_2:
0xab: {  	s9 =	rddreg [dreg:$0x3];
	s8 =	smov.u32 s6;
	[sflag:s10] =	ssyncset.done $0x0  }
0xac: {  	s8 =	sadd.s32 s8, s9;
	[sflag:s10] =	ssyncadd.s32 $0xFFFFC000  }
0xad: {  	[tilespmem:s3], [sflag:$0x3] =	stream.linear.gather [hbm4b:s8+s3], $0x1000, $0x38;
	[tilespmem:$0x1CC00] =	vst v63  }
0xae: {  	_ =	swait.ge [sflag:s10], $0x1000  }
0xaf: {  	[sflag:s10] =	ssyncset.done $0x0  }
0xb0: {  	[sflag:s10] =	ssyncadd.s32 $0xFFFFF000  }
0xb1: {  	[tilespmem:s12], [sflag:$0x1] =	stream.indirect.gather [hbm4b:s4+s11], $0x80, s3, s11, $0xb8;
	[tilespmem:$0x1CC00] =	vst v63  }
0xb2: {  	s9 =	rddreg [dreg:$0x4]  }
0xb3: {  	[tilespmem:s13], [sflag:$0x2] =	stream.indirect.gather [hbm4b:s4+s11], $0x80, s9, s11, $0xb8;
	[tilespmem:$0x1CC00] =	vst v63  }
0xb4: {  	_ =	swait.ge [sflag:s14], $0x4000  }
0xb5: {  	[sflag:s14] =	ssyncset.done $0x0  }
0xb6: {  	[sflag:s14] =	ssyncadd.s32 $0xFFFFC000  }
0xb7: {  	[spmem:s2] =	stream.indirect.scatter.add.f32 [tilespmem:s12], [sflag:$0x3], $0x80, s11, s11, $0xb8;
	[tilespmem:$0x1CC00] =	vst v63  }
0xb8: {  	_ =	swait.ge [sflag:s10], $0x4000  }
0xb9: {  	[sflag:s10] =	ssyncset.done $0x0  }
0xba: {  	s9 =	rddreg [dreg:$0x5];
	[sflag:s10] =	ssyncadd.s32 $0xFFFFC000  }
0xbb: {  	[tilespmem:s12], [sflag:$0x1] =	stream.indirect.gather [hbm4b:s4+s11], $0x80, s9, s11, $0xb8;
	[tilespmem:$0x1CC00] =	vst v63  }
0xbc: {  	_ =	swait.ge [sflag:s15], $0x4000  }
0xbd: {  	[sflag:s15] =	ssyncset.done $0x0  }
0xbe: {  	s9 =	rddreg [dreg:$0x6];
	[sflag:s15] =	ssyncadd.s32 $0xFFFFC000  }
0xbf: {  	[spmem:s2] =	stream.indirect.scatter.add.f32 [tilespmem:s13], [sflag:$0x3], $0x80, s9, s11, $0xb8;
	[tilespmem:$0x1CC00] =	vst v63  }
0xc0: {  	_ =	swait.ge [sflag:s10], $0x4000  }
0xc1: {  	[sflag:s10] =	ssyncset.done $0x0  }
0xc2: {  	s9 =	rddreg [dreg:$0x7];
	[sflag:s10] =	ssyncadd.s32 $0xFFFFC000  }
0xc3: {  	[tilespmem:s13], [sflag:$0x2] =	stream.indirect.gather [hbm4b:s4+s11], $0x80, s9, s11, $0xb8;
	[tilespmem:$0x1CC00] =	vst v63  }
0xc4: {  	_ =	swait.ge [sflag:s14], $0x4000  }
0xc5: {  	[sflag:s14] =	ssyncset.done $0x0  }
0xc6: {  	s9 =	rddreg [dreg:$0x8];
	[sflag:s14] =	ssyncadd.s32 $0xFFFFC000  }
0xc7: {  	[spmem:s2] =	stream.indirect.scatter.add.f32 [tilespmem:s12], [sflag:$0x3], $0x80, s9, s11, $0xb8;
	[tilespmem:$0x1CC00] =	vst v63  }
0xc8: {  	_ =	swait.ge [sflag:s10], $0x4000  }
0xc9: {  	[sflag:s10] =	ssyncset.done $0x0  }
0xca: {  	s9 =	rddreg [dreg:$0x9];
	[sflag:s10] =	ssyncadd.s32 $0xFFFFC000  }
0xcb: {  	[tilespmem:s12], [sflag:$0x1] =	stream.indirect.gather [hbm4b:s4+s11], $0x80, s9, s11, $0xb8;
	[tilespmem:$0x1CC00] =	vst v63  }
0xcc: {  	_ =	swait.ge [sflag:s15], $0x4000  }
0xcd: {  	[sflag:s15] =	ssyncset.done $0x0  }
0xce: {  	s9 =	rddreg [dreg:$0xa];
	[sflag:s15] =	ssyncadd.s32 $0xFFFFC000  }
0xcf: {  	[spmem:s2] =	stream.indirect.scatter.add.f32 [tilespmem:s13], [sflag:$0x3], $0x80, s9, s11, $0xb8;
	[tilespmem:$0x1CC00] =	vst v63  }
0xd0: {  	_ =	swait.ge [sflag:s10], $0x4000  }
0xd1: {  	[sflag:s10] =	ssyncset.done $0x0  }
0xd2: {  	s9 =	rddreg [dreg:$0xb];
	[sflag:s10] =	ssyncadd.s32 $0xFFFFC000  }
0xd3: {  	[tilespmem:s13], [sflag:$0x2] =	stream.indirect.gather [hbm4b:s4+s11], $0x80, s9, s11, $0xb8;
	[tilespmem:$0x1CC00] =	vst v63  }
0xd4: {  	_ =	swait.ge [sflag:s14], $0x4000  }
0xd5: {  	[sflag:s14] =	ssyncset.done $0x0  }
0xd6: {  	s9 =	rddreg [dreg:$0xc];
	[sflag:s14] =	ssyncadd.s32 $0xFFFFC000  }
0xd7: {  	[spmem:s2] =	stream.indirect.scatter.add.f32 [tilespmem:s12], [sflag:$0x3], $0x80, s9, s11, $0xb8;
	[tilespmem:$0x1CC00] =	vst v63  }
0xd8: {  	_ =	swait.ge [sflag:s10], $0x4000  }
0xd9: {  	[sflag:s10] =	ssyncset.done $0x0  }
0xda: {  	s9 =	rddreg [dreg:$0xd];
	[sflag:s10] =	ssyncadd.s32 $0xFFFFC000  }
0xdb: {  	[tilespmem:s12], [sflag:$0x1] =	stream.indirect.gather [hbm4b:s4+s11], $0x80, s9, s11, $0xb8;
	[tilespmem:$0x1CC00] =	vst v63  }
0xdc: {  	_ =	swait.ge [sflag:s15], $0x4000  }
0xdd: {  	[sflag:s15] =	ssyncset.done $0x0  }
0xde: {  	s9 =	rddreg [dreg:$0xe];
	[sflag:s15] =	ssyncadd.s32 $0xFFFFC000  }
0xdf: {  	[spmem:s2] =	stream.indirect.scatter.add.f32 [tilespmem:s13], [sflag:$0x3], $0x80, s9, s11, $0xb8;
	[tilespmem:$0x1CC00] =	vst v63  }
0xe0: {  	_ =	swait.ge [sflag:s10], $0x4000  }
0xe1: {  	[sflag:s10] =	ssyncset.done $0x0  }
0xe2: {  	[sflag:s10] =	ssyncadd.s32 $0xFFFFC000  }
0xe3: {  	[tilespmem:s13], [sflag:$0x2] =	stream.indirect.gather [hbm4b:s4+s11], $0x80, s16, s11, $0xb8;
	[tilespmem:$0x1CC00] =	vst v63  }
0xe4: {  	_ =	swait.ge [sflag:s14], $0x4000  }
0xe5: {  	[sflag:s14] =	ssyncset.done $0x0  }
0xe6: {  	[sflag:s14] =	ssyncadd.s32 $0xFFFFC000  }
0xe7: {  	[spmem:s2] =	stream.indirect.scatter.add.f32 [tilespmem:s12], [sflag:$0x3], $0x80, s17, s11, $0xb8;
	[tilespmem:$0x1CC00] =	vst v63  }
0xe8: {  	_ =	swait.ge [sflag:s10], $0x4000  }
0xe9: {  	[sflag:s10] =	ssyncset.done $0x0  }
0xea: {  	[sflag:s10] =	ssyncadd.s32 $0xFFFFC000  }
0xeb: {  	[tilespmem:s12], [sflag:$0x1] =	stream.indirect.gather [hbm4b:s4+s11], $0x80, s18, s11, $0xb8;
	[tilespmem:$0x1CC00] =	vst v63  }
0xec: {  	_ =	swait.ge [sflag:s15], $0x4000  }
0xed: {  	[sflag:s15] =	ssyncset.done $0x0  }
0xee: {  	[sflag:s15] =	ssyncadd.s32 $0xFFFFC000  }
0xef: {  	[spmem:s2] =	stream.indirect.scatter.add.f32 [tilespmem:s13], [sflag:$0x3], $0x80, s19, s11, $0xb8;
	[tilespmem:$0x1CC00] =	vst v63  }
0xf0: {  	_ =	swait.ge [sflag:s10], $0x4000  }
0xf1: {  	[sflag:s10] =	ssyncset.done $0x0  }
0xf2: {  	[sflag:s10] =	ssyncadd.s32 $0xFFFFC000  }
0xf3: {  	[tilespmem:s13], [sflag:$0x2] =	stream.indirect.gather [hbm4b:s4+s11], $0x80, s20, s11, $0xb8;
	[tilespmem:$0x1CC00] =	vst v63  }
0xf4: {  	_ =	swait.ge [sflag:s14], $0x4000  }
0xf5: {  	[sflag:s14] =	ssyncset.done $0x0  }
0xf6: {  	[sflag:s14] =	ssyncadd.s32 $0xFFFFC000  }
0xf7: {  	[spmem:s2] =	stream.indirect.scatter.add.f32 [tilespmem:s12], [sflag:$0x3], $0x80, s21, s11, $0xb8;
	[tilespmem:$0x1CC00] =	vst v63  }
0xf8: {  	_ =	swait.ge [sflag:s10], $0x4000  }
0xf9: {  	[sflag:s10] =	ssyncset.done $0x0  }
0xfa: {  	[sflag:s10] =	ssyncadd.s32 $0xFFFFC000  }
0xfb: {  	[tilespmem:s12], [sflag:$0x1] =	stream.indirect.gather [hbm4b:s4+s11], $0x80, s22, s11, $0xb8;
	[tilespmem:$0x1CC00] =	vst v63  }
0xfc: {  	_ =	swait.ge [sflag:s15], $0x4000  }
0xfd: {  	[sflag:s15] =	ssyncset.done $0x0  }
0xfe: {  	[sflag:s15] =	ssyncadd.s32 $0xFFFFC000  }
0xff: {  	[spmem:s2] =	stream.indirect.scatter.add.f32 [tilespmem:s13], [sflag:$0x3], $0x80, s23, s11, $0xb8;
	[tilespmem:$0x1CC00] =	vst v63  }
0x100: {  	_ =	swait.ge [sflag:s10], $0x4000  }
0x101: {  	[sflag:s10] =	ssyncset.done $0x0  }
0x102: {  	[sflag:s10] =	ssyncadd.s32 $0xFFFFC000  }
0x103: {  	[tilespmem:s13], [sflag:$0x2] =	stream.indirect.gather [hbm4b:s4+s11], $0x80, s24, s11, $0xb8;
	[tilespmem:$0x1CC00] =	vst v63  }
0x104: {  	_ =	swait.ge [sflag:s14], $0x4000  }
0x105: {  	[sflag:s14] =	ssyncset.done $0x0  }
0x106: {  	[sflag:s14] =	ssyncadd.s32 $0xFFFFC000  }
0x107: {  	[spmem:s2] =	stream.indirect.scatter.add.f32 [tilespmem:s12], [sflag:$0x3], $0x80, s25, s11, $0xb8;
	[tilespmem:$0x1CC00] =	vst v63  }
0x108: {  	_ =	swait.ge [sflag:s10], $0x4000  }
0x109: {  	[sflag:s10] =	ssyncset.done $0x0  }
0x10a: {  	[sflag:s10] =	ssyncadd.s32 $0xFFFFC000  }
0x10b: {  	[tilespmem:s12], [sflag:$0x1] =	stream.indirect.gather [hbm4b:s4+s11], $0x80, s26, s11, $0xb8;
	[tilespmem:$0x1CC00] =	vst v63  }
0x10c: {  	_ =	swait.ge [sflag:s15], $0x4000  }
0x10d: {  	[sflag:s15] =	ssyncset.done $0x0  }
0x10e: {  	[sflag:s15] =	ssyncadd.s32 $0xFFFFC000  }
0x10f: {  	[spmem:s2] =	stream.indirect.scatter.add.f32 [tilespmem:s13], [sflag:$0x3], $0x80, s28, s11, $0xb8;
	[tilespmem:$0x1CC00] =	vst v63  }
0x110: {  	_ =	swait.ge [sflag:s10], $0x4000  }
0x111: {  	[sflag:s10] =	ssyncset.done $0x0  }
0x112: {  	[sflag:s10] =	ssyncadd.s32 $0xFFFFC000  }
0x113: {  	[tilespmem:s13], [sflag:$0x2] =	stream.indirect.gather [hbm4b:s4+s11], $0x80, s29, s11, $0xb8;
	[tilespmem:$0x1CC00] =	vst v63  }
0x114: {  	_ =	swait.ge [sflag:s14], $0x4000  }
0x115: {  	[sflag:s14] =	ssyncset.done $0x0  }
0x116: {  	[sflag:s14] =	ssyncadd.s32 $0xFFFFC000  }
0x117: {  	[spmem:s2] =	stream.indirect.scatter.add.f32 [tilespmem:s12], [sflag:$0x3], $0x80, s30, s11, $0xb8;
	[tilespmem:$0x1CC00] =	vst v63  }
0x118: {  	_ =	swait.ge [sflag:s10], $0x4000  }
0x119: {  	[sflag:s10] =	ssyncset.done $0x0  }
0x11a: {  	[sflag:s10] =	ssyncadd.s32 $0xFFFFC000  }
0x11b: {  	[tilespmem:s12], [sflag:$0x1] =	stream.indirect.gather [hbm4b:s4+s11], $0x80, s31, s11, $0xb8;
	[tilespmem:$0x1CC00] =	vst v63  }
0x11c: {  	_ =	swait.ge [sflag:s15], $0x4000  }
0x11d: {  	[sflag:s15] =	ssyncset.done $0x0  }
0x11e: {  	[sflag:s15] =	ssyncadd.s32 $0xFFFFC000  }
0x11f: {  	[spmem:s2] =	stream.indirect.scatter.add.f32 [tilespmem:s13], [sflag:$0x3], $0x80, s1, s11, $0xb8;
	[tilespmem:$0x1CC00] =	vst v63  }
0x120: {  	_ =	swait.ge [sflag:s10], $0x4000  }
0x121: {  	[sflag:s10] =	ssyncset.done $0x0  }
0x122: {  	[sflag:s10] =	ssyncadd.s32 $0xFFFFC000  }
0x123: {  	[tilespmem:s13], [sflag:$0x2] =	stream.indirect.gather [hbm4b:s4+s11], $0x80, s0, s11, $0xb8;
	[tilespmem:$0x1CC00] =	vst v63  }
0x124: {  	_ =	swait.ge [sflag:s14], $0x4000  }
0x125: {  	[sflag:s14] =	ssyncset.done $0x0  }
0x126: {  	[sflag:s14] =	ssyncadd.s32 $0xFFFFC000  }
0x127: {  	[spmem:s2] =	stream.indirect.scatter.add.f32 [tilespmem:s12], [sflag:$0x3], $0x80, s5, s11, $0xb8;
	[tilespmem:$0x1CC00] =	vst v63  }
0x128: {  	_ =	swait.ge [sflag:s10], $0x4000  }
0x129: {  	[sflag:s10] =	ssyncset.done $0x0  }
0x12a: {  	p0 =	sne.s32 s6, $0x1200;
	[sflag:s10] =	ssyncadd.s32 $0xFFFFC000  }
.Ltmp0:
0x12b: {  	_ =	swait.ge [sflag:s15], $0x4000;
	(pc) =	sbr.rel @p0 .LBB2_2-.Ltmp0, $4  }
0x12c: {  	[sflag:s15] =	ssyncset.done $0x0  }
0x12d: {  	[sflag:s15] =	ssyncadd.s32 $0xFFFFC000  }
0x12e: {  	[spmem:s2] =	stream.indirect.scatter.add.f32 [tilespmem:s13], [sflag:$0x3], $0x80, s7, s11, $0xb8;
	[tilespmem:$0x1CC00] =	vst v63  }
0x12f: {  	s6 =	sadd.s32 $0x200, s6;
	_ =	swait.ge [sflag:s10], $0x4000  }
0x130: {  	[sflag:s10] =	ssyncset.done $0x0  }
0x131: {  	[sflag:s10] =	ssyncadd.s32 $0xFFFFC000  }
0x132: {  	[bflag:$0x0] =	sbarrier.arrive $0xFFFF  }
0x133: {  	s8 =	rddreg [dreg:$0x10]  }
0x134: {  	s6 =	rddreg [dreg:$0x11]  }
0x135: {  	s9 =	rddreg [dreg:$0x13]  }
0x136: {  	[hbm:s6], [sflag:s8] =	dma.local [spmem:s9], $0x2780  }
0x137: {  	_ =	swait.ge [sflag:s10], $0x2780  }
0x138: {  	s6 =	rddreg [dreg:$0x14]  }
0x139: {  	s8 =	sadd.s32 $0x1, s6;
	s6 =	rddreg [dreg:$0x12]  }
0x13a: {  	p0 =	sne.s32 s8, s6  }
.Ltmp1:
0x13b: {  	_ = 	snop;
	(pc) =	sbr.rel @p0 .LBB2_1-.Ltmp1, $3  }
0x13c: {  	_ =	sdelay $0x1  }
0x13d: {  	[sflag:s10] =	ssyncset.done $0x0;
	[dreg:$0x14] =	wrdreg s8  }
0x13e: {  	[sflag:s10] =	ssyncadd.s32 $0xFFFFD880;
	s8 =	rddreg [dreg:$0x10]  }
0x13f: {  	_ =	sfence.sel $0x180000  }
0x140: {  	[bflag:$0x0] =	sbarrier.arrive $0xFFFF  }
0x141: {  	_ =	strace $0x9000004A  }
0x142: {  	s0 =	stileid.u32;
	[bflag:$0x2] =	sbarrier.arrive $0xFFFF  }
0x143: {  	p0 =	sne.s32 s0, $0x0;
	s0 =	rddreg [dreg:$0x2]  }
0x144: {  	s0 =	sadd.s32 @!p0 $0x100000, s0  }
0x145: {  	[sflag:s0] =	ssyncadd.tile.s32 @!p0 $0x1;
	_ =	shalt  }
.Lfunc_end2:
_tile_overlayer_lowered:
.L_overlay_start_2:
0x146: {  	(tag) =	ssettag $0x2  }
0x147: {  	s0 =	rddreg [dreg:$0x0];
	s2 =	stileid.u32  }
0x148: {  	s1 =	rddreg [dreg:$0x1];
	p0 =	sne.s32 s2, $0x0  }
0x149: {  	s3 =	rddreg [dreg:$0x2];
	[bflag:$0x3] =	sbarrier.arrive $0xFFFF;
	s2 =	simm.s32 @!p0 $0x1C03  }
0x14a: {  	[timem:s3], [sflag:s2] =	dma.local @!p0 [hbm:s0], s1  }
0x14b: {  	s0 =	simm.s32 @!p0 $0x3  }
0x14c: {  	_ =	swait.ge @!p0 [sflag:s0], s1  }
0x14d: {  	s1 =	ssub.s32 @!p0 $0x0, s1;
	[sflag:s0] =	ssyncset.done @!p0 $0x0  }
0x14e: {  	[sflag:s0] =	ssyncadd.s32 @!p0 s1  }
0x14f: {  	[bflag:$0x3] =	sbarrier.arrive $0xFFFF  }
0x150: {  	_ =	shalt  }

// kernel: kernel.13.cloned.1.call-start
scs
__scs_entry_jumppad:
0x0: {  	(pc) =	sbr.rel $0x88, $3  }
0x1: {  	(tag) =	ssettag $0x0;
	lr =	simm.s32 $0x1  }
0x2: {  	[smem:$0x3F9B] =	sst lr;
	_ =	strace $0xD0000000  }
0x3: {  	_ = 	snop  }
0x4: {  	_ = 	snop  }
0x5: {  	_ = 	snop  }
0x6: {  	_ = 	snop  }
0x7: {  	_ = 	snop  }
__scs_overlays_trampoline_lowered:
0x8: {  	[smem:$0x3FAA] =	sst s0  }
0x9: {  	[smem:$0x3FAB] =	sst s1  }
0xa: {  	[smem:$0x3FAC] =	sst s2  }
0xb: {  	[smem:$0x3FAD] =	sst s3  }
0xc: {  	[smem:$0x3FAE] =	sst s4  }
0xd: {  	[smem:$0x3FAF] =	sst s5  }
0xe: {  	[smem:$0x3FB0] =	sst s6  }
0xf: {  	[smem:$0x3FB1] =	sst s7  }
0x10: {  	[smem:$0x3FB2] =	sst s8  }
0x11: {  	[smem:$0x3FB3] =	sst s9;
	s0 =	simm.s32 @!p0 $0x0  }
0x12: {  	s1 =	sld [smem:$0x3F99];
	s0 =	simm.s32 @p0 $0x1  }
0x13: {  	[smem:$0x3FB4] =	sst s0;
	s0 =	simm.s32 @!p1 $0x0  }
0x14: {  	s2 =	sld [smem:$0x3F98];
	s0 =	simm.s32 @p1 $0x1  }
0x15: {  	[smem:$0x3FB5] =	sst s0;
	s0 =	simm.s32 @!p2 $0x0  }
0x16: {  	s3 =	sld [smem:$0x3FDB];
	s0 =	simm.s32 @p2 $0x1  }
0x17: {  	s4 =	simm.s32 $0x1BF5;
	[smem:$0x3FB7] =	sst s0  }
0x18: {  	s0 =	sld [smem:$0x3F9A];
	_ =	swait.ge [sflag:s4], $0x0  }
0x19: {  	s7 =	sld [smem:$0x3F9B]  }
0x1a: {  	s8 =	sadd.s32 $0xFFFFE003, lr  }
0x1b: {  	s9 =	sadd.s32 $0xFFFFFEF7, lr;
	s5 =	simm.s32 $0xFFFFFFFF;
	p2 =	slt.u32 s8, $0xFFFFF086  }
0x1c: {  	p1 =	slt.u32 s9, $0xF7A;
	s5 =	simm.s32 @!p2 $0x0  }
0x1d: {  	s5 =	simm.s32 @p1 $0x1;
	p0 =	seq.s32 s7, s2  }
0x1e: {  	s7 =	smul.u32 @!p0 $0xF7A, s2;
	p2 =	seq.s32 @!p0 s5, $0x0  }
0x1f: {  	s9 =	smul.u32 $0xF7A, s1;
	s8 =	simm.s32 @!p0 $0x1BF5;
	p2 =	por !p2, p0  }
0x20: {  	[sflag:s8] =	ssyncset.s32 @!p0 $0xFFFFF086;
	s6 =	sadd.s32 @!p0 s3, s7;
	s7 =	simm.s32 @!p0 $0x108  }
0x21: {  	s3 =	sadd.s32 s3, s9;
	s6 =	sadd.s32 @!p0 $0x88, s6;
	s7 =	simm.s32 @p2 $0x1082  }
0x22: {  	[simem:s7], [sflag:s8] =	dma.local @!p0 [hbm:s6], $0xF7A  }
0x23: {  	s9 =	sor.u32 $0xD0000000, s2;
	s6 =	simm.s32 $0x108;
	_ =	swait.ge @!p0 [sflag:s8], $0x0  }
0x24: {  	s3 =	sadd.s32 $0x88, s3;
	s6 =	simm.s32 @!p1 $0x1082;
	[sflag:s4] =	ssyncset.s32 $0xFFFFF086  }
0x25: {  	[simem:s6], [sflag:s4] =	dma.local [hbm:s3], $0xF7A  }
0x26: {  	[smem:$0x3F9B] =	sst s1;
	(tag) =	ssettag s2;
	_ =	strace s9  }
0x27: {  	s1 =	sld [smem:$0x3FAB]  }
0x28: {  	s2 =	sld [smem:$0x3FAC]  }
0x29: {  	s4 =	sld [smem:$0x3FAE]  }
0x2a: {  	p0 =	seq.s32 s5, $0x0;
	s5 =	sld [smem:$0x3FAF]  }
0x2b: {  	s6 =	sld [smem:$0x3FB0]  }
0x2c: {  	s7 =	sld [smem:$0x3FB1]  }
0x2d: {  	s3 =	simm.s32 $0x108;
	s8 =	sld [smem:$0x3FB2]  }
0x2e: {  	s3 =	simm.s32 @!p0 $0x1082;
	s9 =	sld [smem:$0x3FB3]  }
0x2f: {  	lr =	sadd.s32 s0, s3;
	s0 =	sld [smem:$0x3FAA]  }
0x30: {  	s3 =	sld [smem:$0x3FAD]  }
0x31: {  	[smem:$0x3FB6] =	sst s10  }
0x32: {  	s10 =	sld [smem:$0x3FB4];
	_ =	sdelay $0x3  }
0x33: {  	p0 =	seq.s32 s10, $0x1;
	s10 =	sld [smem:$0x3FB6];
	_ =	sdelay $0x3  }
0x34: {  	[smem:$0x3FB6] =	sst s10  }
0x35: {  	s10 =	sld [smem:$0x3FB5];
	_ =	sdelay $0x3  }
0x36: {  	p1 =	seq.s32 s10, $0x1;
	s10 =	sld [smem:$0x3FB6];
	_ =	sdelay $0x3  }
0x37: {  	[smem:$0x3FB6] =	sst s10  }
0x38: {  	s10 =	sld [smem:$0x3FB7]  }
0x39: {  	_ = 	snop;
	(pc) =	sbr.ind lr, $3  }
0x3a: {  	_ = 	snop  }
0x3b: {  	_ = 	snop  }
0x3c: {  	p2 =	seq.s32 s10, $0x1;
	s10 =	sld [smem:$0x3FB6]  }
0x3d: {  	_ =	shalt  }
0x3e: {  	_ =	shalt  }
0x3f: {  	_ =	shalt  }
0x40: {  	_ =	shalt  }
0x41: {  	_ =	shalt  }
0x42: {  	_ =	shalt  }
0x43: {  	_ =	shalt  }
0x44: {  	_ =	shalt  }
0x45: {  	_ =	shalt  }
0x46: {  	_ =	shalt  }
0x47: {  	_ =	shalt  }
0x48: {  	_ =	shalt  }
0x49: {  	_ =	shalt  }
0x4a: {  	_ =	shalt  }
0x4b: {  	_ =	shalt  }
0x4c: {  	_ =	shalt  }
0x4d: {  	_ =	shalt  }
0x4e: {  	_ =	shalt  }
0x4f: {  	_ =	shalt  }
0x50: {  	_ =	shalt  }
0x51: {  	_ =	shalt  }
0x52: {  	_ =	shalt  }
0x53: {  	_ =	shalt  }
0x54: {  	_ =	shalt  }
0x55: {  	_ =	shalt  }
0x56: {  	_ =	shalt  }
0x57: {  	_ =	shalt  }
0x58: {  	_ =	shalt  }
0x59: {  	_ =	shalt  }
0x5a: {  	_ =	shalt  }
0x5b: {  	_ =	shalt  }
0x5c: {  	_ =	shalt  }
0x5d: {  	_ =	shalt  }
0x5e: {  	_ =	shalt  }
0x5f: {  	_ =	shalt  }
0x60: {  	_ =	shalt  }
0x61: {  	_ =	shalt  }
0x62: {  	_ =	shalt  }
0x63: {  	_ =	shalt  }
0x64: {  	_ =	shalt  }
0x65: {  	_ =	shalt  }
0x66: {  	_ =	shalt  }
0x67: {  	_ =	shalt  }
0x68: {  	_ =	shalt  }
0x69: {  	_ =	shalt  }
0x6a: {  	_ =	shalt  }
0x6b: {  	_ =	shalt  }
0x6c: {  	_ =	shalt  }
0x6d: {  	_ =	shalt  }
0x6e: {  	_ =	shalt  }
0x6f: {  	_ =	shalt  }
0x70: {  	_ =	shalt  }
0x71: {  	_ =	shalt  }
0x72: {  	_ =	shalt  }
0x73: {  	_ =	shalt  }
0x74: {  	_ =	shalt  }
0x75: {  	_ =	shalt  }
0x76: {  	_ =	shalt  }
0x77: {  	_ =	shalt  }
0x78: {  	_ =	shalt  }
0x79: {  	_ =	shalt  }
0x7a: {  	_ =	shalt  }
0x7b: {  	_ =	shalt  }
0x7c: {  	_ =	shalt  }
0x7d: {  	_ =	shalt  }
0x7e: {  	_ =	shalt  }
0x7f: {  	_ =	shalt  }
0x80: {  	_ =	shalt  }
0x81: {  	_ =	shalt  }
0x82: {  	_ =	shalt  }
0x83: {  	_ =	shalt  }
0x84: {  	_ =	shalt  }
0x85: {  	_ =	shalt  }
0x86: {  	_ =	shalt  }
0x87: {  	_ =	shalt  }
.Lfunc_end0:
.L_simem_size_0:
called_computation.2_lowered:
.L_overlay_start_0:
0x88: {  	s2 =	sld [smem:$0x3FD9]  }
0x89: {  	s3 =	sld [smem:$0x3FFE];
	_ =	sdelay $0x1  }
0x8a: {  	s1 =	srdreg.scid  }
0x8b: {  	s0 =	sand.u32 $0x1, s1  }
0x8c: {  	s17 =	sshll.u32 s0, $0xA;
	s2 =	sadd.s32 s3, s2  }
0x8d: {  	s2 =	sadd.s32 s2, s17  }
0x8e: {  	[smem:$0x3FC2] =	sst s2  }
0x8f: {  	_ = 	snop  }
0x90: {  	s2 =	sld [smem:$0x3FD0];
	(tm) =	ssettm $0x1  }
0x91: {  	s18 =	sld [smem:$0x3FFB];
	_ =	sdelay $0x3  }
0x92: {  	_ =	strace s18  }
0x93: {  	s3 =	sld [smem:$0x3FFC];
	_ =	sdelay $0x3  }
0x94: {  	_ =	strace s3  }
0x95: {  	s3 =	sld [smem:$0x3FFD];
	_ =	sdelay $0x3  }
0x96: {  	_ =	strace s3  }
0x97: {  	_ =	strace $0x8FFFFFFF  }
0x98: {  	s19 =	sld [smem:$0x3FDB];
	_ =	sdelay $0x1  }
0x99: {  	s4 =	simm.s32 $_scs_section_size  }
0x9a: {  	s5 =	simm.s32 $_size__tile_overlayer_lowered;
	s6 =	simm.s32 $_tile_overlayer_lowered  }
0x9b: {  	s22 =	simm.s32 $0x1BFF;
	s21 =	sshll.u32 s6, $0x1;
	s3 =	sadd.s32 s4, s19  }
0x9c: {  	s7 =	simm.s32 $0x0;
	s20 =	sshll.u32 s5, $0x1;
	s5 =	sadd.s32 s21, s3  }
0x9d: {  	[timem:s7], [sflag:s22] =	dma.local [hbm:s5], s20  }
0x9e: {  	_ =	swait.ge [sflag:s22], s20  }
0x9f: {  	s4 =	ssub.s32 $0x0, s20;
	[sflag:s22] =	ssyncset.done $0x0  }
0xa0: {  	[sflag:s22] =	ssyncadd.s32 s4;
	_ =	sdelay $0x1  }
0xa1: {  	s23 =	simm.s32 $0x1B8B  }
0xa2: {  	_ =	swait.ge [sflag:s23], $0x1  }
0xa3: {  	[sflag:s23] =	ssyncset.done $0x0  }
0xa4: {  	s25 =	simm.s32 $0x1B8E;
	s24 =	sld [smem:$0x3FFE];
	[sflag:s23] =	ssyncadd.s32 $0xFFFFFFFF  }
0xa5: {  	s26 =	simm.s32 $execute0_lowered;
	[smem:$0x3FD2] =	sst s25  }
0xa6: {  	s5 =	sshll.u32 s26, $0x1;
	_ =	strace $0x8000004C;
	[dreg:$0x1] =	wrdreg $0xFFFFFFFF  }
0xa7: {  	s28 =	simm.s32 $_size_execute0_lowered;
	s3 =	sadd.s32 s3, s5;
	[dreg:$0x0] =	wrdreg $0x0  }
0xa8: {  	s5 =	sshll.u32 s28, $0x1;
	[dreg:$0x2] =	wrdreg s3  }
0xa9: {  	[dreg:$0x3] =	wrdreg s5  }
0xaa: {  	[dreg:$0x4] =	wrdreg $0xC0  }
0xab: {  	_ =	task [dreg:s7], $0x5FFFF  }
0xac: {  	[dreg:$0x1] =	wrdreg $0xFFFFFFFF  }
0xad: {  	[dreg:$0x0] =	wrdreg $0x60  }
0xae: {  	[dreg:$0x2] =	wrdreg s24  }
0xaf: {  	[dreg:$0x3] =	wrdreg s2  }
0xb0: {  	[dreg:$0x4] =	wrdreg $0x90000  }
0xb1: {  	[dreg:$0x5] =	wrdreg $0x9  }
0xb2: {  	_ =	task.clear_ibuf [dreg:s7], $0x6FFFF;
	_ =	strace $0x9000004C  }
0xb3: {  	s29 =	simm.s32 $0x9;
	_ =	strace $0x8000004E  }
0xb4: {  	_ =	swait.ge [sflag:s29], $0x1  }
0xb5: {  	[sflag:s29] =	ssyncadd.s32 $0xFFFFFFFF  }
0xb6: {  	_ =	strace $0x9000004E  }
0xb7: {  	_ =	sfence  }
0xb8: {  	s30 =	sld [smem:$0x0];
	_ =	sdelay $0x2  }
0xb9: {  	s31 =	sshll.u32 s1, $0xD;
	s1 =	sshrl.u32 s1, $0x2  }
0xba: {  	s3 =	sand.u32 $0x4000, s31;
	s1 =	sadd.s32 s1, s30  }
0xbb: {  	s0 =	sor.u32 s3, s0;
	s1 =	sshll.u32 s1, $0x11  }
0xbc: {  	s0 =	sor.u32 s1, s0  }
0xbd: {  	s0 =	sadd.s32 $0x8F2B, s0  }
0xbe: {  	[sflag:s0] =	ssyncadd.remote.s32 $0x1  }
0xbf: {  	_ =	sfence.sel $0xFFFF  }
0xc0: {  	[dreg:$0x0] =	wrdreg $0xFFFFFFFF;
	(pc) =	sbr.abs _section_cstart, $3  }
0xc1: {  	[dreg:$0x1] =	wrdreg $0xFFFFFFFF  }
0xc2: {  	_ =	task.clear_ibuf [dreg:s7], $0x2FFFF;
	_ =	strace $0x9FFFFFFF  }
0xc3: {  	(tm) =	ssettm $0x7FFFFFFF  }
tec
execute0_lowered:
.L_overlay_start_1:
0x0: {  	(tag) =	ssettag $0x1  }
0x1: {  	s0 =	rddreg [dreg:$0x0]  }
0x2: {  	s2 =	rddreg [dreg:$0x1]  }
0x3: {  	s1 =	rddreg [dreg:$0x2]  }
0x4: {  	s3 =	srdreg.scid;
	s11 =	stileid.u32;
	s15 =	simm.s32 $0x100  }
0x5: {  	s16 =	simm.s32 $0x200;
	s17 =	simm.s32 $0x180;
	s19 =	simm.s32 $0x300  }
0x6: {  	s20 =	simm.s32 $0x280;
	s21 =	simm.s32 $0x400;
	s22 =	simm.s32 $0x380  }
0x7: {  	s23 =	simm.s32 $0x500;
	s5 =	sand.u32 $0x1, s3;
	s3 =	simm.s32 $0x0  }
0x8: {  	s24 =	simm.s32 $0x480;
	s25 =	simm.s32 $0x600;
	[smem:$0x7FF] =	sst s3  }
0x9: {  	s26 =	simm.s32 $0x580;
	_ =	strace $0x8000004D;
	[dreg:$0x5] =	wrdreg s15  }
0xa: {  	s28 =	simm.s32 $0xB80;
	s29 =	simm.s32 $0xD00;
	[dreg:$0x6] =	wrdreg s16  }
0xb: {  	s30 =	simm.s32 $0xC80;
	s7 =	smul.u32 $0x278, s11;
	[dreg:$0x7] =	wrdreg s17  }
0xc: {  	s31 =	simm.s32 $0xE00;
	s12 =	smul.u32 $0x5000, s11;
	[dreg:$0x8] =	wrdreg s19  }
0xd: {  	s4 =	sadd.s32 $0x1400, s0;
	s9 =	smul.u32 $0x4F000, s11;
	[dreg:$0x9] =	wrdreg s20  }
0xe: {  	s14 =	sshll.u32 s11, $0x6;
	s6 =	smul.u32 $0x2780, s5;
	[dreg:$0xa] =	wrdreg s21  }
0xf: {  	s8 =	smul.u32 $0x50000, s5;
	s5 =	ssub.s32 $0x2, s5;
	[dreg:$0xb] =	wrdreg s22  }
0x10: {  	s11 =	simm.s32 $0x80;
	s10 =	sshrl.u32 s5, $0x1;
	[dreg:$0xc] =	wrdreg s23  }
0x11: {  	s13 =	sshrl.u32 s9, $0x2;
	s9 =	sor.u32 $0x1C03, s14;
	[dreg:$0xd] =	wrdreg s24  }
0x12: {  	s14 =	simm.s32 $0x1;
	s15 =	simm.s32 $0x2;
	[dreg:$0xe] =	wrdreg s25  }
0x13: {  	[dreg:$0xf] =	wrdreg s26;
	s16 =	simm.s32 $0x700;
	s17 =	simm.s32 $0x680  }
0x14: {  	s19 =	simm.s32 $0x780;
	s20 =	simm.s32 $0x900;
	s21 =	simm.s32 $0x880  }
0x15: {  	s22 =	simm.s32 $0xA00;
	s23 =	simm.s32 $0x980;
	s24 =	simm.s32 $0xB00  }
0x16: {  	s25 =	simm.s32 $0xA80;
	s26 =	simm.s32 $0xC00;
	s6 =	sadd.s32 s7, s6  }
0x17: {  	s7 =	sadd.s32 s12, s8;
	s5 =	ssub.s32 s5, s10;
	s8 =	sadd.s32 s13, s1  }
0x18: {  	s10 =	simm.s32 $0x3;
	s12 =	simm.s32 $0x1000;
	s13 =	simm.s32 $0x5000  }
0x19: {  	[dreg:$0x11] =	wrdreg s9;
	s6 =	sshll.u32 s6, $0x4;
	s18 =	smax.u32 s5, $0x1  }
0x1a: {  	s7 =	sshrl.u32 s7, $0x3;
	s8 =	sshrl.u32 s8, $0x3;
	[dreg:$0x13] =	wrdreg s18  }
0x1b: {  	s0 =	sadd.s32 s6, s0;
	s6 =	sadd.s32 s4, s6;
	[dreg:$0x14] =	wrdreg s8  }
0x1c: {  	s5 =	simm.s32 $0xE80;
	s2 =	sadd.s32 s7, s2;
	[dreg:$0x10] =	wrdreg s6  }
0x1d: {  	s18 =	simm.s32 $0x800;
	[dreg:$0x4] =	wrdreg s2;
	s0 =	sadd.s32 $0x2AE00, s0  }
0x1e: {  	s7 =	simm.s32 $0xF80;
	s6 =	simm.s32 $0x0;
	[dreg:$0x12] =	wrdreg s0  }
0x1f: {  	s2 =	simm.s32 $0xF00;
	s0 =	simm.s32 $0xD80;
	[dreg:$0x15] =	wrdreg s6  }
.LBB2_1:
0x20: {  	s6 =	rddreg [dreg:$0x10]  }
0x21: {  	[spmem:s8], [sflag:s9] =	dma.local [hbm:s6], $0x2780  }
0x22: {  	_ =	swait.ge [sflag:s10], $0x2780  }
0x23: {  	[sflag:s10] =	ssyncset.done $0x0  }
0x24: {  	[sflag:s10] =	ssyncadd.s32 $0xFFFFD880  }
0x25: {  	[bflag:$0x0] =	sbarrier.arrive $0xFFFF  }
0x26: {  	s8 =	rddreg [dreg:$0x4]  }
0x27: {  	s6 =	sadd.s32 $0x0, s8  }
0x28: {  	[tilespmem:s3], [sflag:$0x3] =	stream.linear.gather [hbm4b:s6+s3], $0x1000, $0x38;
	[tilespmem:$0x1CC00] =	vst v63  }
0x29: {  	_ =	swait.ge [sflag:s10], $0x1000  }
0x2a: {  	[sflag:s10] =	ssyncset.done $0x0  }
0x2b: {  	[sflag:s10] =	ssyncadd.s32 $0xFFFFF000  }
0x2c: {  	[tilespmem:s12], [sflag:$0x1] =	stream.indirect.gather [hbm4b:s4+s11], $0x80, s3, s11, $0xb8;
	[tilespmem:$0x1CC00] =	vst v63  }
0x2d: {  	s9 =	rddreg [dreg:$0x5]  }
0x2e: {  	[tilespmem:s13], [sflag:$0x2] =	stream.indirect.gather [hbm4b:s4+s11], $0x80, s9, s11, $0xb8;
	[tilespmem:$0x1CC00] =	vst v63  }
0x2f: {  	_ =	swait.ge [sflag:s14], $0x4000  }
0x30: {  	[sflag:s14] =	ssyncset.done $0x0  }
0x31: {  	[sflag:s14] =	ssyncadd.s32 $0xFFFFC000  }
0x32: {  	[spmem:s1] =	stream.indirect.scatter.add.f32 [tilespmem:s12], [sflag:$0x3], $0x80, s11, s11, $0xb8;
	[tilespmem:$0x1CC00] =	vst v63  }
0x33: {  	_ =	swait.ge [sflag:s10], $0x4000  }
0x34: {  	[sflag:s10] =	ssyncset.done $0x0  }
0x35: {  	s8 =	rddreg [dreg:$0x6];
	[sflag:s10] =	ssyncadd.s32 $0xFFFFC000  }
0x36: {  	[tilespmem:s12], [sflag:$0x1] =	stream.indirect.gather [hbm4b:s4+s11], $0x80, s8, s11, $0xb8;
	[tilespmem:$0x1CC00] =	vst v63  }
0x37: {  	_ =	swait.ge [sflag:s15], $0x4000  }
0x38: {  	[sflag:s15] =	ssyncset.done $0x0  }
0x39: {  	s9 =	rddreg [dreg:$0x7];
	[sflag:s15] =	ssyncadd.s32 $0xFFFFC000  }
0x3a: {  	[spmem:s1] =	stream.indirect.scatter.add.f32 [tilespmem:s13], [sflag:$0x3], $0x80, s9, s11, $0xb8;
	[tilespmem:$0x1CC00] =	vst v63  }
0x3b: {  	_ =	swait.ge [sflag:s10], $0x4000  }
0x3c: {  	[sflag:s10] =	ssyncset.done $0x0  }
0x3d: {  	s8 =	rddreg [dreg:$0x8];
	[sflag:s10] =	ssyncadd.s32 $0xFFFFC000  }
0x3e: {  	[tilespmem:s13], [sflag:$0x2] =	stream.indirect.gather [hbm4b:s4+s11], $0x80, s8, s11, $0xb8;
	[tilespmem:$0x1CC00] =	vst v63  }
0x3f: {  	_ =	swait.ge [sflag:s14], $0x4000  }
0x40: {  	[sflag:s14] =	ssyncset.done $0x0  }
0x41: {  	s9 =	rddreg [dreg:$0x9];
	[sflag:s14] =	ssyncadd.s32 $0xFFFFC000  }
0x42: {  	[spmem:s1] =	stream.indirect.scatter.add.f32 [tilespmem:s12], [sflag:$0x3], $0x80, s9, s11, $0xb8;
	[tilespmem:$0x1CC00] =	vst v63  }
0x43: {  	_ =	swait.ge [sflag:s10], $0x4000  }
0x44: {  	[sflag:s10] =	ssyncset.done $0x0  }
0x45: {  	s8 =	rddreg [dreg:$0xa];
	[sflag:s10] =	ssyncadd.s32 $0xFFFFC000  }
0x46: {  	[tilespmem:s12], [sflag:$0x1] =	stream.indirect.gather [hbm4b:s4+s11], $0x80, s8, s11, $0xb8;
	[tilespmem:$0x1CC00] =	vst v63  }
0x47: {  	_ =	swait.ge [sflag:s15], $0x4000  }
0x48: {  	[sflag:s15] =	ssyncset.done $0x0  }
0x49: {  	s9 =	rddreg [dreg:$0xb];
	[sflag:s15] =	ssyncadd.s32 $0xFFFFC000  }
0x4a: {  	[spmem:s1] =	stream.indirect.scatter.add.f32 [tilespmem:s13], [sflag:$0x3], $0x80, s9, s11, $0xb8;
	[tilespmem:$0x1CC00] =	vst v63  }
0x4b: {  	_ =	swait.ge [sflag:s10], $0x4000  }
0x4c: {  	[sflag:s10] =	ssyncset.done $0x0  }
0x4d: {  	s8 =	rddreg [dreg:$0xc];
	[sflag:s10] =	ssyncadd.s32 $0xFFFFC000  }
0x4e: {  	[tilespmem:s13], [sflag:$0x2] =	stream.indirect.gather [hbm4b:s4+s11], $0x80, s8, s11, $0xb8;
	[tilespmem:$0x1CC00] =	vst v63  }
0x4f: {  	_ =	swait.ge [sflag:s14], $0x4000  }
0x50: {  	[sflag:s14] =	ssyncset.done $0x0  }
0x51: {  	s9 =	rddreg [dreg:$0xd];
	[sflag:s14] =	ssyncadd.s32 $0xFFFFC000  }
0x52: {  	[spmem:s1] =	stream.indirect.scatter.add.f32 [tilespmem:s12], [sflag:$0x3], $0x80, s9, s11, $0xb8;
	[tilespmem:$0x1CC00] =	vst v63  }
0x53: {  	_ =	swait.ge [sflag:s10], $0x4000  }
0x54: {  	[sflag:s10] =	ssyncset.done $0x0  }
0x55: {  	s8 =	rddreg [dreg:$0xe];
	[sflag:s10] =	ssyncadd.s32 $0xFFFFC000  }
0x56: {  	[tilespmem:s12], [sflag:$0x1] =	stream.indirect.gather [hbm4b:s4+s11], $0x80, s8, s11, $0xb8;
	[tilespmem:$0x1CC00] =	vst v63  }
0x57: {  	_ =	swait.ge [sflag:s15], $0x4000  }
0x58: {  	[sflag:s15] =	ssyncset.done $0x0  }
0x59: {  	s9 =	rddreg [dreg:$0xf];
	[sflag:s15] =	ssyncadd.s32 $0xFFFFC000  }
0x5a: {  	[spmem:s1] =	stream.indirect.scatter.add.f32 [tilespmem:s13], [sflag:$0x3], $0x80, s9, s11, $0xb8;
	[tilespmem:$0x1CC00] =	vst v63  }
0x5b: {  	_ =	swait.ge [sflag:s10], $0x4000  }
0x5c: {  	[sflag:s10] =	ssyncset.done $0x0  }
0x5d: {  	[sflag:s10] =	ssyncadd.s32 $0xFFFFC000  }
0x5e: {  	[tilespmem:s13], [sflag:$0x2] =	stream.indirect.gather [hbm4b:s4+s11], $0x80, s16, s11, $0xb8;
	[tilespmem:$0x1CC00] =	vst v63  }
0x5f: {  	_ =	swait.ge [sflag:s14], $0x4000  }
0x60: {  	[sflag:s14] =	ssyncset.done $0x0  }
0x61: {  	[sflag:s14] =	ssyncadd.s32 $0xFFFFC000  }
0x62: {  	[spmem:s1] =	stream.indirect.scatter.add.f32 [tilespmem:s12], [sflag:$0x3], $0x80, s17, s11, $0xb8;
	[tilespmem:$0x1CC00] =	vst v63  }
0x63: {  	_ =	swait.ge [sflag:s10], $0x4000  }
0x64: {  	[sflag:s10] =	ssyncset.done $0x0  }
0x65: {  	[sflag:s10] =	ssyncadd.s32 $0xFFFFC000  }
0x66: {  	[tilespmem:s12], [sflag:$0x1] =	stream.indirect.gather [hbm4b:s4+s11], $0x80, s18, s11, $0xb8;
	[tilespmem:$0x1CC00] =	vst v63  }
0x67: {  	_ =	swait.ge [sflag:s15], $0x4000  }
0x68: {  	[sflag:s15] =	ssyncset.done $0x0  }
0x69: {  	[sflag:s15] =	ssyncadd.s32 $0xFFFFC000  }
0x6a: {  	[spmem:s1] =	stream.indirect.scatter.add.f32 [tilespmem:s13], [sflag:$0x3], $0x80, s19, s11, $0xb8;
	[tilespmem:$0x1CC00] =	vst v63  }
0x6b: {  	_ =	swait.ge [sflag:s10], $0x4000  }
0x6c: {  	[sflag:s10] =	ssyncset.done $0x0  }
0x6d: {  	[sflag:s10] =	ssyncadd.s32 $0xFFFFC000  }
0x6e: {  	[tilespmem:s13], [sflag:$0x2] =	stream.indirect.gather [hbm4b:s4+s11], $0x80, s20, s11, $0xb8;
	[tilespmem:$0x1CC00] =	vst v63  }
0x6f: {  	_ =	swait.ge [sflag:s14], $0x4000  }
0x70: {  	[sflag:s14] =	ssyncset.done $0x0  }
0x71: {  	[sflag:s14] =	ssyncadd.s32 $0xFFFFC000  }
0x72: {  	[spmem:s1] =	stream.indirect.scatter.add.f32 [tilespmem:s12], [sflag:$0x3], $0x80, s21, s11, $0xb8;
	[tilespmem:$0x1CC00] =	vst v63  }
0x73: {  	_ =	swait.ge [sflag:s10], $0x4000  }
0x74: {  	[sflag:s10] =	ssyncset.done $0x0  }
0x75: {  	[sflag:s10] =	ssyncadd.s32 $0xFFFFC000  }
0x76: {  	[tilespmem:s12], [sflag:$0x1] =	stream.indirect.gather [hbm4b:s4+s11], $0x80, s22, s11, $0xb8;
	[tilespmem:$0x1CC00] =	vst v63  }
0x77: {  	_ =	swait.ge [sflag:s15], $0x4000  }
0x78: {  	[sflag:s15] =	ssyncset.done $0x0  }
0x79: {  	[sflag:s15] =	ssyncadd.s32 $0xFFFFC000  }
0x7a: {  	[spmem:s1] =	stream.indirect.scatter.add.f32 [tilespmem:s13], [sflag:$0x3], $0x80, s23, s11, $0xb8;
	[tilespmem:$0x1CC00] =	vst v63  }
0x7b: {  	_ =	swait.ge [sflag:s10], $0x4000  }
0x7c: {  	[sflag:s10] =	ssyncset.done $0x0  }
0x7d: {  	[sflag:s10] =	ssyncadd.s32 $0xFFFFC000  }
0x7e: {  	[tilespmem:s13], [sflag:$0x2] =	stream.indirect.gather [hbm4b:s4+s11], $0x80, s24, s11, $0xb8;
	[tilespmem:$0x1CC00] =	vst v63  }
0x7f: {  	_ =	swait.ge [sflag:s14], $0x4000  }
0x80: {  	[sflag:s14] =	ssyncset.done $0x0  }
0x81: {  	[sflag:s14] =	ssyncadd.s32 $0xFFFFC000  }
0x82: {  	[spmem:s1] =	stream.indirect.scatter.add.f32 [tilespmem:s12], [sflag:$0x3], $0x80, s25, s11, $0xb8;
	[tilespmem:$0x1CC00] =	vst v63  }
0x83: {  	_ =	swait.ge [sflag:s10], $0x4000  }
0x84: {  	[sflag:s10] =	ssyncset.done $0x0  }
0x85: {  	[sflag:s10] =	ssyncadd.s32 $0xFFFFC000  }
0x86: {  	[tilespmem:s12], [sflag:$0x1] =	stream.indirect.gather [hbm4b:s4+s11], $0x80, s26, s11, $0xb8;
	[tilespmem:$0x1CC00] =	vst v63  }
0x87: {  	_ =	swait.ge [sflag:s15], $0x4000  }
0x88: {  	[sflag:s15] =	ssyncset.done $0x0  }
0x89: {  	[sflag:s15] =	ssyncadd.s32 $0xFFFFC000  }
0x8a: {  	[spmem:s1] =	stream.indirect.scatter.add.f32 [tilespmem:s13], [sflag:$0x3], $0x80, s28, s11, $0xb8;
	[tilespmem:$0x1CC00] =	vst v63  }
0x8b: {  	_ =	swait.ge [sflag:s10], $0x4000  }
0x8c: {  	[sflag:s10] =	ssyncset.done $0x0  }
0x8d: {  	[sflag:s10] =	ssyncadd.s32 $0xFFFFC000  }
0x8e: {  	[tilespmem:s13], [sflag:$0x2] =	stream.indirect.gather [hbm4b:s4+s11], $0x80, s29, s11, $0xb8;
	[tilespmem:$0x1CC00] =	vst v63  }
0x8f: {  	_ =	swait.ge [sflag:s14], $0x4000  }
0x90: {  	[sflag:s14] =	ssyncset.done $0x0  }
0x91: {  	[sflag:s14] =	ssyncadd.s32 $0xFFFFC000  }
0x92: {  	[spmem:s1] =	stream.indirect.scatter.add.f32 [tilespmem:s12], [sflag:$0x3], $0x80, s30, s11, $0xb8;
	[tilespmem:$0x1CC00] =	vst v63  }
0x93: {  	_ =	swait.ge [sflag:s10], $0x4000  }
0x94: {  	[sflag:s10] =	ssyncset.done $0x0  }
0x95: {  	[sflag:s10] =	ssyncadd.s32 $0xFFFFC000  }
0x96: {  	[tilespmem:s12], [sflag:$0x1] =	stream.indirect.gather [hbm4b:s4+s11], $0x80, s31, s11, $0xb8;
	[tilespmem:$0x1CC00] =	vst v63  }
0x97: {  	_ =	swait.ge [sflag:s15], $0x4000  }
0x98: {  	[sflag:s15] =	ssyncset.done $0x0  }
0x99: {  	[sflag:s15] =	ssyncadd.s32 $0xFFFFC000  }
0x9a: {  	[spmem:s1] =	stream.indirect.scatter.add.f32 [tilespmem:s13], [sflag:$0x3], $0x80, s0, s11, $0xb8;
	[tilespmem:$0x1CC00] =	vst v63  }
0x9b: {  	_ =	swait.ge [sflag:s10], $0x4000  }
0x9c: {  	[sflag:s10] =	ssyncset.done $0x0  }
0x9d: {  	[sflag:s10] =	ssyncadd.s32 $0xFFFFC000  }
0x9e: {  	[tilespmem:s13], [sflag:$0x2] =	stream.indirect.gather [hbm4b:s4+s11], $0x80, s2, s11, $0xb8;
	[tilespmem:$0x1CC00] =	vst v63  }
0x9f: {  	_ =	swait.ge [sflag:s14], $0x4000  }
0xa0: {  	[sflag:s14] =	ssyncset.done $0x0  }
0xa1: {  	[sflag:s14] =	ssyncadd.s32 $0xFFFFC000  }
0xa2: {  	[spmem:s1] =	stream.indirect.scatter.add.f32 [tilespmem:s12], [sflag:$0x3], $0x80, s5, s11, $0xb8;
	[tilespmem:$0x1CC00] =	vst v63  }
0xa3: {  	_ =	swait.ge [sflag:s10], $0x4000  }
0xa4: {  	[sflag:s10] =	ssyncset.done $0x0  }
0xa5: {  	[sflag:s10] =	ssyncadd.s32 $0xFFFFC000  }
0xa6: {  	_ =	swait.ge [sflag:s15], $0x4000  }
0xa7: {  	[sflag:s15] =	ssyncset.done $0x0  }
0xa8: {  	[sflag:s15] =	ssyncadd.s32 $0xFFFFC000  }
0xa9: {  	[spmem:s1] =	stream.indirect.scatter.add.f32 [tilespmem:s13], [sflag:$0x3], $0x80, s7, s11, $0xb8;
	[tilespmem:$0x1CC00] =	vst v63  }
0xaa: {  	s6 =	simm.s32 $0x200;
	_ =	swait.ge [sflag:s10], $0x4000  }
.LBB2_2:
0xab: {  	s9 =	rddreg [dreg:$0x4];
	s8 =	smov.u32 s6;
	[sflag:s10] =	ssyncset.done $0x0  }
0xac: {  	s8 =	sadd.s32 s8, s9;
	[sflag:s10] =	ssyncadd.s32 $0xFFFFC000  }
0xad: {  	[tilespmem:s3], [sflag:$0x3] =	stream.linear.gather [hbm4b:s8+s3], $0x1000, $0x38;
	[tilespmem:$0x1CC00] =	vst v63  }
0xae: {  	_ =	swait.ge [sflag:s10], $0x1000  }
0xaf: {  	[sflag:s10] =	ssyncset.done $0x0  }
0xb0: {  	[sflag:s10] =	ssyncadd.s32 $0xFFFFF000  }
0xb1: {  	[tilespmem:s12], [sflag:$0x1] =	stream.indirect.gather [hbm4b:s4+s11], $0x80, s3, s11, $0xb8;
	[tilespmem:$0x1CC00] =	vst v63  }
0xb2: {  	s9 =	rddreg [dreg:$0x5]  }
0xb3: {  	[tilespmem:s13], [sflag:$0x2] =	stream.indirect.gather [hbm4b:s4+s11], $0x80, s9, s11, $0xb8;
	[tilespmem:$0x1CC00] =	vst v63  }
0xb4: {  	_ =	swait.ge [sflag:s14], $0x4000  }
0xb5: {  	[sflag:s14] =	ssyncset.done $0x0  }
0xb6: {  	[sflag:s14] =	ssyncadd.s32 $0xFFFFC000  }
0xb7: {  	[spmem:s1] =	stream.indirect.scatter.add.f32 [tilespmem:s12], [sflag:$0x3], $0x80, s11, s11, $0xb8;
	[tilespmem:$0x1CC00] =	vst v63  }
0xb8: {  	_ =	swait.ge [sflag:s10], $0x4000  }
0xb9: {  	[sflag:s10] =	ssyncset.done $0x0  }
0xba: {  	s9 =	rddreg [dreg:$0x6];
	[sflag:s10] =	ssyncadd.s32 $0xFFFFC000  }
0xbb: {  	[tilespmem:s12], [sflag:$0x1] =	stream.indirect.gather [hbm4b:s4+s11], $0x80, s9, s11, $0xb8;
	[tilespmem:$0x1CC00] =	vst v63  }
0xbc: {  	_ =	swait.ge [sflag:s15], $0x4000  }
0xbd: {  	[sflag:s15] =	ssyncset.done $0x0  }
0xbe: {  	s9 =	rddreg [dreg:$0x7];
	[sflag:s15] =	ssyncadd.s32 $0xFFFFC000  }
0xbf: {  	[spmem:s1] =	stream.indirect.scatter.add.f32 [tilespmem:s13], [sflag:$0x3], $0x80, s9, s11, $0xb8;
	[tilespmem:$0x1CC00] =	vst v63  }
0xc0: {  	_ =	swait.ge [sflag:s10], $0x4000  }
0xc1: {  	[sflag:s10] =	ssyncset.done $0x0  }
0xc2: {  	s9 =	rddreg [dreg:$0x8];
	[sflag:s10] =	ssyncadd.s32 $0xFFFFC000  }
0xc3: {  	[tilespmem:s13], [sflag:$0x2] =	stream.indirect.gather [hbm4b:s4+s11], $0x80, s9, s11, $0xb8;
	[tilespmem:$0x1CC00] =	vst v63  }
0xc4: {  	_ =	swait.ge [sflag:s14], $0x4000  }
0xc5: {  	[sflag:s14] =	ssyncset.done $0x0  }
0xc6: {  	s9 =	rddreg [dreg:$0x9];
	[sflag:s14] =	ssyncadd.s32 $0xFFFFC000  }
0xc7: {  	[spmem:s1] =	stream.indirect.scatter.add.f32 [tilespmem:s12], [sflag:$0x3], $0x80, s9, s11, $0xb8;
	[tilespmem:$0x1CC00] =	vst v63  }
0xc8: {  	_ =	swait.ge [sflag:s10], $0x4000  }
0xc9: {  	[sflag:s10] =	ssyncset.done $0x0  }
0xca: {  	s9 =	rddreg [dreg:$0xa];
	[sflag:s10] =	ssyncadd.s32 $0xFFFFC000  }
0xcb: {  	[tilespmem:s12], [sflag:$0x1] =	stream.indirect.gather [hbm4b:s4+s11], $0x80, s9, s11, $0xb8;
	[tilespmem:$0x1CC00] =	vst v63  }
0xcc: {  	_ =	swait.ge [sflag:s15], $0x4000  }
0xcd: {  	[sflag:s15] =	ssyncset.done $0x0  }
0xce: {  	s9 =	rddreg [dreg:$0xb];
	[sflag:s15] =	ssyncadd.s32 $0xFFFFC000  }
0xcf: {  	[spmem:s1] =	stream.indirect.scatter.add.f32 [tilespmem:s13], [sflag:$0x3], $0x80, s9, s11, $0xb8;
	[tilespmem:$0x1CC00] =	vst v63  }
0xd0: {  	_ =	swait.ge [sflag:s10], $0x4000  }
0xd1: {  	[sflag:s10] =	ssyncset.done $0x0  }
0xd2: {  	s9 =	rddreg [dreg:$0xc];
	[sflag:s10] =	ssyncadd.s32 $0xFFFFC000  }
0xd3: {  	[tilespmem:s13], [sflag:$0x2] =	stream.indirect.gather [hbm4b:s4+s11], $0x80, s9, s11, $0xb8;
	[tilespmem:$0x1CC00] =	vst v63  }
0xd4: {  	_ =	swait.ge [sflag:s14], $0x4000  }
0xd5: {  	[sflag:s14] =	ssyncset.done $0x0  }
0xd6: {  	s9 =	rddreg [dreg:$0xd];
	[sflag:s14] =	ssyncadd.s32 $0xFFFFC000  }
0xd7: {  	[spmem:s1] =	stream.indirect.scatter.add.f32 [tilespmem:s12], [sflag:$0x3], $0x80, s9, s11, $0xb8;
	[tilespmem:$0x1CC00] =	vst v63  }
0xd8: {  	_ =	swait.ge [sflag:s10], $0x4000  }
0xd9: {  	[sflag:s10] =	ssyncset.done $0x0  }
0xda: {  	s9 =	rddreg [dreg:$0xe];
	[sflag:s10] =	ssyncadd.s32 $0xFFFFC000  }
0xdb: {  	[tilespmem:s12], [sflag:$0x1] =	stream.indirect.gather [hbm4b:s4+s11], $0x80, s9, s11, $0xb8;
	[tilespmem:$0x1CC00] =	vst v63  }
0xdc: {  	_ =	swait.ge [sflag:s15], $0x4000  }
0xdd: {  	[sflag:s15] =	ssyncset.done $0x0  }
0xde: {  	s9 =	rddreg [dreg:$0xf];
	[sflag:s15] =	ssyncadd.s32 $0xFFFFC000  }
0xdf: {  	[spmem:s1] =	stream.indirect.scatter.add.f32 [tilespmem:s13], [sflag:$0x3], $0x80, s9, s11, $0xb8;
	[tilespmem:$0x1CC00] =	vst v63  }
0xe0: {  	_ =	swait.ge [sflag:s10], $0x4000  }
0xe1: {  	[sflag:s10] =	ssyncset.done $0x0  }
0xe2: {  	[sflag:s10] =	ssyncadd.s32 $0xFFFFC000  }
0xe3: {  	[tilespmem:s13], [sflag:$0x2] =	stream.indirect.gather [hbm4b:s4+s11], $0x80, s16, s11, $0xb8;
	[tilespmem:$0x1CC00] =	vst v63  }
0xe4: {  	_ =	swait.ge [sflag:s14], $0x4000  }
0xe5: {  	[sflag:s14] =	ssyncset.done $0x0  }
0xe6: {  	[sflag:s14] =	ssyncadd.s32 $0xFFFFC000  }
0xe7: {  	[spmem:s1] =	stream.indirect.scatter.add.f32 [tilespmem:s12], [sflag:$0x3], $0x80, s17, s11, $0xb8;
	[tilespmem:$0x1CC00] =	vst v63  }
0xe8: {  	_ =	swait.ge [sflag:s10], $0x4000  }
0xe9: {  	[sflag:s10] =	ssyncset.done $0x0  }
0xea: {  	[sflag:s10] =	ssyncadd.s32 $0xFFFFC000  }
0xeb: {  	[tilespmem:s12], [sflag:$0x1] =	stream.indirect.gather [hbm4b:s4+s11], $0x80, s18, s11, $0xb8;
	[tilespmem:$0x1CC00] =	vst v63  }
0xec: {  	_ =	swait.ge [sflag:s15], $0x4000  }
0xed: {  	[sflag:s15] =	ssyncset.done $0x0  }
0xee: {  	[sflag:s15] =	ssyncadd.s32 $0xFFFFC000  }
0xef: {  	[spmem:s1] =	stream.indirect.scatter.add.f32 [tilespmem:s13], [sflag:$0x3], $0x80, s19, s11, $0xb8;
	[tilespmem:$0x1CC00] =	vst v63  }
0xf0: {  	_ =	swait.ge [sflag:s10], $0x4000  }
0xf1: {  	[sflag:s10] =	ssyncset.done $0x0  }
0xf2: {  	[sflag:s10] =	ssyncadd.s32 $0xFFFFC000  }
0xf3: {  	[tilespmem:s13], [sflag:$0x2] =	stream.indirect.gather [hbm4b:s4+s11], $0x80, s20, s11, $0xb8;
	[tilespmem:$0x1CC00] =	vst v63  }
0xf4: {  	_ =	swait.ge [sflag:s14], $0x4000  }
0xf5: {  	[sflag:s14] =	ssyncset.done $0x0  }
0xf6: {  	[sflag:s14] =	ssyncadd.s32 $0xFFFFC000  }
0xf7: {  	[spmem:s1] =	stream.indirect.scatter.add.f32 [tilespmem:s12], [sflag:$0x3], $0x80, s21, s11, $0xb8;
	[tilespmem:$0x1CC00] =	vst v63  }
0xf8: {  	_ =	swait.ge [sflag:s10], $0x4000  }
0xf9: {  	[sflag:s10] =	ssyncset.done $0x0  }
0xfa: {  	[sflag:s10] =	ssyncadd.s32 $0xFFFFC000  }
0xfb: {  	[tilespmem:s12], [sflag:$0x1] =	stream.indirect.gather [hbm4b:s4+s11], $0x80, s22, s11, $0xb8;
	[tilespmem:$0x1CC00] =	vst v63  }
0xfc: {  	_ =	swait.ge [sflag:s15], $0x4000  }
0xfd: {  	[sflag:s15] =	ssyncset.done $0x0  }
0xfe: {  	[sflag:s15] =	ssyncadd.s32 $0xFFFFC000  }
0xff: {  	[spmem:s1] =	stream.indirect.scatter.add.f32 [tilespmem:s13], [sflag:$0x3], $0x80, s23, s11, $0xb8;
	[tilespmem:$0x1CC00] =	vst v63  }
0x100: {  	_ =	swait.ge [sflag:s10], $0x4000  }
0x101: {  	[sflag:s10] =	ssyncset.done $0x0  }
0x102: {  	[sflag:s10] =	ssyncadd.s32 $0xFFFFC000  }
0x103: {  	[tilespmem:s13], [sflag:$0x2] =	stream.indirect.gather [hbm4b:s4+s11], $0x80, s24, s11, $0xb8;
	[tilespmem:$0x1CC00] =	vst v63  }
0x104: {  	_ =	swait.ge [sflag:s14], $0x4000  }
0x105: {  	[sflag:s14] =	ssyncset.done $0x0  }
0x106: {  	[sflag:s14] =	ssyncadd.s32 $0xFFFFC000  }
0x107: {  	[spmem:s1] =	stream.indirect.scatter.add.f32 [tilespmem:s12], [sflag:$0x3], $0x80, s25, s11, $0xb8;
	[tilespmem:$0x1CC00] =	vst v63  }
0x108: {  	_ =	swait.ge [sflag:s10], $0x4000  }
0x109: {  	[sflag:s10] =	ssyncset.done $0x0  }
0x10a: {  	[sflag:s10] =	ssyncadd.s32 $0xFFFFC000  }
0x10b: {  	[tilespmem:s12], [sflag:$0x1] =	stream.indirect.gather [hbm4b:s4+s11], $0x80, s26, s11, $0xb8;
	[tilespmem:$0x1CC00] =	vst v63  }
0x10c: {  	_ =	swait.ge [sflag:s15], $0x4000  }
0x10d: {  	[sflag:s15] =	ssyncset.done $0x0  }
0x10e: {  	[sflag:s15] =	ssyncadd.s32 $0xFFFFC000  }
0x10f: {  	[spmem:s1] =	stream.indirect.scatter.add.f32 [tilespmem:s13], [sflag:$0x3], $0x80, s28, s11, $0xb8;
	[tilespmem:$0x1CC00] =	vst v63  }
0x110: {  	_ =	swait.ge [sflag:s10], $0x4000  }
0x111: {  	[sflag:s10] =	ssyncset.done $0x0  }
0x112: {  	[sflag:s10] =	ssyncadd.s32 $0xFFFFC000  }
0x113: {  	[tilespmem:s13], [sflag:$0x2] =	stream.indirect.gather [hbm4b:s4+s11], $0x80, s29, s11, $0xb8;
	[tilespmem:$0x1CC00] =	vst v63  }
0x114: {  	_ =	swait.ge [sflag:s14], $0x4000  }
0x115: {  	[sflag:s14] =	ssyncset.done $0x0  }
0x116: {  	[sflag:s14] =	ssyncadd.s32 $0xFFFFC000  }
0x117: {  	[spmem:s1] =	stream.indirect.scatter.add.f32 [tilespmem:s12], [sflag:$0x3], $0x80, s30, s11, $0xb8;
	[tilespmem:$0x1CC00] =	vst v63  }
0x118: {  	_ =	swait.ge [sflag:s10], $0x4000  }
0x119: {  	[sflag:s10] =	ssyncset.done $0x0  }
0x11a: {  	[sflag:s10] =	ssyncadd.s32 $0xFFFFC000  }
0x11b: {  	[tilespmem:s12], [sflag:$0x1] =	stream.indirect.gather [hbm4b:s4+s11], $0x80, s31, s11, $0xb8;
	[tilespmem:$0x1CC00] =	vst v63  }
0x11c: {  	_ =	swait.ge [sflag:s15], $0x4000  }
0x11d: {  	[sflag:s15] =	ssyncset.done $0x0  }
0x11e: {  	[sflag:s15] =	ssyncadd.s32 $0xFFFFC000  }
0x11f: {  	[spmem:s1] =	stream.indirect.scatter.add.f32 [tilespmem:s13], [sflag:$0x3], $0x80, s0, s11, $0xb8;
	[tilespmem:$0x1CC00] =	vst v63  }
0x120: {  	_ =	swait.ge [sflag:s10], $0x4000  }
0x121: {  	[sflag:s10] =	ssyncset.done $0x0  }
0x122: {  	[sflag:s10] =	ssyncadd.s32 $0xFFFFC000  }
0x123: {  	[tilespmem:s13], [sflag:$0x2] =	stream.indirect.gather [hbm4b:s4+s11], $0x80, s2, s11, $0xb8;
	[tilespmem:$0x1CC00] =	vst v63  }
0x124: {  	_ =	swait.ge [sflag:s14], $0x4000  }
0x125: {  	[sflag:s14] =	ssyncset.done $0x0  }
0x126: {  	[sflag:s14] =	ssyncadd.s32 $0xFFFFC000  }
0x127: {  	[spmem:s1] =	stream.indirect.scatter.add.f32 [tilespmem:s12], [sflag:$0x3], $0x80, s5, s11, $0xb8;
	[tilespmem:$0x1CC00] =	vst v63  }
0x128: {  	_ =	swait.ge [sflag:s10], $0x4000  }
0x129: {  	[sflag:s10] =	ssyncset.done $0x0  }
0x12a: {  	p0 =	sne.s32 s6, $0x800;
	[sflag:s10] =	ssyncadd.s32 $0xFFFFC000  }
.Ltmp0:
0x12b: {  	_ =	swait.ge [sflag:s15], $0x4000;
	(pc) =	sbr.rel @p0 .LBB2_2-.Ltmp0, $4  }
0x12c: {  	[sflag:s15] =	ssyncset.done $0x0  }
0x12d: {  	[sflag:s15] =	ssyncadd.s32 $0xFFFFC000  }
0x12e: {  	[spmem:s1] =	stream.indirect.scatter.add.f32 [tilespmem:s13], [sflag:$0x3], $0x80, s7, s11, $0xb8;
	[tilespmem:$0x1CC00] =	vst v63  }
0x12f: {  	s6 =	sadd.s32 $0x200, s6;
	_ =	swait.ge [sflag:s10], $0x4000  }
0x130: {  	[sflag:s10] =	ssyncset.done $0x0  }
0x131: {  	[sflag:s10] =	ssyncadd.s32 $0xFFFFC000  }
0x132: {  	[bflag:$0x0] =	sbarrier.arrive $0xFFFF  }
0x133: {  	s9 =	rddreg [dreg:$0x11]  }
0x134: {  	s6 =	rddreg [dreg:$0x12]  }
0x135: {  	s8 =	rddreg [dreg:$0x14]  }
0x136: {  	[hbm:s6], [sflag:s9] =	dma.local [spmem:s8], $0x2780  }
0x137: {  	_ =	swait.ge [sflag:s10], $0x2780  }
0x138: {  	s6 =	rddreg [dreg:$0x15]  }
0x139: {  	s9 =	sadd.s32 $0x1, s6;
	s6 =	rddreg [dreg:$0x13]  }
0x13a: {  	p0 =	sne.s32 s9, s6  }
.Ltmp1:
0x13b: {  	_ = 	snop;
	(pc) =	sbr.rel @p0 .LBB2_1-.Ltmp1, $3  }
0x13c: {  	_ =	sdelay $0x1  }
0x13d: {  	[sflag:s10] =	ssyncset.done $0x0;
	[dreg:$0x15] =	wrdreg s9  }
0x13e: {  	[sflag:s10] =	ssyncadd.s32 $0xFFFFD880;
	s9 =	rddreg [dreg:$0x11]  }
0x13f: {  	_ =	sfence.sel $0x180000  }
0x140: {  	[bflag:$0x0] =	sbarrier.arrive $0xFFFF  }
0x141: {  	_ =	strace $0x9000004D  }
0x142: {  	s0 =	stileid.u32;
	[bflag:$0x2] =	sbarrier.arrive $0xFFFF  }
0x143: {  	p0 =	sne.s32 s0, $0x0;
	s0 =	rddreg [dreg:$0x3]  }
0x144: {  	s0 =	sadd.s32 @!p0 $0x100000, s0  }
0x145: {  	[sflag:s0] =	ssyncadd.tile.s32 @!p0 $0x1;
	_ =	shalt  }
.Lfunc_end2:
_tile_overlayer_lowered:
.L_overlay_start_2:
0x146: {  	(tag) =	ssettag $0x2  }
0x147: {  	s0 =	rddreg [dreg:$0x0];
	s2 =	stileid.u32  }
0x148: {  	s1 =	rddreg [dreg:$0x1];
	p0 =	sne.s32 s2, $0x0  }
0x149: {  	s3 =	rddreg [dreg:$0x2];
	[bflag:$0x3] =	sbarrier.arrive $0xFFFF;
	s2 =	simm.s32 @!p0 $0x1C03  }
0x14a: {  	[timem:s3], [sflag:s2] =	dma.local @!p0 [hbm:s0], s1  }
0x14b: {  	s0 =	simm.s32 @!p0 $0x3  }
0x14c: {  	_ =	swait.ge @!p0 [sflag:s0], s1  }
0x14d: {  	s1 =	ssub.s32 @!p0 $0x0, s1;
	[sflag:s0] =	ssyncset.done @!p0 $0x0  }
0x14e: {  	[sflag:s0] =	ssyncadd.s32 @!p0 s1  }
0x14f: {  	[bflag:$0x3] =	sbarrier.arrive $0xFFFF  }
0x150: {  	_ =	shalt  }

// kernel: kernel.7.cloned.1.call-start
scs
__scs_entry_jumppad:
0x0: {  	(pc) =	sbr.rel $0x88, $3  }
0x1: {  	(tag) =	ssettag $0x0;
	lr =	simm.s32 $0x1  }
0x2: {  	[smem:$0x3F9B] =	sst lr;
	_ =	strace $0xD0000000  }
0x3: {  	_ = 	snop  }
0x4: {  	_ = 	snop  }
0x5: {  	_ = 	snop  }
0x6: {  	_ = 	snop  }
0x7: {  	_ = 	snop  }
__scs_overlays_trampoline_lowered:
0x8: {  	[smem:$0x3FAA] =	sst s0  }
0x9: {  	[smem:$0x3FAB] =	sst s1  }
0xa: {  	[smem:$0x3FAC] =	sst s2  }
0xb: {  	[smem:$0x3FAD] =	sst s3  }
0xc: {  	[smem:$0x3FAE] =	sst s4  }
0xd: {  	[smem:$0x3FAF] =	sst s5  }
0xe: {  	[smem:$0x3FB0] =	sst s6  }
0xf: {  	[smem:$0x3FB1] =	sst s7  }
0x10: {  	[smem:$0x3FB2] =	sst s8  }
0x11: {  	[smem:$0x3FB3] =	sst s9;
	s0 =	simm.s32 @!p0 $0x0  }
0x12: {  	s1 =	sld [smem:$0x3F99];
	s0 =	simm.s32 @p0 $0x1  }
0x13: {  	[smem:$0x3FB4] =	sst s0;
	s0 =	simm.s32 @!p1 $0x0  }
0x14: {  	s2 =	sld [smem:$0x3F98];
	s0 =	simm.s32 @p1 $0x1  }
0x15: {  	[smem:$0x3FB5] =	sst s0;
	s0 =	simm.s32 @!p2 $0x0  }
0x16: {  	s3 =	sld [smem:$0x3FDB];
	s0 =	simm.s32 @p2 $0x1  }
0x17: {  	s4 =	simm.s32 $0x1BF5;
	[smem:$0x3FB7] =	sst s0  }
0x18: {  	s0 =	sld [smem:$0x3F9A];
	_ =	swait.ge [sflag:s4], $0x0  }
0x19: {  	s7 =	sld [smem:$0x3F9B]  }
0x1a: {  	s8 =	sadd.s32 $0xFFFFE003, lr  }
0x1b: {  	s9 =	sadd.s32 $0xFFFFFEF7, lr;
	s5 =	simm.s32 $0xFFFFFFFF;
	p2 =	slt.u32 s8, $0xFFFFF086  }
0x1c: {  	p1 =	slt.u32 s9, $0xF7A;
	s5 =	simm.s32 @!p2 $0x0  }
0x1d: {  	s5 =	simm.s32 @p1 $0x1;
	p0 =	seq.s32 s7, s2  }
0x1e: {  	s7 =	smul.u32 @!p0 $0xF7A, s2;
	p2 =	seq.s32 @!p0 s5, $0x0  }
0x1f: {  	s9 =	smul.u32 $0xF7A, s1;
	s8 =	simm.s32 @!p0 $0x1BF5;
	p2 =	por !p2, p0  }
0x20: {  	[sflag:s8] =	ssyncset.s32 @!p0 $0xFFFFF086;
	s6 =	sadd.s32 @!p0 s3, s7;
	s7 =	simm.s32 @!p0 $0x108  }
0x21: {  	s3 =	sadd.s32 s3, s9;
	s6 =	sadd.s32 @!p0 $0x88, s6;
	s7 =	simm.s32 @p2 $0x1082  }
0x22: {  	[simem:s7], [sflag:s8] =	dma.local @!p0 [hbm:s6], $0xF7A  }
0x23: {  	s9 =	sor.u32 $0xD0000000, s2;
	s6 =	simm.s32 $0x108;
	_ =	swait.ge @!p0 [sflag:s8], $0x0  }
0x24: {  	s3 =	sadd.s32 $0x88, s3;
	s6 =	simm.s32 @!p1 $0x1082;
	[sflag:s4] =	ssyncset.s32 $0xFFFFF086  }
0x25: {  	[simem:s6], [sflag:s4] =	dma.local [hbm:s3], $0xF7A  }
0x26: {  	[smem:$0x3F9B] =	sst s1;
	(tag) =	ssettag s2;
	_ =	strace s9  }
0x27: {  	s1 =	sld [smem:$0x3FAB]  }
0x28: {  	s2 =	sld [smem:$0x3FAC]  }
0x29: {  	s4 =	sld [smem:$0x3FAE]  }
0x2a: {  	p0 =	seq.s32 s5, $0x0;
	s5 =	sld [smem:$0x3FAF]  }
0x2b: {  	s6 =	sld [smem:$0x3FB0]  }
0x2c: {  	s7 =	sld [smem:$0x3FB1]  }
0x2d: {  	s3 =	simm.s32 $0x108;
	s8 =	sld [smem:$0x3FB2]  }
0x2e: {  	s3 =	simm.s32 @!p0 $0x1082;
	s9 =	sld [smem:$0x3FB3]  }
0x2f: {  	lr =	sadd.s32 s0, s3;
	s0 =	sld [smem:$0x3FAA]  }
0x30: {  	s3 =	sld [smem:$0x3FAD]  }
0x31: {  	[smem:$0x3FB6] =	sst s10  }
0x32: {  	s10 =	sld [smem:$0x3FB4];
	_ =	sdelay $0x3  }
0x33: {  	p0 =	seq.s32 s10, $0x1;
	s10 =	sld [smem:$0x3FB6];
	_ =	sdelay $0x3  }
0x34: {  	[smem:$0x3FB6] =	sst s10  }
0x35: {  	s10 =	sld [smem:$0x3FB5];
	_ =	sdelay $0x3  }
0x36: {  	p1 =	seq.s32 s10, $0x1;
	s10 =	sld [smem:$0x3FB6];
	_ =	sdelay $0x3  }
0x37: {  	[smem:$0x3FB6] =	sst s10  }
0x38: {  	s10 =	sld [smem:$0x3FB7]  }
0x39: {  	_ = 	snop;
	(pc) =	sbr.ind lr, $3  }
0x3a: {  	_ = 	snop  }
0x3b: {  	_ = 	snop  }
0x3c: {  	p2 =	seq.s32 s10, $0x1;
	s10 =	sld [smem:$0x3FB6]  }
0x3d: {  	_ =	shalt  }
0x3e: {  	_ =	shalt  }
0x3f: {  	_ =	shalt  }
0x40: {  	_ =	shalt  }
0x41: {  	_ =	shalt  }
0x42: {  	_ =	shalt  }
0x43: {  	_ =	shalt  }
0x44: {  	_ =	shalt  }
0x45: {  	_ =	shalt  }
0x46: {  	_ =	shalt  }
0x47: {  	_ =	shalt  }
0x48: {  	_ =	shalt  }
0x49: {  	_ =	shalt  }
0x4a: {  	_ =	shalt  }
0x4b: {  	_ =	shalt  }
0x4c: {  	_ =	shalt  }
0x4d: {  	_ =	shalt  }
0x4e: {  	_ =	shalt  }
0x4f: {  	_ =	shalt  }
0x50: {  	_ =	shalt  }
0x51: {  	_ =	shalt  }
0x52: {  	_ =	shalt  }
0x53: {  	_ =	shalt  }
0x54: {  	_ =	shalt  }
0x55: {  	_ =	shalt  }
0x56: {  	_ =	shalt  }
0x57: {  	_ =	shalt  }
0x58: {  	_ =	shalt  }
0x59: {  	_ =	shalt  }
0x5a: {  	_ =	shalt  }
0x5b: {  	_ =	shalt  }
0x5c: {  	_ =	shalt  }
0x5d: {  	_ =	shalt  }
0x5e: {  	_ =	shalt  }
0x5f: {  	_ =	shalt  }
0x60: {  	_ =	shalt  }
0x61: {  	_ =	shalt  }
0x62: {  	_ =	shalt  }
0x63: {  	_ =	shalt  }
0x64: {  	_ =	shalt  }
0x65: {  	_ =	shalt  }
0x66: {  	_ =	shalt  }
0x67: {  	_ =	shalt  }
0x68: {  	_ =	shalt  }
0x69: {  	_ =	shalt  }
0x6a: {  	_ =	shalt  }
0x6b: {  	_ =	shalt  }
0x6c: {  	_ =	shalt  }
0x6d: {  	_ =	shalt  }
0x6e: {  	_ =	shalt  }
0x6f: {  	_ =	shalt  }
0x70: {  	_ =	shalt  }
0x71: {  	_ =	shalt  }
0x72: {  	_ =	shalt  }
0x73: {  	_ =	shalt  }
0x74: {  	_ =	shalt  }
0x75: {  	_ =	shalt  }
0x76: {  	_ =	shalt  }
0x77: {  	_ =	shalt  }
0x78: {  	_ =	shalt  }
0x79: {  	_ =	shalt  }
0x7a: {  	_ =	shalt  }
0x7b: {  	_ =	shalt  }
0x7c: {  	_ =	shalt  }
0x7d: {  	_ =	shalt  }
0x7e: {  	_ =	shalt  }
0x7f: {  	_ =	shalt  }
0x80: {  	_ =	shalt  }
0x81: {  	_ =	shalt  }
0x82: {  	_ =	shalt  }
0x83: {  	_ =	shalt  }
0x84: {  	_ =	shalt  }
0x85: {  	_ =	shalt  }
0x86: {  	_ =	shalt  }
0x87: {  	_ =	shalt  }
.Lfunc_end0:
.L_simem_size_0:
called_computation_lowered:
.L_overlay_start_0:
0x88: {  	s2 =	sld [smem:$0x3FD9]  }
0x89: {  	s3 =	sld [smem:$0x3FFE];
	_ =	sdelay $0x1  }
0x8a: {  	s1 =	srdreg.scid  }
0x8b: {  	s0 =	sand.u32 $0x1, s1  }
0x8c: {  	s17 =	sshll.u32 s0, $0xA;
	s2 =	sadd.s32 s3, s2  }
0x8d: {  	s2 =	sadd.s32 s2, s17  }
0x8e: {  	[smem:$0x3FC2] =	sst s2  }
0x8f: {  	_ = 	snop  }
0x90: {  	s2 =	sld [smem:$0x3FD0];
	(tm) =	ssettm $0x1  }
0x91: {  	s18 =	sld [smem:$0x3FFB];
	_ =	sdelay $0x3  }
0x92: {  	_ =	strace s18  }
0x93: {  	s3 =	sld [smem:$0x3FFC];
	_ =	sdelay $0x3  }
0x94: {  	_ =	strace s3  }
0x95: {  	s3 =	sld [smem:$0x3FFD];
	_ =	sdelay $0x3  }
0x96: {  	_ =	strace s3  }
0x97: {  	_ =	strace $0x8FFFFFFF  }
0x98: {  	s19 =	sld [smem:$0x3FDB];
	_ =	sdelay $0x1  }
0x99: {  	s4 =	simm.s32 $_scs_section_size  }
0x9a: {  	s5 =	simm.s32 $_size__tile_overlayer_lowered;
	s6 =	simm.s32 $_tile_overlayer_lowered  }
0x9b: {  	s22 =	simm.s32 $0x1BFF;
	s21 =	sshll.u32 s6, $0x1;
	s3 =	sadd.s32 s4, s19  }
0x9c: {  	s7 =	simm.s32 $0x0;
	s20 =	sshll.u32 s5, $0x1;
	s5 =	sadd.s32 s21, s3  }
0x9d: {  	[timem:s7], [sflag:s22] =	dma.local [hbm:s5], s20  }
0x9e: {  	_ =	swait.ge [sflag:s22], s20  }
0x9f: {  	s4 =	ssub.s32 $0x0, s20;
	[sflag:s22] =	ssyncset.done $0x0  }
0xa0: {  	[sflag:s22] =	ssyncadd.s32 s4;
	_ =	sdelay $0x1  }
0xa1: {  	s23 =	simm.s32 $0x1B8B  }
0xa2: {  	_ =	swait.ge [sflag:s23], $0x1  }
0xa3: {  	[sflag:s23] =	ssyncset.done $0x0  }
0xa4: {  	s25 =	simm.s32 $0x1B8E;
	s24 =	sld [smem:$0x3FFE];
	[sflag:s23] =	ssyncadd.s32 $0xFFFFFFFF  }
0xa5: {  	s26 =	simm.s32 $execute0_lowered;
	[smem:$0x3FD2] =	sst s25  }
0xa6: {  	s5 =	sshll.u32 s26, $0x1;
	_ =	strace $0x80000046;
	[dreg:$0x1] =	wrdreg $0xFFFFFFFF  }
0xa7: {  	s28 =	simm.s32 $_size_execute0_lowered;
	s3 =	sadd.s32 s3, s5;
	[dreg:$0x0] =	wrdreg $0x0  }
0xa8: {  	s5 =	sshll.u32 s28, $0x1;
	[dreg:$0x2] =	wrdreg s3  }
0xa9: {  	[dreg:$0x3] =	wrdreg s5  }
0xaa: {  	[dreg:$0x4] =	wrdreg $0xC0  }
0xab: {  	_ =	task [dreg:s7], $0x5FFFF  }
0xac: {  	[dreg:$0x1] =	wrdreg $0xFFFFFFFF  }
0xad: {  	[dreg:$0x0] =	wrdreg $0x60  }
0xae: {  	[dreg:$0x2] =	wrdreg s2  }
0xaf: {  	[dreg:$0x3] =	wrdreg s24  }
0xb0: {  	[dreg:$0x4] =	wrdreg $0x90000  }
0xb1: {  	[dreg:$0x5] =	wrdreg $0x9  }
0xb2: {  	_ =	task.clear_ibuf [dreg:s7], $0x6FFFF;
	_ =	strace $0x90000046  }
0xb3: {  	s29 =	simm.s32 $0x9;
	_ =	strace $0x80000048  }
0xb4: {  	_ =	swait.ge [sflag:s29], $0x1  }
0xb5: {  	[sflag:s29] =	ssyncadd.s32 $0xFFFFFFFF  }
0xb6: {  	_ =	strace $0x90000048  }
0xb7: {  	_ =	sfence  }
0xb8: {  	s30 =	sld [smem:$0x0];
	_ =	sdelay $0x2  }
0xb9: {  	s31 =	sshll.u32 s1, $0xD;
	s1 =	sshrl.u32 s1, $0x2  }
0xba: {  	s3 =	sand.u32 $0x4000, s31;
	s1 =	sadd.s32 s1, s30  }
0xbb: {  	s0 =	sor.u32 s3, s0;
	s1 =	sshll.u32 s1, $0x11  }
0xbc: {  	s0 =	sor.u32 s1, s0  }
0xbd: {  	s0 =	sadd.s32 $0x8F2B, s0  }
0xbe: {  	[sflag:s0] =	ssyncadd.remote.s32 $0x1  }
0xbf: {  	_ =	sfence.sel $0xFFFF  }
0xc0: {  	[dreg:$0x0] =	wrdreg $0xFFFFFFFF;
	(pc) =	sbr.abs _section_cstart, $3  }
0xc1: {  	[dreg:$0x1] =	wrdreg $0xFFFFFFFF  }
0xc2: {  	_ =	task.clear_ibuf [dreg:s7], $0x2FFFF;
	_ =	strace $0x9FFFFFFF  }
0xc3: {  	(tm) =	ssettm $0x7FFFFFFF  }
tec
execute0_lowered:
.L_overlay_start_1:
0x0: {  	(tag) =	ssettag $0x1  }
0x1: {  	s5 =	rddreg [dreg:$0x0]  }
0x2: {  	s4 =	rddreg [dreg:$0x1]  }
0x3: {  	s2 =	rddreg [dreg:$0x2]  }
0x4: {  	s0 =	rddreg [dreg:$0x3];
	s6 =	srdreg.scid  }
0x5: {  	s1 =	stileid.u32;
	s3 =	simm.s32 $0x0;
	s13 =	simm.s32 $0x5000  }
0x6: {  	s14 =	simm.s32 $0x80;
	s15 =	simm.s32 $0x1;
	s7 =	smul.u32 $0x2780, s1  }
0x7: {  	s18 =	simm.s32 $0x0;
	s6 =	sand.u32 $0x1, s6;
	s10 =	smul.u32 $0x4F000, s1  }
0x8: {  	[smem:$0x7FF] =	sst s3;
	s16 =	sshll.u32 s1, $0x6;
	s8 =	smul.u32 $0x27800, s6  }
0x9: {  	_ =	strace $0x80000047;
	s9 =	sshll.u32 s6, $0x4;
	s6 =	ssub.s32 $0x2, s6  }
0xa: {  	s16 =	sor.u32 $0x1C02, s16;
	s30 =	sor.u32 s1, s9;
	s31 =	sshrl.u32 s6, $0x1  }
0xb: {  	s10 =	sshrl.u32 s10, $0x2;
	s7 =	sadd.s32 s7, s8;
	s8 =	smul.u32 $0xA00, s30  }
0xc: {  	s12 =	ssub.s32 s6, s31;
	s11 =	sadd.s32 s7, s4;
	s4 =	sadd.s32 s10, s2  }
0xd: {  	s5 =	sadd.s32 s5, s8;
	s6 =	sadd.s32 $0x4000, s4;
	s7 =	sadd.s32 $0x8000, s4  }
0xe: {  	s8 =	sadd.s32 $0xC000, s4;
	s9 =	sadd.s32 $0x10000, s4;
	s10 =	sadd.s32 $0x1400, s11  }
0xf: {  	v0 =	vimm.f32 $0.0e+00;
	v1 =	vimm.f32 $1.000000000e+00;
	s11 =	smax.u32 s12, $0x1;
	s12 =	simm.s32 $0x2;
	s17 =	sshrl.u32 s4, $0x3  }
.LBB2_1:
0x10: {  	[tilespmem:s3], [sflag:$0x2] =	stream.linear.gather [hbm4b:s5+s3], $0x5000, $0x38;
	[tilespmem:$0x1CC00] =	vst v63  }
0x11: {  	_ =	swait.ge [sflag:s12], $0x5000  }
0x12: {  	[sflag:s12] =	ssyncset.done $0x0  }
0x13: {  	s19 =	simm.s32 $0x0;
	s20 =	simm.s32 $0x200;
	[sflag:s12] =	ssyncadd.s32 $0xFFFFB000  }
.LBB2_2:
0x14: {  	p0 =	sne.s32 s20, $0xFE00;
	[tilespmem:s19+$0x5070] =	vst v0  }
0x15: {  	[tilespmem:s19+$0x5000] =	vst v0  }
0x16: {  	[tilespmem:s19+$0x5010] =	vst v0  }
.Ltmp0:
0x17: {  	[tilespmem:s19+$0x5020] =	vst v0;
	(pc) =	sbr.rel @p0 .LBB2_2-.Ltmp0, $4  }
0x18: {  	[tilespmem:s19+$0x5030] =	vst v0  }
0x19: {  	[tilespmem:s19+$0x5040] =	vst v0  }
0x1a: {  	[tilespmem:s19+$0x5050] =	vst v0  }
0x1b: {  	[tilespmem:s19+$0x5060] =	vst v0;
	s19 =	sshra.s32 s20, $0x2;
	s20 =	sadd.s32 $0x200, s20  }
0x1c: {  	[tilespmem:s19+$0x5070] =	vst v0  }
0x1d: {  	[tilespmem:s19+$0x5000] =	vst v0  }
0x1e: {  	[tilespmem:s19+$0x5010] =	vst v0  }
0x1f: {  	[tilespmem:s19+$0x5020] =	vst v0  }
0x20: {  	[tilespmem:s19+$0x5030] =	vst v0  }
0x21: {  	[tilespmem:s19+$0x5040] =	vst v0  }
0x22: {  	[tilespmem:s19+$0x5050] =	vst v0  }
0x23: {  	[tilespmem:s19+$0x5060] =	vst v0  }
0x24: {  	[spmem:s4] =	stream.linear.scatter [tilespmem:s13], [sflag:$0x2], $0x4000, $0x38;
	[tilespmem:$0x1CC00] =	vst v63  }
0x25: {  	_ =	swait.ge [sflag:s12], $0x4000  }
0x26: {  	[sflag:s12] =	ssyncset.done $0x0  }
0x27: {  	[sflag:s12] =	ssyncadd.s32 $0xFFFFC000  }
0x28: {  	[spmem:s6] =	stream.linear.scatter [tilespmem:s13], [sflag:$0x2], $0x4000, $0x38;
	[tilespmem:$0x1CC00] =	vst v63  }
0x29: {  	_ =	swait.ge [sflag:s12], $0x4000  }
0x2a: {  	[sflag:s12] =	ssyncset.done $0x0  }
0x2b: {  	[sflag:s12] =	ssyncadd.s32 $0xFFFFC000  }
0x2c: {  	[spmem:s7] =	stream.linear.scatter [tilespmem:s13], [sflag:$0x2], $0x4000, $0x38;
	[tilespmem:$0x1CC00] =	vst v63  }
0x2d: {  	_ =	swait.ge [sflag:s12], $0x4000  }
0x2e: {  	[sflag:s12] =	ssyncset.done $0x0  }
0x2f: {  	[sflag:s12] =	ssyncadd.s32 $0xFFFFC000  }
0x30: {  	[spmem:s8] =	stream.linear.scatter [tilespmem:s13], [sflag:$0x2], $0x4000, $0x38;
	[tilespmem:$0x1CC00] =	vst v63  }
0x31: {  	_ =	swait.ge [sflag:s12], $0x4000  }
0x32: {  	[sflag:s12] =	ssyncset.done $0x0  }
0x33: {  	[sflag:s12] =	ssyncadd.s32 $0xFFFFC000  }
0x34: {  	[spmem:s9] =	stream.linear.scatter [tilespmem:s13], [sflag:$0x2], $0x3C00, $0x38;
	[tilespmem:$0x1CC00] =	vst v63  }
0x35: {  	_ =	swait.ge [sflag:s12], $0x3C00  }
0x36: {  	[sflag:s12] =	ssyncset.done $0x0  }
0x37: {  	s19 =	simm.s32 $0x0;
	s20 =	simm.s32 $0x200;
	[sflag:s12] =	ssyncadd.s32 $0xFFFFC400  }
.LBB2_4:
0x38: {  	p0 =	sne.s32 s20, $0xFE00;
	[tilespmem:s19+$0x5070] =	vst v1  }
0x39: {  	[tilespmem:s19+$0x5000] =	vst v1  }
0x3a: {  	[tilespmem:s19+$0x5010] =	vst v1  }
.Ltmp1:
0x3b: {  	[tilespmem:s19+$0x5020] =	vst v1;
	(pc) =	sbr.rel @p0 .LBB2_4-.Ltmp1, $4  }
0x3c: {  	[tilespmem:s19+$0x5030] =	vst v1  }
0x3d: {  	[tilespmem:s19+$0x5040] =	vst v1  }
0x3e: {  	[tilespmem:s19+$0x5050] =	vst v1  }
0x3f: {  	[tilespmem:s19+$0x5060] =	vst v1;
	s19 =	sshra.s32 s20, $0x2;
	s20 =	sadd.s32 $0x200, s20  }
0x40: {  	[tilespmem:s19+$0x5070] =	vst v1  }
0x41: {  	[tilespmem:s19+$0x5000] =	vst v1  }
0x42: {  	[tilespmem:s19+$0x5010] =	vst v1  }
0x43: {  	[tilespmem:s19+$0x5020] =	vst v1  }
0x44: {  	[tilespmem:s19+$0x5030] =	vst v1  }
0x45: {  	[tilespmem:s19+$0x5040] =	vst v1  }
0x46: {  	[tilespmem:s19+$0x5050] =	vst v1  }
0x47: {  	[tilespmem:s19+$0x5060] =	vst v1  }
0x48: {  	s19 =	simm.s32 $0x200;
	[bflag:$0x0] =	sbarrier.arrive $0xFFFF  }
.LBB2_6:
0x49: {  	p0 =	sne.s32 s19, $0x13E00  }
.Ltmp2:
0x4a: {  	_ = 	snop;
	(pc) =	sbr.rel @p0 .LBB2_6-.Ltmp2, $3  }
0x4b: {  	_ =	sdelay $0x1  }
0x4c: {  	s20 =	sshra.s32 s19, $0x2;
	s19 =	sadd.s32 $0x400, s19  }
0x4d: {  	[spmem:s2] =	stream.indirect.scatter.add.f32 [tilespmem:s13], [sflag:$0x1], $0x80, s20, s14, $0xb8;
	[tilespmem:$0x1CC00] =	vst v63  }
0x4e: {  	_ =	swait.ge [sflag:s15], $0x4000  }
0x4f: {  	s19 =	simm.s32 $0x4F;
	[sflag:s15] =	ssyncset.done $0x0  }
.LBB2_8:
0x50: {  	p0 =	sne.s32 s19, $0x1;
	s19 =	sadd.s32 $0xFFFFFFFF, s19;
	[sflag:s15] =	ssyncadd.s32 $0xFFFFC000  }
.Ltmp3:
0x51: {  	(pc) =	sbr.rel @p0 .LBB2_8-.Ltmp3, $3  }
0x52: {  	_ =	sdelay $0x1  }
0x53: {  	_ =	swait.ge [sflag:s15], $0x4000  }
0x54: {  	[sflag:s15] =	ssyncset.done $0x0  }
0x55: {  	s18 =	sadd.s32 $0x1, s18  }
0x56: {  	[sflag:s15] =	ssyncadd.s32 $0xFFFFC000;
	p0 =	sne.s32 s18, s11  }
.Ltmp4:
0x57: {  	[bflag:$0x0] =	sbarrier.arrive $0xFFFF;
	(pc) =	sbr.rel @p0 .LBB2_1-.Ltmp4, $4  }
0x58: {  	[hbm:s10], [sflag:s16] =	dma.local [spmem:s17], $0x2780  }
0x59: {  	_ =	swait.ge [sflag:s12], $0x2780  }
0x5a: {  	[sflag:s12] =	ssyncset.done $0x0  }
0x5b: {  	[sflag:s12] =	ssyncadd.s32 $0xFFFFD880  }
0x5c: {  	_ =	sfence.sel $0x180000  }
0x5d: {  	[bflag:$0x0] =	sbarrier.arrive $0xFFFF  }
0x5e: {  	p0 =	sne.s32 s1, $0x0;
	_ =	strace $0x90000047  }
0x5f: {  	s0 =	sadd.s32 @!p0 $0x100000, s0;
	[bflag:$0x2] =	sbarrier.arrive $0xFFFF  }
0x60: {  	[sflag:s0] =	ssyncadd.tile.s32 @!p0 $0x1;
	_ =	shalt  }
.Lfunc_end2:
_tile_overlayer_lowered:
.L_overlay_start_2:
0x61: {  	(tag) =	ssettag $0x2  }
0x62: {  	s0 =	rddreg [dreg:$0x0];
	s2 =	stileid.u32  }
0x63: {  	s1 =	rddreg [dreg:$0x1];
	p0 =	sne.s32 s2, $0x0  }
0x64: {  	s3 =	rddreg [dreg:$0x2];
	[bflag:$0x3] =	sbarrier.arrive $0xFFFF;
	s2 =	simm.s32 @!p0 $0x1C02  }
0x65: {  	[timem:s3], [sflag:s2] =	dma.local @!p0 [hbm:s0], s1  }
0x66: {  	s0 =	simm.s32 @!p0 $0x2  }
0x67: {  	_ =	swait.ge @!p0 [sflag:s0], s1  }
0x68: {  	s1 =	ssub.s32 @!p0 $0x0, s1;
	[sflag:s0] =	ssyncset.done @!p0 $0x0  }
0x69: {  	[sflag:s0] =	ssyncadd.s32 @!p0 s1  }
0x6a: {  	[bflag:$0x3] =	sbarrier.arrive $0xFFFF  }
0x6b: {  	_ =	shalt  }

</sc_bundles>
